<compile_context>
chip_gen: v7x
topology: tpu7x:2x2x1
jax: 0.10.2.dev20260603
libtpu: 0.0.44.dev20260713+nightly
codegen_flags: <defaults>
</compile_context>

<pallas_src>
import jax
import jax.numpy as jnp
from jax import lax
from jax.experimental import pallas as pl
from jax.experimental.pallas import tpu as pltpu
from jax.experimental.pallas import tpu_sc as plsc

SEQ_LEN = 200
BATCH = 4096
VOCAB = 1000000
EMBED_DIM = 64
OUTPUT_DIM = 2
NUM_CORES = 2
NUM_SUBCORES = 16
NUM_WORKERS = NUM_CORES * NUM_SUBCORES
B_PER_W = BATCH // NUM_WORKERS
PROJ_BLK = 32768


def _proj_body(w_ref, x_ref, b_ref, o0_ref, o1_ref):
  inv = jnp.float32(1.0 / SEQ_LEN)
  y = jnp.dot(w_ref[...] * inv, x_ref[...],
              preferred_element_type=jnp.float32)
  o0_ref[...] = y[0] + b_ref[0] * inv
  o1_ref[...] = y[1] + b_ref[1] * inv


def _project_table(table_t, fc_w, fc_b):
  grid = (VOCAB + PROJ_BLK - 1) // PROJ_BLK
  vec = jax.ShapeDtypeStruct((VOCAB,), jnp.float32)
  return pl.pallas_call(
      _proj_body,
      grid=(grid,),
      in_specs=[
          pl.BlockSpec((OUTPUT_DIM, EMBED_DIM), lambda i: (0, 0)),
          pl.BlockSpec((EMBED_DIM, PROJ_BLK), lambda i: (0, i)),
          pl.BlockSpec(memory_space=pltpu.SMEM),
      ],
      out_specs=[
          pl.BlockSpec((PROJ_BLK,), lambda i: (i,)),
          pl.BlockSpec((PROJ_BLK,), lambda i: (i,)),
      ],
      out_shape=[vec, vec],
  )(fc_w, table_t, fc_b)


LANES = 16
N_ACC = OUTPUT_DIM * B_PER_W // LANES


NBUF = 5


def _sc_body(text_ref, p0_ref, p1_ref, out_ref, idx_v, *bufs_sems):
  bufs = bufs_sems[:NBUF]
  sems = bufs_sems[NBUF:]
  sid = lax.axis_index("s")
  wid = sid * NUM_CORES + lax.axis_index("c")
  base = wid * B_PER_W

  pltpu.sync_copy(text_ref.at[:, pl.ds(base, B_PER_W)], idx_v)

  def start(t, j):
    pltpu.async_copy(p0_ref.at[idx_v.at[t]], bufs[j].at[0], sems[j])
    pltpu.async_copy(p1_ref.at[idx_v.at[t]], bufs[j].at[1], sems[j])

  def wait(j):
    pltpu.make_async_copy(p0_ref.at[idx_v.at[0]], bufs[j].at[0], sems[j]).wait()
    pltpu.make_async_copy(p1_ref.at[idx_v.at[0]], bufs[j].at[1], sems[j]).wait()

  def loads(j):
    flat = []
    for o in range(OUTPUT_DIM):
      for c in range(B_PER_W // LANES):
        flat.append(bufs[j][o, pl.ds(c * LANES, LANES)])
    return flat

  def add(acc, j):
    return [a + v for a, v in zip(acc, loads(j))]

  for j in range(NBUF):
    start(j, j)
  wait(0)
  acc = loads(0)
  start(NBUF, 0)
  for j in range(1, NBUF):
    wait(j)
    acc = add(acc, j)
    start(NBUF + j, j)

  def body(g, acc):
    for j in range(NBUF):
      wait(j)
      acc = add(acc, j)
      start(NBUF * g + NBUF + j, j)
    return acc

  acc = lax.fori_loop(1, SEQ_LEN // NBUF - 1, body, acc)

  for j in range(NBUF):
    wait(j)
    acc = add(acc, j)

  k = 0
  for o in range(OUTPUT_DIM):
    for c in range(B_PER_W // LANES):
      bufs[0][o, pl.ds(c * LANES, LANES)] = acc[k]
      k += 1
  pltpu.sync_copy(bufs[0], out_ref.at[:, pl.ds(base, B_PER_W)])


def _sc_embed_bag(text, proj0, proj1):
  mesh = plsc.VectorSubcoreMesh(core_axis_name="c", subcore_axis_name="s")
  return pl.kernel(
      _sc_body,
      out_type=jax.ShapeDtypeStruct((OUTPUT_DIM, BATCH), jnp.float32),
      mesh=mesh,
      scratch_types=[
          pltpu.VMEM((SEQ_LEN, B_PER_W), jnp.int32),
      ] + [
          pltpu.VMEM((OUTPUT_DIM, B_PER_W), jnp.float32)
          for _ in range(NBUF)
      ] + [
          pltpu.SemaphoreType.DMA
          for _ in range(NBUF)
      ],
      compiler_params=pltpu.CompilerParams(use_tc_tiling_on_sc=False),
  )(text, proj0, proj1)


@jax.jit
def kernel(text, embed_table, fc_w, fc_b):
  text = text.astype(jnp.int32)
  proj0, proj1 = _project_table(embed_table.T, fc_w, fc_b)
  out = _sc_embed_bag(text, proj0, proj1)
  return out.T

# --- scband reference (transcript-rebuilt; emitter-appended) ---
"""Pipeline reference for scband-word-avg-model-85100482003320 (READ-ONLY COPY).

The authoritative reference and input builder live on the scoring server;
editing this copy changes nothing except your own understanding.
"""

import jax, jax.numpy as jnp
import numpy as np

VOCAB = 1000000
EMBED_DIM = 64
OUTPUT_DIM = 2
SEQ_LEN = 200
BATCH = 4096


def setup_inputs(seed: int = 0) -> dict:
    key = jax.random.key(seed)
    k1, k2, k3, k4 = jax.random.split(key, 4)
    text = jax.random.randint(k1, (SEQ_LEN, BATCH), 0, VOCAB, dtype=jnp.int64 if jax.config.jax_enable_x64 else jnp.int32)
    embed_table = jax.random.normal(k2, (VOCAB, EMBED_DIM), dtype=jnp.float32) * 0.02
    fc_w = jax.random.normal(k3, (OUTPUT_DIM, EMBED_DIM), dtype=jnp.float32) * (1.0 / np.sqrt(EMBED_DIM))
    fc_b = jax.random.normal(k4, (OUTPUT_DIM,), dtype=jnp.float32) * 0.01
    return {"text": text, "embed_table": embed_table, "fc_w": fc_w, "fc_b": fc_b}


def reference(text, embed_table, fc_w, fc_b):
    # embedding lookup: [L, B] -> [L, B, D]
    embed = jnp.take(embed_table, text, axis=0)
    # dropout is identity in eval mode
    # permute(1, 0, 2): [L, B, D] -> [B, L, D]
    embed = jnp.transpose(embed, (1, 0, 2))
    # avg_pool2d over (L, 1) then squeeze: mean over sequence dim -> [B, D]
    pooled = jnp.mean(embed, axis=1)
    # fc: [B, D] @ [D, O] + [O]
    return pooled @ fc_w.T + fc_b

if __name__ == "__main__":
    import jax
    _d = setup_inputs()
    print(jax.jit(kernel)(*tuple(_d.values())))

</pallas_src>

<mosaic_0001>
#map = affine_map<(d0, d1) -> (0, 0)>
#map1 = affine_map<(d0, d1) -> (0)>
module attributes {stable_mosaic.version = 14 : i64} {
  func.func @_sc_body(%arg0: i32, %arg1: i32, %arg2: memref<200x4096xi32, #tpu.memory_space<hbm>>, %arg3: memref<1000000xf32, #tpu.memory_space<hbm>>, %arg4: memref<1000000xf32, #tpu.memory_space<hbm>>, %arg5: memref<2x4096xf32, #tpu.memory_space<hbm>>, %arg6: memref<200x128xi32, #tpu.memory_space<vmem>>, %arg7: memref<2x128xf32, #tpu.memory_space<vmem>>, %arg8: memref<2x128xf32, #tpu.memory_space<vmem>>, %arg9: memref<2x128xf32, #tpu.memory_space<vmem>>, %arg10: memref<2x128xf32, #tpu.memory_space<vmem>>, %arg11: memref<2x128xf32, #tpu.memory_space<vmem>>, %arg12: memref<!tpu.dma_semaphore, #tpu.memory_space<semaphore_mem>>, %arg13: memref<!tpu.dma_semaphore, #tpu.memory_space<semaphore_mem>>, %arg14: memref<!tpu.dma_semaphore, #tpu.memory_space<semaphore_mem>>, %arg15: memref<!tpu.dma_semaphore, #tpu.memory_space<semaphore_mem>>, %arg16: memref<!tpu.dma_semaphore, #tpu.memory_space<semaphore_mem>>) attributes {dimension_semantics = [#tpu.dimension_semantics<core_parallel>, #tpu.dimension_semantics<subcore_parallel>], iteration_bounds = array<i64: 2, 16>, scalar_prefetch = 0 : i64, scratch_operands = 11 : i64, tpu.core_type = #tpu.core_type<sc_vector_subcore>, window_params = [{transform_indices = #map}, {transform_indices = #map1}, {transform_indices = #map1}, {transform_indices = #map}]} {
    %mul3A = arith.constant 2 : i32
    %mul3A_0 = arith.muli %arg1, %mul3A : i32
    %add3A = arith.addi %mul3A_0, %arg0 : i32
    %mul3A_1 = arith.constant 128 : i32
    %mul3A_2 = arith.muli %add3A, %mul3A_1 : i32
    "tpu.region"() ({
      %run_scoped3A = tpu.sem_alloc : memref<!tpu.dma_semaphore, #tpu.memory_space<semaphore_mem>>
      %dma_start3A_1444 = arith.constant 0 : i32
      %dma_start3A_1445 = tpu.memref_slice %arg2[%dma_start3A_1444, %mul3A_2] : memref<200x4096xi32, #tpu.memory_space<hbm>> -> memref<200x128xi32, #tpu.memory_space<hbm>>
      %dma_start3A_1446 = arith.constant 0 : i32
      %dma_start3A_1447 = tpu.memref_slice %arg2[%dma_start3A_1446, %mul3A_2] : memref<200x4096xi32, #tpu.memory_space<hbm>> -> memref<200x128xi32, #tpu.memory_space<hbm>>
      tpu.enqueue_dma source(%dma_start3A_1447 : memref<200x128xi32, #tpu.memory_space<hbm>>) target(%arg6 : memref<200x128xi32, #tpu.memory_space<vmem>>) target_semaphore(%run_scoped3A : memref<!tpu.dma_semaphore, #tpu.memory_space<semaphore_mem>>)
      %dma_wait3A_1448 = arith.constant 0 : i32
      %dma_wait3A_1449 = tpu.memref_slice %arg2[%dma_wait3A_1448, %mul3A_2] : memref<200x4096xi32, #tpu.memory_space<hbm>> -> memref<200x128xi32, #tpu.memory_space<hbm>>
      %dma_wait3A_1450 = arith.constant 0 : i32
      %dma_wait3A_1451 = tpu.memref_slice %arg2[%dma_wait3A_1450, %mul3A_2] : memref<200x4096xi32, #tpu.memory_space<hbm>> -> memref<200x128xi32, #tpu.memory_space<hbm>>
      tpu.wait_dma2 semaphore(%run_scoped3A : memref<!tpu.dma_semaphore, #tpu.memory_space<semaphore_mem>>) src(%dma_wait3A_1451 : memref<200x128xi32, #tpu.memory_space<hbm>>) dst(%arg6 : memref<200x128xi32, #tpu.memory_space<vmem>>)
      tpu.yield
    }) : () -> ()
    %dma_start3A = arith.constant 0 : i32
    %dma_start3A_3 = arith.constant 0 : i32
    %dma_start3A_4 = arith.constant 0 : i32
    %dma_start3A_5 = tpu.memref_slice %arg7[%dma_start3A_3, %dma_start3A_4] : memref<2x128xf32, #tpu.memory_space<vmem>> -> memref<1x128xf32, #tpu.memory_space<vmem>>
    %dma_start3A_6 = tpu.memref_squeeze %dma_start3A_5 : memref<1x128xf32, #tpu.memory_space<vmem>> -> memref<128xf32, #tpu.memory_space<vmem>>
    %dma_start3A_7 = arith.constant 0 : i32
    %dma_start3A_8 = tpu.memref_slice %arg6[%dma_start3A, %dma_start3A_7] : memref<200x128xi32, #tpu.memory_space<vmem>> -> memref<1x128xi32, #tpu.memory_space<vmem>>
    %dma_start3A_9 = tpu.memref_squeeze %dma_start3A_8 : memref<1x128xi32, #tpu.memory_space<vmem>> -> memref<128xi32, #tpu.memory_space<vmem>>
    %dma_start3A_10 = arith.constant 0 : i32
    %dma_start3A_11 = tpu.memref_slice %arg3[%dma_start3A_10] : memref<1000000xf32, #tpu.memory_space<hbm>> -> memref<1000000xf32, #tpu.memory_space<hbm>>
    tpu.enqueue_indirect_dma source(%dma_start3A_11 : memref<1000000xf32, #tpu.memory_space<hbm>>) target(%dma_start3A_6 : memref<128xf32, #tpu.memory_space<vmem>>) offsets(%dma_start3A_9 : memref<128xi32, #tpu.memory_space<vmem>>) semaphore(%arg12 : memref<!tpu.dma_semaphore, #tpu.memory_space<semaphore_mem>>)
    %dma_start3A_12 = arith.constant 0 : i32
    %dma_start3A_13 = arith.constant 1 : i32
    %dma_start3A_14 = arith.constant 0 : i32
    %dma_start3A_15 = tpu.memref_slice %arg7[%dma_start3A_13, %dma_start3A_14] : memref<2x128xf32, #tpu.memory_space<vmem>> -> memref<1x128xf32, #tpu.memory_space<vmem>>
    %dma_start3A_16 = tpu.memref_squeeze %dma_start3A_15 : memref<1x128xf32, #tpu.memory_space<vmem>> -> memref<128xf32, #tpu.memory_space<vmem>>
    %dma_start3A_17 = arith.constant 0 : i32
    %dma_start3A_18 = tpu.memref_slice %arg6[%dma_start3A_12, %dma_start3A_17] : memref<200x128xi32, #tpu.memory_space<vmem>> -> memref<1x128xi32, #tpu.memory_space<vmem>>
    %dma_start3A_19 = tpu.memref_squeeze %dma_start3A_18 : memref<1x128xi32, #tpu.memory_space<vmem>> -> memref<128xi32, #tpu.memory_space<vmem>>
    %dma_start3A_20 = arith.constant 0 : i32
    %dma_start3A_21 = tpu.memref_slice %arg4[%dma_start3A_20] : memref<1000000xf32, #tpu.memory_space<hbm>> -> memref<1000000xf32, #tpu.memory_space<hbm>>
    tpu.enqueue_indirect_dma source(%dma_start3A_21 : memref<1000000xf32, #tpu.memory_space<hbm>>) target(%dma_start3A_16 : memref<128xf32, #tpu.memory_space<vmem>>) offsets(%dma_start3A_19 : memref<128xi32, #tpu.memory_space<vmem>>) semaphore(%arg12 : memref<!tpu.dma_semaphore, #tpu.memory_space<semaphore_mem>>)
    %dma_start3A_22 = arith.constant 1 : i32
    %dma_start3A_23 = arith.constant 0 : i32
    %dma_start3A_24 = arith.constant 0 : i32
    %dma_start3A_25 = tpu.memref_slice %arg8[%dma_start3A_23, %dma_start3A_24] : memref<2x128xf32, #tpu.memory_space<vmem>> -> memref<1x128xf32, #tpu.memory_space<vmem>>
    %dma_start3A_26 = tpu.memref_squeeze %dma_start3A_25 : memref<1x128xf32, #tpu.memory_space<vmem>> -> memref<128xf32, #tpu.memory_space<vmem>>
    %dma_start3A_27 = arith.constant 0 : i32
    %dma_start3A_28 = tpu.memref_slice %arg6[%dma_start3A_22, %dma_start3A_27] : memref<200x128xi32, #tpu.memory_space<vmem>> -> memref<1x128xi32, #tpu.memory_space<vmem>>
    %dma_start3A_29 = tpu.memref_squeeze %dma_start3A_28 : memref<1x128xi32, #tpu.memory_space<vmem>> -> memref<128xi32, #tpu.memory_space<vmem>>
    %dma_start3A_30 = arith.constant 0 : i32
    %dma_start3A_31 = tpu.memref_slice %arg3[%dma_start3A_30] : memref<1000000xf32, #tpu.memory_space<hbm>> -> memref<1000000xf32, #tpu.memory_space<hbm>>
    tpu.enqueue_indirect_dma source(%dma_start3A_31 : memref<1000000xf32, #tpu.memory_space<hbm>>) target(%dma_start3A_26 : memref<128xf32, #tpu.memory_space<vmem>>) offsets(%dma_start3A_29 : memref<128xi32, #tpu.memory_space<vmem>>) semaphore(%arg13 : memref<!tpu.dma_semaphore, #tpu.memory_space<semaphore_mem>>)
    %dma_start3A_32 = arith.constant 1 : i32
    %dma_start3A_33 = arith.constant 1 : i32
    %dma_start3A_34 = arith.constant 0 : i32
    %dma_start3A_35 = tpu.memref_slice %arg8[%dma_start3A_33, %dma_start3A_34] : memref<2x128xf32, #tpu.memory_space<vmem>> -> memref<1x128xf32, #tpu.memory_space<vmem>>
    %dma_start3A_36 = tpu.memref_squeeze %dma_start3A_35 : memref<1x128xf32, #tpu.memory_space<vmem>> -> memref<128xf32, #tpu.memory_space<vmem>>
    %dma_start3A_37 = arith.constant 0 : i32
    %dma_start3A_38 = tpu.memref_slice %arg6[%dma_start3A_32, %dma_start3A_37] : memref<200x128xi32, #tpu.memory_space<vmem>> -> memref<1x128xi32, #tpu.memory_space<vmem>>
    %dma_start3A_39 = tpu.memref_squeeze %dma_start3A_38 : memref<1x128xi32, #tpu.memory_space<vmem>> -> memref<128xi32, #tpu.memory_space<vmem>>
    %dma_start3A_40 = arith.constant 0 : i32
    %dma_start3A_41 = tpu.memref_slice %arg4[%dma_start3A_40] : memref<1000000xf32, #tpu.memory_space<hbm>> -> memref<1000000xf32, #tpu.memory_space<hbm>>
    tpu.enqueue_indirect_dma source(%dma_start3A_41 : memref<1000000xf32, #tpu.memory_space<hbm>>) target(%dma_start3A_36 : memref<128xf32, #tpu.memory_space<vmem>>) offsets(%dma_start3A_39 : memref<128xi32, #tpu.memory_space<vmem>>) semaphore(%arg13 : memref<!tpu.dma_semaphore, #tpu.memory_space<semaphore_mem>>)
    %dma_start3A_42 = arith.constant 2 : i32
    %dma_start3A_43 = arith.constant 0 : i32
    %dma_start3A_44 = arith.constant 0 : i32
    %dma_start3A_45 = tpu.memref_slice %arg9[%dma_start3A_43, %dma_start3A_44] : memref<2x128xf32, #tpu.memory_space<vmem>> -> memref<1x128xf32, #tpu.memory_space<vmem>>
    %dma_start3A_46 = tpu.memref_squeeze %dma_start3A_45 : memref<1x128xf32, #tpu.memory_space<vmem>> -> memref<128xf32, #tpu.memory_space<vmem>>
    %dma_start3A_47 = arith.constant 0 : i32
    %dma_start3A_48 = tpu.memref_slice %arg6[%dma_start3A_42, %dma_start3A_47] : memref<200x128xi32, #tpu.memory_space<vmem>> -> memref<1x128xi32, #tpu.memory_space<vmem>>
    %dma_start3A_49 = tpu.memref_squeeze %dma_start3A_48 : memref<1x128xi32, #tpu.memory_space<vmem>> -> memref<128xi32, #tpu.memory_space<vmem>>
    %dma_start3A_50 = arith.constant 0 : i32
    %dma_start3A_51 = tpu.memref_slice %arg3[%dma_start3A_50] : memref<1000000xf32, #tpu.memory_space<hbm>> -> memref<1000000xf32, #tpu.memory_space<hbm>>
    tpu.enqueue_indirect_dma source(%dma_start3A_51 : memref<1000000xf32, #tpu.memory_space<hbm>>) target(%dma_start3A_46 : memref<128xf32, #tpu.memory_space<vmem>>) offsets(%dma_start3A_49 : memref<128xi32, #tpu.memory_space<vmem>>) semaphore(%arg14 : memref<!tpu.dma_semaphore, #tpu.memory_space<semaphore_mem>>)
    %dma_start3A_52 = arith.constant 2 : i32
    %dma_start3A_53 = arith.constant 1 : i32
    %dma_start3A_54 = arith.constant 0 : i32
    %dma_start3A_55 = tpu.memref_slice %arg9[%dma_start3A_53, %dma_start3A_54] : memref<2x128xf32, #tpu.memory_space<vmem>> -> memref<1x128xf32, #tpu.memory_space<vmem>>
    %dma_start3A_56 = tpu.memref_squeeze %dma_start3A_55 : memref<1x128xf32, #tpu.memory_space<vmem>> -> memref<128xf32, #tpu.memory_space<vmem>>
    %dma_start3A_57 = arith.constant 0 : i32
    %dma_start3A_58 = tpu.memref_slice %arg6[%dma_start3A_52, %dma_start3A_57] : memref<200x128xi32, #tpu.memory_space<vmem>> -> memref<1x128xi32, #tpu.memory_space<vmem>>
    %dma_start3A_59 = tpu.memref_squeeze %dma_start3A_58 : memref<1x128xi32, #tpu.memory_space<vmem>> -> memref<128xi32, #tpu.memory_space<vmem>>
    %dma_start3A_60 = arith.constant 0 : i32
    %dma_start3A_61 = tpu.memref_slice %arg4[%dma_start3A_60] : memref<1000000xf32, #tpu.memory_space<hbm>> -> memref<1000000xf32, #tpu.memory_space<hbm>>
    tpu.enqueue_indirect_dma source(%dma_start3A_61 : memref<1000000xf32, #tpu.memory_space<hbm>>) target(%dma_start3A_56 : memref<128xf32, #tpu.memory_space<vmem>>) offsets(%dma_start3A_59 : memref<128xi32, #tpu.memory_space<vmem>>) semaphore(%arg14 : memref<!tpu.dma_semaphore, #tpu.memory_space<semaphore_mem>>)
    %dma_start3A_62 = arith.constant 3 : i32
    %dma_start3A_63 = arith.constant 0 : i32
    %dma_start3A_64 = arith.constant 0 : i32
    %dma_start3A_65 = tpu.memref_slice %arg10[%dma_start3A_63, %dma_start3A_64] : memref<2x128xf32, #tpu.memory_space<vmem>> -> memref<1x128xf32, #tpu.memory_space<vmem>>
    %dma_start3A_66 = tpu.memref_squeeze %dma_start3A_65 : memref<1x128xf32, #tpu.memory_space<vmem>> -> memref<128xf32, #tpu.memory_space<vmem>>
    %dma_start3A_67 = arith.constant 0 : i32
    %dma_start3A_68 = tpu.memref_slice %arg6[%dma_start3A_62, %dma_start3A_67] : memref<200x128xi32, #tpu.memory_space<vmem>> -> memref<1x128xi32, #tpu.memory_space<vmem>>
    %dma_start3A_69 = tpu.memref_squeeze %dma_start3A_68 : memref<1x128xi32, #tpu.memory_space<vmem>> -> memref<128xi32, #tpu.memory_space<vmem>>
    %dma_start3A_70 = arith.constant 0 : i32
    %dma_start3A_71 = tpu.memref_slice %arg3[%dma_start3A_70] : memref<1000000xf32, #tpu.memory_space<hbm>> -> memref<1000000xf32, #tpu.memory_space<hbm>>
    tpu.enqueue_indirect_dma source(%dma_start3A_71 : memref<1000000xf32, #tpu.memory_space<hbm>>) target(%dma_start3A_66 : memref<128xf32, #tpu.memory_space<vmem>>) offsets(%dma_start3A_69 : memref<128xi32, #tpu.memory_space<vmem>>) semaphore(%arg15 : memref<!tpu.dma_semaphore, #tpu.memory_space<semaphore_mem>>)
    %dma_start3A_72 = arith.constant 3 : i32
    %dma_start3A_73 = arith.constant 1 : i32
    %dma_start3A_74 = arith.constant 0 : i32
    %dma_start3A_75 = tpu.memref_slice %arg10[%dma_start3A_73, %dma_start3A_74] : memref<2x128xf32, #tpu.memory_space<vmem>> -> memref<1x128xf32, #tpu.memory_space<vmem>>
    %dma_start3A_76 = tpu.memref_squeeze %dma_start3A_75 : memref<1x128xf32, #tpu.memory_space<vmem>> -> memref<128xf32, #tpu.memory_space<vmem>>
    %dma_start3A_77 = arith.constant 0 : i32
    %dma_start3A_78 = tpu.memref_slice %arg6[%dma_start3A_72, %dma_start3A_77] : memref<200x128xi32, #tpu.memory_space<vmem>> -> memref<1x128xi32, #tpu.memory_space<vmem>>
    %dma_start3A_79 = tpu.memref_squeeze %dma_start3A_78 : memref<1x128xi32, #tpu.memory_space<vmem>> -> memref<128xi32, #tpu.memory_space<vmem>>
    %dma_start3A_80 = arith.constant 0 : i32
    %dma_start3A_81 = tpu.memref_slice %arg4[%dma_start3A_80] : memref<1000000xf32, #tpu.memory_space<hbm>> -> memref<1000000xf32, #tpu.memory_space<hbm>>
    tpu.enqueue_indirect_dma source(%dma_start3A_81 : memref<1000000xf32, #tpu.memory_space<hbm>>) target(%dma_start3A_76 : memref<128xf32, #tpu.memory_space<vmem>>) offsets(%dma_start3A_79 : memref<128xi32, #tpu.memory_space<vmem>>) semaphore(%arg15 : memref<!tpu.dma_semaphore, #tpu.memory_space<semaphore_mem>>)
    %dma_start3A_82 = arith.constant 4 : i32
    %dma_start3A_83 = arith.constant 0 : i32
    %dma_start3A_84 = arith.constant 0 : i32
    %dma_start3A_85 = tpu.memref_slice %arg11[%dma_start3A_83, %dma_start3A_84] : memref<2x128xf32, #tpu.memory_space<vmem>> -> memref<1x128xf32, #tpu.memory_space<vmem>>
    %dma_start3A_86 = tpu.memref_squeeze %dma_start3A_85 : memref<1x128xf32, #tpu.memory_space<vmem>> -> memref<128xf32, #tpu.memory_space<vmem>>
    %dma_start3A_87 = arith.constant 0 : i32
    %dma_start3A_88 = tpu.memref_slice %arg6[%dma_start3A_82, %dma_start3A_87] : memref<200x128xi32, #tpu.memory_space<vmem>> -> memref<1x128xi32, #tpu.memory_space<vmem>>
    %dma_start3A_89 = tpu.memref_squeeze %dma_start3A_88 : memref<1x128xi32, #tpu.memory_space<vmem>> -> memref<128xi32, #tpu.memory_space<vmem>>
    %dma_start3A_90 = arith.constant 0 : i32
    %dma_start3A_91 = tpu.memref_slice %arg3[%dma_start3A_90] : memref<1000000xf32, #tpu.memory_space<hbm>> -> memref<1000000xf32, #tpu.memory_space<hbm>>
    tpu.enqueue_indirect_dma source(%dma_start3A_91 : memref<1000000xf32, #tpu.memory_space<hbm>>) target(%dma_start3A_86 : memref<128xf32, #tpu.memory_space<vmem>>) offsets(%dma_start3A_89 : memref<128xi32, #tpu.memory_space<vmem>>) semaphore(%arg16 : memref<!tpu.dma_semaphore, #tpu.memory_space<semaphore_mem>>)
    %dma_start3A_92 = arith.constant 4 : i32
    %dma_start3A_93 = arith.constant 1 : i32
    %dma_start3A_94 = arith.constant 0 : i32
    %dma_start3A_95 = tpu.memref_slice %arg11[%dma_start3A_93, %dma_start3A_94] : memref<2x128xf32, #tpu.memory_space<vmem>> -> memref<1x128xf32, #tpu.memory_space<vmem>>
    %dma_start3A_96 = tpu.memref_squeeze %dma_start3A_95 : memref<1x128xf32, #tpu.memory_space<vmem>> -> memref<128xf32, #tpu.memory_space<vmem>>
    %dma_start3A_97 = arith.constant 0 : i32
    %dma_start3A_98 = tpu.memref_slice %arg6[%dma_start3A_92, %dma_start3A_97] : memref<200x128xi32, #tpu.memory_space<vmem>> -> memref<1x128xi32, #tpu.memory_space<vmem>>
    %dma_start3A_99 = tpu.memref_squeeze %dma_start3A_98 : memref<1x128xi32, #tpu.memory_space<vmem>> -> memref<128xi32, #tpu.memory_space<vmem>>
    %dma_start3A_100 = arith.constant 0 : i32
    %dma_start3A_101 = tpu.memref_slice %arg4[%dma_start3A_100] : memref<1000000xf32, #tpu.memory_space<hbm>> -> memref<1000000xf32, #tpu.memory_space<hbm>>
    tpu.enqueue_indirect_dma source(%dma_start3A_101 : memref<1000000xf32, #tpu.memory_space<hbm>>) target(%dma_start3A_96 : memref<128xf32, #tpu.memory_space<vmem>>) offsets(%dma_start3A_99 : memref<128xi32, #tpu.memory_space<vmem>>) semaphore(%arg16 : memref<!tpu.dma_semaphore, #tpu.memory_space<semaphore_mem>>)
    %dma_wait3A = arith.constant 0 : i32
    %dma_wait3A_102 = arith.constant 0 : i32
    %dma_wait3A_103 = arith.constant 0 : i32
    %dma_wait3A_104 = tpu.memref_slice %arg7[%dma_wait3A_102, %dma_wait3A_103] : memref<2x128xf32, #tpu.memory_space<vmem>> -> memref<1x128xf32, #tpu.memory_space<vmem>>
    %dma_wait3A_105 = tpu.memref_squeeze %dma_wait3A_104 : memref<1x128xf32, #tpu.memory_space<vmem>> -> memref<128xf32, #tpu.memory_space<vmem>>
    %dma_wait3A_106 = arith.constant 0 : i32
    %dma_wait3A_107 = tpu.memref_slice %arg6[%dma_wait3A, %dma_wait3A_106] : memref<200x128xi32, #tpu.memory_space<vmem>> -> memref<1x128xi32, #tpu.memory_space<vmem>>
    %dma_wait3A_108 = tpu.memref_squeeze %dma_wait3A_107 : memref<1x128xi32, #tpu.memory_space<vmem>> -> memref<128xi32, #tpu.memory_space<vmem>>
    %dma_wait3A_109 = arith.constant 0 : i32
    %dma_wait3A_110 = tpu.memref_slice %arg3[%dma_wait3A_109] : memref<1000000xf32, #tpu.memory_space<hbm>> -> memref<1000000xf32, #tpu.memory_space<hbm>>
    tpu.wait_indirect_dma semaphore(%arg12 : memref<!tpu.dma_semaphore, #tpu.memory_space<semaphore_mem>>) src(%dma_wait3A_110 : memref<1000000xf32, #tpu.memory_space<hbm>>) dst(%dma_wait3A_105 : memref<128xf32, #tpu.memory_space<vmem>>)
    %dma_wait3A_111 = arith.constant 0 : i32
    %dma_wait3A_112 = arith.constant 1 : i32
    %dma_wait3A_113 = arith.constant 0 : i32
    %dma_wait3A_114 = tpu.memref_slice %arg7[%dma_wait3A_112, %dma_wait3A_113] : memref<2x128xf32, #tpu.memory_space<vmem>> -> memref<1x128xf32, #tpu.memory_space<vmem>>
    %dma_wait3A_115 = tpu.memref_squeeze %dma_wait3A_114 : memref<1x128xf32, #tpu.memory_space<vmem>> -> memref<128xf32, #tpu.memory_space<vmem>>
    %dma_wait3A_116 = arith.constant 0 : i32
    %dma_wait3A_117 = tpu.memref_slice %arg6[%dma_wait3A_111, %dma_wait3A_116] : memref<200x128xi32, #tpu.memory_space<vmem>> -> memref<1x128xi32, #tpu.memory_space<vmem>>
    %dma_wait3A_118 = tpu.memref_squeeze %dma_wait3A_117 : memref<1x128xi32, #tpu.memory_space<vmem>> -> memref<128xi32, #tpu.memory_space<vmem>>
    %dma_wait3A_119 = arith.constant 0 : i32
    %dma_wait3A_120 = tpu.memref_slice %arg4[%dma_wait3A_119] : memref<1000000xf32, #tpu.memory_space<hbm>> -> memref<1000000xf32, #tpu.memory_space<hbm>>
    tpu.wait_indirect_dma semaphore(%arg12 : memref<!tpu.dma_semaphore, #tpu.memory_space<semaphore_mem>>) src(%dma_wait3A_120 : memref<1000000xf32, #tpu.memory_space<hbm>>) dst(%dma_wait3A_115 : memref<128xf32, #tpu.memory_space<vmem>>)
    %get3A = arith.constant 0 : i32
    %get3A_121 = arith.index_cast %get3A : i32 to index
    %get3A_122 = arith.constant 0 : index
    %get3A_123 = tpu.vector_load %arg7[%get3A_121, %get3A_122] {strides = array<i32>} : memref<2x128xf32, #tpu.memory_space<vmem>>, vector<1x16xf32>,
    %get3A_124 = vector.shape_cast %get3A_123 : vector<1x16xf32> to vector<16xf32>
    %get3A_125 = arith.constant 0 : i32
    %get3A_126 = arith.index_cast %get3A_125 : i32 to index
    %get3A_127 = arith.constant 16 : index
    %get3A_128 = tpu.vector_load %arg7[%get3A_126, %get3A_127] {strides = array<i32>} : memref<2x128xf32, #tpu.memory_space<vmem>>, vector<1x16xf32>,
    %get3A_129 = vector.shape_cast %get3A_128 : vector<1x16xf32> to vector<16xf32>
    %get3A_130 = arith.constant 0 : i32
    %get3A_131 = arith.index_cast %get3A_130 : i32 to index
    %get3A_132 = arith.constant 32 : index
    %get3A_133 = tpu.vector_load %arg7[%get3A_131, %get3A_132] {strides = array<i32>} : memref<2x128xf32, #tpu.memory_space<vmem>>, vector<1x16xf32>,
    %get3A_134 = vector.shape_cast %get3A_133 : vector<1x16xf32> to vector<16xf32>
    %get3A_135 = arith.constant 0 : i32
    %get3A_136 = arith.index_cast %get3A_135 : i32 to index
    %get3A_137 = arith.constant 48 : index
    %get3A_138 = tpu.vector_load %arg7[%get3A_136, %get3A_137] {strides = array<i32>} : memref<2x128xf32, #tpu.memory_space<vmem>>, vector<1x16xf32>,
    %get3A_139 = vector.shape_cast %get3A_138 : vector<1x16xf32> to vector<16xf32>
    %get3A_140 = arith.constant 0 : i32
    %get3A_141 = arith.index_cast %get3A_140 : i32 to index
    %get3A_142 = arith.constant 64 : index
    %get3A_143 = tpu.vector_load %arg7[%get3A_141, %get3A_142] {strides = array<i32>} : memref<2x128xf32, #tpu.memory_space<vmem>>, vector<1x16xf32>,
    %get3A_144 = vector.shape_cast %get3A_143 : vector<1x16xf32> to vector<16xf32>
    %get3A_145 = arith.constant 0 : i32
    %get3A_146 = arith.index_cast %get3A_145 : i32 to index
    %get3A_147 = arith.constant 80 : index
    %get3A_148 = tpu.vector_load %arg7[%get3A_146, %get3A_147] {strides = array<i32>} : memref<2x128xf32, #tpu.memory_space<vmem>>, vector<1x16xf32>,
    %get3A_149 = vector.shape_cast %get3A_148 : vector<1x16xf32> to vector<16xf32>
    %get3A_150 = arith.constant 0 : i32
    %get3A_151 = arith.index_cast %get3A_150 : i32 to index
    %get3A_152 = arith.constant 96 : index
    %get3A_153 = tpu.vector_load %arg7[%get3A_151, %get3A_152] {strides = array<i32>} : memref<2x128xf32, #tpu.memory_space<vmem>>, vector<1x16xf32>,
    %get3A_154 = vector.shape_cast %get3A_153 : vector<1x16xf32> to vector<16xf32>
    %get3A_155 = arith.constant 0 : i32
    %get3A_156 = arith.index_cast %get3A_155 : i32 to index
    %get3A_157 = arith.constant 112 : index
    %get3A_158 = tpu.vector_load %arg7[%get3A_156, %get3A_157] {strides = array<i32>} : memref<2x128xf32, #tpu.memory_space<vmem>>, vector<1x16xf32>,
    %get3A_159 = vector.shape_cast %get3A_158 : vector<1x16xf32> to vector<16xf32>
    %get3A_160 = arith.constant 1 : i32
    %get3A_161 = arith.index_cast %get3A_160 : i32 to index
    %get3A_162 = arith.constant 0 : index
    %get3A_163 = tpu.vector_load %arg7[%get3A_161, %get3A_162] {strides = array<i32>} : memref<2x128xf32, #tpu.memory_space<vmem>>, vector<1x16xf32>,
    %get3A_164 = vector.shape_cast %get3A_163 : vector<1x16xf32> to vector<16xf32>
    %get3A_165 = arith.constant 1 : i32
    %get3A_166 = arith.index_cast %get3A_165 : i32 to index
    %get3A_167 = arith.constant 16 : index
    %get3A_168 = tpu.vector_load %arg7[%get3A_166, %get3A_167] {strides = array<i32>} : memref<2x128xf32, #tpu.memory_space<vmem>>, vector<1x16xf32>,
    %get3A_169 = vector.shape_cast %get3A_168 : vector<1x16xf32> to vector<16xf32>
    %get3A_170 = arith.constant 1 : i32
    %get3A_171 = arith.index_cast %get3A_170 : i32 to index
    %get3A_172 = arith.constant 32 : index
    %get3A_173 = tpu.vector_load %arg7[%get3A_171, %get3A_172] {strides = array<i32>} : memref<2x128xf32, #tpu.memory_space<vmem>>, vector<1x16xf32>,
    %get3A_174 = vector.shape_cast %get3A_173 : vector<1x16xf32> to vector<16xf32>
    %get3A_175 = arith.constant 1 : i32
    %get3A_176 = arith.index_cast %get3A_175 : i32 to index
    %get3A_177 = arith.constant 48 : index
    %get3A_178 = tpu.vector_load %arg7[%get3A_176, %get3A_177] {strides = array<i32>} : memref<2x128xf32, #tpu.memory_space<vmem>>, vector<1x16xf32>,
    %get3A_179 = vector.shape_cast %get3A_178 : vector<1x16xf32> to vector<16xf32>
    %get3A_180 = arith.constant 1 : i32
    %get3A_181 = arith.index_cast %get3A_180 : i32 to index
    %get3A_182 = arith.constant 64 : index
    %get3A_183 = tpu.vector_load %arg7[%get3A_181, %get3A_182] {strides = array<i32>} : memref<2x128xf32, #tpu.memory_space<vmem>>, vector<1x16xf32>,
    %get3A_184 = vector.shape_cast %get3A_183 : vector<1x16xf32> to vector<16xf32>
    %get3A_185 = arith.constant 1 : i32
    %get3A_186 = arith.index_cast %get3A_185 : i32 to index
    %get3A_187 = arith.constant 80 : index
    %get3A_188 = tpu.vector_load %arg7[%get3A_186, %get3A_187] {strides = array<i32>} : memref<2x128xf32, #tpu.memory_space<vmem>>, vector<1x16xf32>,
    %get3A_189 = vector.shape_cast %get3A_188 : vector<1x16xf32> to vector<16xf32>
    %get3A_190 = arith.constant 1 : i32
    %get3A_191 = arith.index_cast %get3A_190 : i32 to index
    %get3A_192 = arith.constant 96 : index
    %get3A_193 = tpu.vector_load %arg7[%get3A_191, %get3A_192] {strides = array<i32>} : memref<2x128xf32, #tpu.memory_space<vmem>>, vector<1x16xf32>,
    %get3A_194 = vector.shape_cast %get3A_193 : vector<1x16xf32> to vector<16xf32>
    %get3A_195 = arith.constant 1 : i32
    %get3A_196 = arith.index_cast %get3A_195 : i32 to index
    %get3A_197 = arith.constant 112 : index
    %get3A_198 = tpu.vector_load %arg7[%get3A_196, %get3A_197] {strides = array<i32>} : memref<2x128xf32, #tpu.memory_space<vmem>>, vector<1x16xf32>,
    %get3A_199 = vector.shape_cast %get3A_198 : vector<1x16xf32> to vector<16xf32>
    %dma_start3A_200 = arith.constant 5 : i32
    %dma_start3A_201 = arith.constant 0 : i32
    %dma_start3A_202 = arith.constant 0 : i32
    %dma_start3A_203 = tpu.memref_slice %arg7[%dma_start3A_201, %dma_start3A_202] : memref<2x128xf32, #tpu.memory_space<vmem>> -> memref<1x128xf32, #tpu.memory_space<vmem>>
    %dma_start3A_204 = tpu.memref_squeeze %dma_start3A_203 : memref<1x128xf32, #tpu.memory_space<vmem>> -> memref<128xf32, #tpu.memory_space<vmem>>
    %dma_start3A_205 = arith.constant 0 : i32
    %dma_start3A_206 = tpu.memref_slice %arg6[%dma_start3A_200, %dma_start3A_205] : memref<200x128xi32, #tpu.memory_space<vmem>> -> memref<1x128xi32, #tpu.memory_space<vmem>>
    %dma_start3A_207 = tpu.memref_squeeze %dma_start3A_206 : memref<1x128xi32, #tpu.memory_space<vmem>> -> memref<128xi32, #tpu.memory_space<vmem>>
    %dma_start3A_208 = arith.constant 0 : i32
    %dma_start3A_209 = tpu.memref_slice %arg3[%dma_start3A_208] : memref<1000000xf32, #tpu.memory_space<hbm>> -> memref<1000000xf32, #tpu.memory_space<hbm>>
    tpu.enqueue_indirect_dma source(%dma_start3A_209 : memref<1000000xf32, #tpu.memory_space<hbm>>) target(%dma_start3A_204 : memref<128xf32, #tpu.memory_space<vmem>>) offsets(%dma_start3A_207 : memref<128xi32, #tpu.memory_space<vmem>>) semaphore(%arg12 : memref<!tpu.dma_semaphore, #tpu.memory_space<semaphore_mem>>)
    %dma_start3A_210 = arith.constant 5 : i32
    %dma_start3A_211 = arith.constant 1 : i32
    %dma_start3A_212 = arith.constant 0 : i32
    %dma_start3A_213 = tpu.memref_slice %arg7[%dma_start3A_211, %dma_start3A_212] : memref<2x128xf32, #tpu.memory_space<vmem>> -> memref<1x128xf32, #tpu.memory_space<vmem>>
    %dma_start3A_214 = tpu.memref_squeeze %dma_start3A_213 : memref<1x128xf32, #tpu.memory_space<vmem>> -> memref<128xf32, #tpu.memory_space<vmem>>
    %dma_start3A_215 = arith.constant 0 : i32
    %dma_start3A_216 = tpu.memref_slice %arg6[%dma_start3A_210, %dma_start3A_215] : memref<200x128xi32, #tpu.memory_space<vmem>> -> memref<1x128xi32, #tpu.memory_space<vmem>>
    %dma_start3A_217 = tpu.memref_squeeze %dma_start3A_216 : memref<1x128xi32, #tpu.memory_space<vmem>> -> memref<128xi32, #tpu.memory_space<vmem>>
    %dma_start3A_218 = arith.constant 0 : i32
    %dma_start3A_219 = tpu.memref_slice %arg4[%dma_start3A_218] : memref<1000000xf32, #tpu.memory_space<hbm>> -> memref<1000000xf32, #tpu.memory_space<hbm>>
    tpu.enqueue_indirect_dma source(%dma_start3A_219 : memref<1000000xf32, #tpu.memory_space<hbm>>) target(%dma_start3A_214 : memref<128xf32, #tpu.memory_space<vmem>>) offsets(%dma_start3A_217 : memref<128xi32, #tpu.memory_space<vmem>>) semaphore(%arg12 : memref<!tpu.dma_semaphore, #tpu.memory_space<semaphore_mem>>)
    %dma_wait3A_220 = arith.constant 0 : i32
    %dma_wait3A_221 = arith.constant 0 : i32
    %dma_wait3A_222 = arith.constant 0 : i32
    %dma_wait3A_223 = tpu.memref_slice %arg8[%dma_wait3A_221, %dma_wait3A_222] : memref<2x128xf32, #tpu.memory_space<vmem>> -> memref<1x128xf32, #tpu.memory_space<vmem>>
    %dma_wait3A_224 = tpu.memref_squeeze %dma_wait3A_223 : memref<1x128xf32, #tpu.memory_space<vmem>> -> memref<128xf32, #tpu.memory_space<vmem>>
    %dma_wait3A_225 = arith.constant 0 : i32
    %dma_wait3A_226 = tpu.memref_slice %arg6[%dma_wait3A_220, %dma_wait3A_225] : memref<200x128xi32, #tpu.memory_space<vmem>> -> memref<1x128xi32, #tpu.memory_space<vmem>>
    %dma_wait3A_227 = tpu.memref_squeeze %dma_wait3A_226 : memref<1x128xi32, #tpu.memory_space<vmem>> -> memref<128xi32, #tpu.memory_space<vmem>>
    %dma_wait3A_228 = arith.constant 0 : i32
    %dma_wait3A_229 = tpu.memref_slice %arg3[%dma_wait3A_228] : memref<1000000xf32, #tpu.memory_space<hbm>> -> memref<1000000xf32, #tpu.memory_space<hbm>>
    tpu.wait_indirect_dma semaphore(%arg13 : memref<!tpu.dma_semaphore, #tpu.memory_space<semaphore_mem>>) src(%dma_wait3A_229 : memref<1000000xf32, #tpu.memory_space<hbm>>) dst(%dma_wait3A_224 : memref<128xf32, #tpu.memory_space<vmem>>)
    %dma_wait3A_230 = arith.constant 0 : i32
    %dma_wait3A_231 = arith.constant 1 : i32
    %dma_wait3A_232 = arith.constant 0 : i32
    %dma_wait3A_233 = tpu.memref_slice %arg8[%dma_wait3A_231, %dma_wait3A_232] : memref<2x128xf32, #tpu.memory_space<vmem>> -> memref<1x128xf32, #tpu.memory_space<vmem>>
    %dma_wait3A_234 = tpu.memref_squeeze %dma_wait3A_233 : memref<1x128xf32, #tpu.memory_space<vmem>> -> memref<128xf32, #tpu.memory_space<vmem>>
    %dma_wait3A_235 = arith.constant 0 : i32
    %dma_wait3A_236 = tpu.memref_slice %arg6[%dma_wait3A_230, %dma_wait3A_235] : memref<200x128xi32, #tpu.memory_space<vmem>> -> memref<1x128xi32, #tpu.memory_space<vmem>>
    %dma_wait3A_237 = tpu.memref_squeeze %dma_wait3A_236 : memref<1x128xi32, #tpu.memory_space<vmem>> -> memref<128xi32, #tpu.memory_space<vmem>>
    %dma_wait3A_238 = arith.constant 0 : i32
    %dma_wait3A_239 = tpu.memref_slice %arg4[%dma_wait3A_238] : memref<1000000xf32, #tpu.memory_space<hbm>> -> memref<1000000xf32, #tpu.memory_space<hbm>>
    tpu.wait_indirect_dma semaphore(%arg13 : memref<!tpu.dma_semaphore, #tpu.memory_space<semaphore_mem>>) src(%dma_wait3A_239 : memref<1000000xf32, #tpu.memory_space<hbm>>) dst(%dma_wait3A_234 : memref<128xf32, #tpu.memory_space<vmem>>)
    %get3A_240 = arith.constant 0 : i32
    %get3A_241 = arith.index_cast %get3A_240 : i32 to index
    %get3A_242 = arith.constant 0 : index
    %get3A_243 = tpu.vector_load %arg8[%get3A_241, %get3A_242] {strides = array<i32>} : memref<2x128xf32, #tpu.memory_space<vmem>>, vector<1x16xf32>,
    %get3A_244 = vector.shape_cast %get3A_243 : vector<1x16xf32> to vector<16xf32>
    %get3A_245 = arith.constant 0 : i32
    %get3A_246 = arith.index_cast %get3A_245 : i32 to index
    %get3A_247 = arith.constant 16 : index
    %get3A_248 = tpu.vector_load %arg8[%get3A_246, %get3A_247] {strides = array<i32>} : memref<2x128xf32, #tpu.memory_space<vmem>>, vector<1x16xf32>,
    %get3A_249 = vector.shape_cast %get3A_248 : vector<1x16xf32> to vector<16xf32>
    %get3A_250 = arith.constant 0 : i32
    %get3A_251 = arith.index_cast %get3A_250 : i32 to index
    %get3A_252 = arith.constant 32 : index
    %get3A_253 = tpu.vector_load %arg8[%get3A_251, %get3A_252] {strides = array<i32>} : memref<2x128xf32, #tpu.memory_space<vmem>>, vector<1x16xf32>,
    %get3A_254 = vector.shape_cast %get3A_253 : vector<1x16xf32> to vector<16xf32>
    %get3A_255 = arith.constant 0 : i32
    %get3A_256 = arith.index_cast %get3A_255 : i32 to index
    %get3A_257 = arith.constant 48 : index
    %get3A_258 = tpu.vector_load %arg8[%get3A_256, %get3A_257] {strides = array<i32>} : memref<2x128xf32, #tpu.memory_space<vmem>>, vector<1x16xf32>,
    %get3A_259 = vector.shape_cast %get3A_258 : vector<1x16xf32> to vector<16xf32>
    %get3A_260 = arith.constant 0 : i32
    %get3A_261 = arith.index_cast %get3A_260 : i32 to index
    %get3A_262 = arith.constant 64 : index
    %get3A_263 = tpu.vector_load %arg8[%get3A_261, %get3A_262] {strides = array<i32>} : memref<2x128xf32, #tpu.memory_space<vmem>>, vector<1x16xf32>,
    %get3A_264 = vector.shape_cast %get3A_263 : vector<1x16xf32> to vector<16xf32>
    %get3A_265 = arith.constant 0 : i32
    %get3A_266 = arith.index_cast %get3A_265 : i32 to index
    %get3A_267 = arith.constant 80 : index
    %get3A_268 = tpu.vector_load %arg8[%get3A_266, %get3A_267] {strides = array<i32>} : memref<2x128xf32, #tpu.memory_space<vmem>>, vector<1x16xf32>,
    %get3A_269 = vector.shape_cast %get3A_268 : vector<1x16xf32> to vector<16xf32>
    %get3A_270 = arith.constant 0 : i32
    %get3A_271 = arith.index_cast %get3A_270 : i32 to index
    %get3A_272 = arith.constant 96 : index
    %get3A_273 = tpu.vector_load %arg8[%get3A_271, %get3A_272] {strides = array<i32>} : memref<2x128xf32, #tpu.memory_space<vmem>>, vector<1x16xf32>,
    %get3A_274 = vector.shape_cast %get3A_273 : vector<1x16xf32> to vector<16xf32>
    %get3A_275 = arith.constant 0 : i32
    %get3A_276 = arith.index_cast %get3A_275 : i32 to index
    %get3A_277 = arith.constant 112 : index
    %get3A_278 = tpu.vector_load %arg8[%get3A_276, %get3A_277] {strides = array<i32>} : memref<2x128xf32, #tpu.memory_space<vmem>>, vector<1x16xf32>,
    %get3A_279 = vector.shape_cast %get3A_278 : vector<1x16xf32> to vector<16xf32>
    %get3A_280 = arith.constant 1 : i32
    %get3A_281 = arith.index_cast %get3A_280 : i32 to index
    %get3A_282 = arith.constant 0 : index
    %get3A_283 = tpu.vector_load %arg8[%get3A_281, %get3A_282] {strides = array<i32>} : memref<2x128xf32, #tpu.memory_space<vmem>>, vector<1x16xf32>,
    %get3A_284 = vector.shape_cast %get3A_283 : vector<1x16xf32> to vector<16xf32>
    %get3A_285 = arith.constant 1 : i32
    %get3A_286 = arith.index_cast %get3A_285 : i32 to index
    %get3A_287 = arith.constant 16 : index
    %get3A_288 = tpu.vector_load %arg8[%get3A_286, %get3A_287] {strides = array<i32>} : memref<2x128xf32, #tpu.memory_space<vmem>>, vector<1x16xf32>,
    %get3A_289 = vector.shape_cast %get3A_288 : vector<1x16xf32> to vector<16xf32>
    %get3A_290 = arith.constant 1 : i32
    %get3A_291 = arith.index_cast %get3A_290 : i32 to index
    %get3A_292 = arith.constant 32 : index
    %get3A_293 = tpu.vector_load %arg8[%get3A_291, %get3A_292] {strides = array<i32>} : memref<2x128xf32, #tpu.memory_space<vmem>>, vector<1x16xf32>,
    %get3A_294 = vector.shape_cast %get3A_293 : vector<1x16xf32> to vector<16xf32>
    %get3A_295 = arith.constant 1 : i32
    %get3A_296 = arith.index_cast %get3A_295 : i32 to index
    %get3A_297 = arith.constant 48 : index
    %get3A_298 = tpu.vector_load %arg8[%get3A_296, %get3A_297] {strides = array<i32>} : memref<2x128xf32, #tpu.memory_space<vmem>>, vector<1x16xf32>,
    %get3A_299 = vector.shape_cast %get3A_298 : vector<1x16xf32> to vector<16xf32>
    %get3A_300 = arith.constant 1 : i32
    %get3A_301 = arith.index_cast %get3A_300 : i32 to index
    %get3A_302 = arith.constant 64 : index
    %get3A_303 = tpu.vector_load %arg8[%get3A_301, %get3A_302] {strides = array<i32>} : memref<2x128xf32, #tpu.memory_space<vmem>>, vector<1x16xf32>,
    %get3A_304 = vector.shape_cast %get3A_303 : vector<1x16xf32> to vector<16xf32>
    %get3A_305 = arith.constant 1 : i32
    %get3A_306 = arith.index_cast %get3A_305 : i32 to index
    %get3A_307 = arith.constant 80 : index
    %get3A_308 = tpu.vector_load %arg8[%get3A_306, %get3A_307] {strides = array<i32>} : memref<2x128xf32, #tpu.memory_space<vmem>>, vector<1x16xf32>,
    %get3A_309 = vector.shape_cast %get3A_308 : vector<1x16xf32> to vector<16xf32>
    %get3A_310 = arith.constant 1 : i32
    %get3A_311 = arith.index_cast %get3A_310 : i32 to index
    %get3A_312 = arith.constant 96 : index
    %get3A_313 = tpu.vector_load %arg8[%get3A_311, %get3A_312] {strides = array<i32>} : memref<2x128xf32, #tpu.memory_space<vmem>>, vector<1x16xf32>,
    %get3A_314 = vector.shape_cast %get3A_313 : vector<1x16xf32> to vector<16xf32>
    %get3A_315 = arith.constant 1 : i32
    %get3A_316 = arith.index_cast %get3A_315 : i32 to index
    %get3A_317 = arith.constant 112 : index
    %get3A_318 = tpu.vector_load %arg8[%get3A_316, %get3A_317] {strides = array<i32>} : memref<2x128xf32, #tpu.memory_space<vmem>>, vector<1x16xf32>,
    %get3A_319 = vector.shape_cast %get3A_318 : vector<1x16xf32> to vector<16xf32>
    %add3A_320 = arith.addf %get3A_124, %get3A_244 : vector<16xf32>
    %add3A_321 = arith.addf %get3A_129, %get3A_249 : vector<16xf32>
    %add3A_322 = arith.addf %get3A_134, %get3A_254 : vector<16xf32>
    %add3A_323 = arith.addf %get3A_139, %get3A_259 : vector<16xf32>
    %add3A_324 = arith.addf %get3A_144, %get3A_264 : vector<16xf32>
    %add3A_325 = arith.addf %get3A_149, %get3A_269 : vector<16xf32>
    %add3A_326 = arith.addf %get3A_154, %get3A_274 : vector<16xf32>
    %add3A_327 = arith.addf %get3A_159, %get3A_279 : vector<16xf32>
    %add3A_328 = arith.addf %get3A_164, %get3A_284 : vector<16xf32>
    %add3A_329 = arith.addf %get3A_169, %get3A_289 : vector<16xf32>
    %add3A_330 = arith.addf %get3A_174, %get3A_294 : vector<16xf32>
    %add3A_331 = arith.addf %get3A_179, %get3A_299 : vector<16xf32>
    %add3A_332 = arith.addf %get3A_184, %get3A_304 : vector<16xf32>
    %add3A_333 = arith.addf %get3A_189, %get3A_309 : vector<16xf32>
    %add3A_334 = arith.addf %get3A_194, %get3A_314 : vector<16xf32>
    %add3A_335 = arith.addf %get3A_199, %get3A_319 : vector<16xf32>
    %dma_start3A_336 = arith.constant 6 : i32
    %dma_start3A_337 = arith.constant 0 : i32
    %dma_start3A_338 = arith.constant 0 : i32
    %dma_start3A_339 = tpu.memref_slice %arg8[%dma_start3A_337, %dma_start3A_338] : memref<2x128xf32, #tpu.memory_space<vmem>> -> memref<1x128xf32, #tpu.memory_space<vmem>>
    %dma_start3A_340 = tpu.memref_squeeze %dma_start3A_339 : memref<1x128xf32, #tpu.memory_space<vmem>> -> memref<128xf32, #tpu.memory_space<vmem>>
    %dma_start3A_341 = arith.constant 0 : i32
    %dma_start3A_342 = tpu.memref_slice %arg6[%dma_start3A_336, %dma_start3A_341] : memref<200x128xi32, #tpu.memory_space<vmem>> -> memref<1x128xi32, #tpu.memory_space<vmem>>
    %dma_start3A_343 = tpu.memref_squeeze %dma_start3A_342 : memref<1x128xi32, #tpu.memory_space<vmem>> -> memref<128xi32, #tpu.memory_space<vmem>>
    %dma_start3A_344 = arith.constant 0 : i32
    %dma_start3A_345 = tpu.memref_slice %arg3[%dma_start3A_344] : memref<1000000xf32, #tpu.memory_space<hbm>> -> memref<1000000xf32, #tpu.memory_space<hbm>>
    tpu.enqueue_indirect_dma source(%dma_start3A_345 : memref<1000000xf32, #tpu.memory_space<hbm>>) target(%dma_start3A_340 : memref<128xf32, #tpu.memory_space<vmem>>) offsets(%dma_start3A_343 : memref<128xi32, #tpu.memory_space<vmem>>) semaphore(%arg13 : memref<!tpu.dma_semaphore, #tpu.memory_space<semaphore_mem>>)
    %dma_start3A_346 = arith.constant 6 : i32
    %dma_start3A_347 = arith.constant 1 : i32
    %dma_start3A_348 = arith.constant 0 : i32
    %dma_start3A_349 = tpu.memref_slice %arg8[%dma_start3A_347, %dma_start3A_348] : memref<2x128xf32, #tpu.memory_space<vmem>> -> memref<1x128xf32, #tpu.memory_space<vmem>>
    %dma_start3A_350 = tpu.memref_squeeze %dma_start3A_349 : memref<1x128xf32, #tpu.memory_space<vmem>> -> memref<128xf32, #tpu.memory_space<vmem>>
    %dma_start3A_351 = arith.constant 0 : i32
    %dma_start3A_352 = tpu.memref_slice %arg6[%dma_start3A_346, %dma_start3A_351] : memref<200x128xi32, #tpu.memory_space<vmem>> -> memref<1x128xi32, #tpu.memory_space<vmem>>
    %dma_start3A_353 = tpu.memref_squeeze %dma_start3A_352 : memref<1x128xi32, #tpu.memory_space<vmem>> -> memref<128xi32, #tpu.memory_space<vmem>>
    %dma_start3A_354 = arith.constant 0 : i32
    %dma_start3A_355 = tpu.memref_slice %arg4[%dma_start3A_354] : memref<1000000xf32, #tpu.memory_space<hbm>> -> memref<1000000xf32, #tpu.memory_space<hbm>>
    tpu.enqueue_indirect_dma source(%dma_start3A_355 : memref<1000000xf32, #tpu.memory_space<hbm>>) target(%dma_start3A_350 : memref<128xf32, #tpu.memory_space<vmem>>) offsets(%dma_start3A_353 : memref<128xi32, #tpu.memory_space<vmem>>) semaphore(%arg13 : memref<!tpu.dma_semaphore, #tpu.memory_space<semaphore_mem>>)
    %dma_wait3A_356 = arith.constant 0 : i32
    %dma_wait3A_357 = arith.constant 0 : i32
    %dma_wait3A_358 = arith.constant 0 : i32
    %dma_wait3A_359 = tpu.memref_slice %arg9[%dma_wait3A_357, %dma_wait3A_358] : memref<2x128xf32, #tpu.memory_space<vmem>> -> memref<1x128xf32, #tpu.memory_space<vmem>>
    %dma_wait3A_360 = tpu.memref_squeeze %dma_wait3A_359 : memref<1x128xf32, #tpu.memory_space<vmem>> -> memref<128xf32, #tpu.memory_space<vmem>>
    %dma_wait3A_361 = arith.constant 0 : i32
    %dma_wait3A_362 = tpu.memref_slice %arg6[%dma_wait3A_356, %dma_wait3A_361] : memref<200x128xi32, #tpu.memory_space<vmem>> -> memref<1x128xi32, #tpu.memory_space<vmem>>
    %dma_wait3A_363 = tpu.memref_squeeze %dma_wait3A_362 : memref<1x128xi32, #tpu.memory_space<vmem>> -> memref<128xi32, #tpu.memory_space<vmem>>
    %dma_wait3A_364 = arith.constant 0 : i32
    %dma_wait3A_365 = tpu.memref_slice %arg3[%dma_wait3A_364] : memref<1000000xf32, #tpu.memory_space<hbm>> -> memref<1000000xf32, #tpu.memory_space<hbm>>
    tpu.wait_indirect_dma semaphore(%arg14 : memref<!tpu.dma_semaphore, #tpu.memory_space<semaphore_mem>>) src(%dma_wait3A_365 : memref<1000000xf32, #tpu.memory_space<hbm>>) dst(%dma_wait3A_360 : memref<128xf32, #tpu.memory_space<vmem>>)
    %dma_wait3A_366 = arith.constant 0 : i32
    %dma_wait3A_367 = arith.constant 1 : i32
    %dma_wait3A_368 = arith.constant 0 : i32
    %dma_wait3A_369 = tpu.memref_slice %arg9[%dma_wait3A_367, %dma_wait3A_368] : memref<2x128xf32, #tpu.memory_space<vmem>> -> memref<1x128xf32, #tpu.memory_space<vmem>>
    %dma_wait3A_370 = tpu.memref_squeeze %dma_wait3A_369 : memref<1x128xf32, #tpu.memory_space<vmem>> -> memref<128xf32, #tpu.memory_space<vmem>>
    %dma_wait3A_371 = arith.constant 0 : i32
    %dma_wait3A_372 = tpu.memref_slice %arg6[%dma_wait3A_366, %dma_wait3A_371] : memref<200x128xi32, #tpu.memory_space<vmem>> -> memref<1x128xi32, #tpu.memory_space<vmem>>
    %dma_wait3A_373 = tpu.memref_squeeze %dma_wait3A_372 : memref<1x128xi32, #tpu.memory_space<vmem>> -> memref<128xi32, #tpu.memory_space<vmem>>
    %dma_wait3A_374 = arith.constant 0 : i32
    %dma_wait3A_375 = tpu.memref_slice %arg4[%dma_wait3A_374] : memref<1000000xf32, #tpu.memory_space<hbm>> -> memref<1000000xf32, #tpu.memory_space<hbm>>
    tpu.wait_indirect_dma semaphore(%arg14 : memref<!tpu.dma_semaphore, #tpu.memory_space<semaphore_mem>>) src(%dma_wait3A_375 : memref<1000000xf32, #tpu.memory_space<hbm>>) dst(%dma_wait3A_370 : memref<128xf32, #tpu.memory_space<vmem>>)
    %get3A_376 = arith.constant 0 : i32
    %get3A_377 = arith.index_cast %get3A_376 : i32 to index
    %get3A_378 = arith.constant 0 : index
    %get3A_379 = tpu.vector_load %arg9[%get3A_377, %get3A_378] {strides = array<i32>} : memref<2x128xf32, #tpu.memory_space<vmem>>, vector<1x16xf32>,
    %get3A_380 = vector.shape_cast %get3A_379 : vector<1x16xf32> to vector<16xf32>
    %get3A_381 = arith.constant 0 : i32
    %get3A_382 = arith.index_cast %get3A_381 : i32 to index
    %get3A_383 = arith.constant 16 : index
    %get3A_384 = tpu.vector_load %arg9[%get3A_382, %get3A_383] {strides = array<i32>} : memref<2x128xf32, #tpu.memory_space<vmem>>, vector<1x16xf32>,
    %get3A_385 = vector.shape_cast %get3A_384 : vector<1x16xf32> to vector<16xf32>
    %get3A_386 = arith.constant 0 : i32
    %get3A_387 = arith.index_cast %get3A_386 : i32 to index
    %get3A_388 = arith.constant 32 : index
    %get3A_389 = tpu.vector_load %arg9[%get3A_387, %get3A_388] {strides = array<i32>} : memref<2x128xf32, #tpu.memory_space<vmem>>, vector<1x16xf32>,
    %get3A_390 = vector.shape_cast %get3A_389 : vector<1x16xf32> to vector<16xf32>
    %get3A_391 = arith.constant 0 : i32
    %get3A_392 = arith.index_cast %get3A_391 : i32 to index
    %get3A_393 = arith.constant 48 : index
    %get3A_394 = tpu.vector_load %arg9[%get3A_392, %get3A_393] {strides = array<i32>} : memref<2x128xf32, #tpu.memory_space<vmem>>, vector<1x16xf32>,
    %get3A_395 = vector.shape_cast %get3A_394 : vector<1x16xf32> to vector<16xf32>
    %get3A_396 = arith.constant 0 : i32
    %get3A_397 = arith.index_cast %get3A_396 : i32 to index
    %get3A_398 = arith.constant 64 : index
    %get3A_399 = tpu.vector_load %arg9[%get3A_397, %get3A_398] {strides = array<i32>} : memref<2x128xf32, #tpu.memory_space<vmem>>, vector<1x16xf32>,
    %get3A_400 = vector.shape_cast %get3A_399 : vector<1x16xf32> to vector<16xf32>
    %get3A_401 = arith.constant 0 : i32
    %get3A_402 = arith.index_cast %get3A_401 : i32 to index
    %get3A_403 = arith.constant 80 : index
    %get3A_404 = tpu.vector_load %arg9[%get3A_402, %get3A_403] {strides = array<i32>} : memref<2x128xf32, #tpu.memory_space<vmem>>, vector<1x16xf32>,
    %get3A_405 = vector.shape_cast %get3A_404 : vector<1x16xf32> to vector<16xf32>
    %get3A_406 = arith.constant 0 : i32
    %get3A_407 = arith.index_cast %get3A_406 : i32 to index
    %get3A_408 = arith.constant 96 : index
    %get3A_409 = tpu.vector_load %arg9[%get3A_407, %get3A_408] {strides = array<i32>} : memref<2x128xf32, #tpu.memory_space<vmem>>, vector<1x16xf32>,
    %get3A_410 = vector.shape_cast %get3A_409 : vector<1x16xf32> to vector<16xf32>
    %get3A_411 = arith.constant 0 : i32
    %get3A_412 = arith.index_cast %get3A_411 : i32 to index
    %get3A_413 = arith.constant 112 : index
    %get3A_414 = tpu.vector_load %arg9[%get3A_412, %get3A_413] {strides = array<i32>} : memref<2x128xf32, #tpu.memory_space<vmem>>, vector<1x16xf32>,
    %get3A_415 = vector.shape_cast %get3A_414 : vector<1x16xf32> to vector<16xf32>
    %get3A_416 = arith.constant 1 : i32
    %get3A_417 = arith.index_cast %get3A_416 : i32 to index
    %get3A_418 = arith.constant 0 : index
    %get3A_419 = tpu.vector_load %arg9[%get3A_417, %get3A_418] {strides = array<i32>} : memref<2x128xf32, #tpu.memory_space<vmem>>, vector<1x16xf32>,
    %get3A_420 = vector.shape_cast %get3A_419 : vector<1x16xf32> to vector<16xf32>
    %get3A_421 = arith.constant 1 : i32
    %get3A_422 = arith.index_cast %get3A_421 : i32 to index
    %get3A_423 = arith.constant 16 : index
    %get3A_424 = tpu.vector_load %arg9[%get3A_422, %get3A_423] {strides = array<i32>} : memref<2x128xf32, #tpu.memory_space<vmem>>, vector<1x16xf32>,
    %get3A_425 = vector.shape_cast %get3A_424 : vector<1x16xf32> to vector<16xf32>
    %get3A_426 = arith.constant 1 : i32
    %get3A_427 = arith.index_cast %get3A_426 : i32 to index
    %get3A_428 = arith.constant 32 : index
    %get3A_429 = tpu.vector_load %arg9[%get3A_427, %get3A_428] {strides = array<i32>} : memref<2x128xf32, #tpu.memory_space<vmem>>, vector<1x16xf32>,
    %get3A_430 = vector.shape_cast %get3A_429 : vector<1x16xf32> to vector<16xf32>
    %get3A_431 = arith.constant 1 : i32
    %get3A_432 = arith.index_cast %get3A_431 : i32 to index
    %get3A_433 = arith.constant 48 : index
    %get3A_434 = tpu.vector_load %arg9[%get3A_432, %get3A_433] {strides = array<i32>} : memref<2x128xf32, #tpu.memory_space<vmem>>, vector<1x16xf32>,
    %get3A_435 = vector.shape_cast %get3A_434 : vector<1x16xf32> to vector<16xf32>
    %get3A_436 = arith.constant 1 : i32
    %get3A_437 = arith.index_cast %get3A_436 : i32 to index
    %get3A_438 = arith.constant 64 : index
    %get3A_439 = tpu.vector_load %arg9[%get3A_437, %get3A_438] {strides = array<i32>} : memref<2x128xf32, #tpu.memory_space<vmem>>, vector<1x16xf32>,
    %get3A_440 = vector.shape_cast %get3A_439 : vector<1x16xf32> to vector<16xf32>
    %get3A_441 = arith.constant 1 : i32
    %get3A_442 = arith.index_cast %get3A_441 : i32 to index
    %get3A_443 = arith.constant 80 : index
    %get3A_444 = tpu.vector_load %arg9[%get3A_442, %get3A_443] {strides = array<i32>} : memref<2x128xf32, #tpu.memory_space<vmem>>, vector<1x16xf32>,
    %get3A_445 = vector.shape_cast %get3A_444 : vector<1x16xf32> to vector<16xf32>
    %get3A_446 = arith.constant 1 : i32
    %get3A_447 = arith.index_cast %get3A_446 : i32 to index
    %get3A_448 = arith.constant 96 : index
    %get3A_449 = tpu.vector_load %arg9[%get3A_447, %get3A_448] {strides = array<i32>} : memref<2x128xf32, #tpu.memory_space<vmem>>, vector<1x16xf32>,
    %get3A_450 = vector.shape_cast %get3A_449 : vector<1x16xf32> to vector<16xf32>
    %get3A_451 = arith.constant 1 : i32
    %get3A_452 = arith.index_cast %get3A_451 : i32 to index
    %get3A_453 = arith.constant 112 : index
    %get3A_454 = tpu.vector_load %arg9[%get3A_452, %get3A_453] {strides = array<i32>} : memref<2x128xf32, #tpu.memory_space<vmem>>, vector<1x16xf32>,
    %get3A_455 = vector.shape_cast %get3A_454 : vector<1x16xf32> to vector<16xf32>
    %add3A_456 = arith.addf %add3A_320, %get3A_380 : vector<16xf32>
    %add3A_457 = arith.addf %add3A_321, %get3A_385 : vector<16xf32>
    %add3A_458 = arith.addf %add3A_322, %get3A_390 : vector<16xf32>
    %add3A_459 = arith.addf %add3A_323, %get3A_395 : vector<16xf32>
    %add3A_460 = arith.addf %add3A_324, %get3A_400 : vector<16xf32>
    %add3A_461 = arith.addf %add3A_325, %get3A_405 : vector<16xf32>
    %add3A_462 = arith.addf %add3A_326, %get3A_410 : vector<16xf32>
    %add3A_463 = arith.addf %add3A_327, %get3A_415 : vector<16xf32>
    %add3A_464 = arith.addf %add3A_328, %get3A_420 : vector<16xf32>
    %add3A_465 = arith.addf %add3A_329, %get3A_425 : vector<16xf32>
    %add3A_466 = arith.addf %add3A_330, %get3A_430 : vector<16xf32>
    %add3A_467 = arith.addf %add3A_331, %get3A_435 : vector<16xf32>
    %add3A_468 = arith.addf %add3A_332, %get3A_440 : vector<16xf32>
    %add3A_469 = arith.addf %add3A_333, %get3A_445 : vector<16xf32>
    %add3A_470 = arith.addf %add3A_334, %get3A_450 : vector<16xf32>
    %add3A_471 = arith.addf %add3A_335, %get3A_455 : vector<16xf32>
    %dma_start3A_472 = arith.constant 7 : i32
    %dma_start3A_473 = arith.constant 0 : i32
    %dma_start3A_474 = arith.constant 0 : i32
    %dma_start3A_475 = tpu.memref_slice %arg9[%dma_start3A_473, %dma_start3A_474] : memref<2x128xf32, #tpu.memory_space<vmem>> -> memref<1x128xf32, #tpu.memory_space<vmem>>
    %dma_start3A_476 = tpu.memref_squeeze %dma_start3A_475 : memref<1x128xf32, #tpu.memory_space<vmem>> -> memref<128xf32, #tpu.memory_space<vmem>>
    %dma_start3A_477 = arith.constant 0 : i32
    %dma_start3A_478 = tpu.memref_slice %arg6[%dma_start3A_472, %dma_start3A_477] : memref<200x128xi32, #tpu.memory_space<vmem>> -> memref<1x128xi32, #tpu.memory_space<vmem>>
    %dma_start3A_479 = tpu.memref_squeeze %dma_start3A_478 : memref<1x128xi32, #tpu.memory_space<vmem>> -> memref<128xi32, #tpu.memory_space<vmem>>
    %dma_start3A_480 = arith.constant 0 : i32
    %dma_start3A_481 = tpu.memref_slice %arg3[%dma_start3A_480] : memref<1000000xf32, #tpu.memory_space<hbm>> -> memref<1000000xf32, #tpu.memory_space<hbm>>
    tpu.enqueue_indirect_dma source(%dma_start3A_481 : memref<1000000xf32, #tpu.memory_space<hbm>>) target(%dma_start3A_476 : memref<128xf32, #tpu.memory_space<vmem>>) offsets(%dma_start3A_479 : memref<128xi32, #tpu.memory_space<vmem>>) semaphore(%arg14 : memref<!tpu.dma_semaphore, #tpu.memory_space<semaphore_mem>>)
    %dma_start3A_482 = arith.constant 7 : i32
    %dma_start3A_483 = arith.constant 1 : i32
    %dma_start3A_484 = arith.constant 0 : i32
    %dma_start3A_485 = tpu.memref_slice %arg9[%dma_start3A_483, %dma_start3A_484] : memref<2x128xf32, #tpu.memory_space<vmem>> -> memref<1x128xf32, #tpu.memory_space<vmem>>
    %dma_start3A_486 = tpu.memref_squeeze %dma_start3A_485 : memref<1x128xf32, #tpu.memory_space<vmem>> -> memref<128xf32, #tpu.memory_space<vmem>>
    %dma_start3A_487 = arith.constant 0 : i32
    %dma_start3A_488 = tpu.memref_slice %arg6[%dma_start3A_482, %dma_start3A_487] : memref<200x128xi32, #tpu.memory_space<vmem>> -> memref<1x128xi32, #tpu.memory_space<vmem>>
    %dma_start3A_489 = tpu.memref_squeeze %dma_start3A_488 : memref<1x128xi32, #tpu.memory_space<vmem>> -> memref<128xi32, #tpu.memory_space<vmem>>
    %dma_start3A_490 = arith.constant 0 : i32
    %dma_start3A_491 = tpu.memref_slice %arg4[%dma_start3A_490] : memref<1000000xf32, #tpu.memory_space<hbm>> -> memref<1000000xf32, #tpu.memory_space<hbm>>
    tpu.enqueue_indirect_dma source(%dma_start3A_491 : memref<1000000xf32, #tpu.memory_space<hbm>>) target(%dma_start3A_486 : memref<128xf32, #tpu.memory_space<vmem>>) offsets(%dma_start3A_489 : memref<128xi32, #tpu.memory_space<vmem>>) semaphore(%arg14 : memref<!tpu.dma_semaphore, #tpu.memory_space<semaphore_mem>>)
    %dma_wait3A_492 = arith.constant 0 : i32
    %dma_wait3A_493 = arith.constant 0 : i32
    %dma_wait3A_494 = arith.constant 0 : i32
    %dma_wait3A_495 = tpu.memref_slice %arg10[%dma_wait3A_493, %dma_wait3A_494] : memref<2x128xf32, #tpu.memory_space<vmem>> -> memref<1x128xf32, #tpu.memory_space<vmem>>
    %dma_wait3A_496 = tpu.memref_squeeze %dma_wait3A_495 : memref<1x128xf32, #tpu.memory_space<vmem>> -> memref<128xf32, #tpu.memory_space<vmem>>
    %dma_wait3A_497 = arith.constant 0 : i32
    %dma_wait3A_498 = tpu.memref_slice %arg6[%dma_wait3A_492, %dma_wait3A_497] : memref<200x128xi32, #tpu.memory_space<vmem>> -> memref<1x128xi32, #tpu.memory_space<vmem>>
    %dma_wait3A_499 = tpu.memref_squeeze %dma_wait3A_498 : memref<1x128xi32, #tpu.memory_space<vmem>> -> memref<128xi32, #tpu.memory_space<vmem>>
    %dma_wait3A_500 = arith.constant 0 : i32
    %dma_wait3A_501 = tpu.memref_slice %arg3[%dma_wait3A_500] : memref<1000000xf32, #tpu.memory_space<hbm>> -> memref<1000000xf32, #tpu.memory_space<hbm>>
    tpu.wait_indirect_dma semaphore(%arg15 : memref<!tpu.dma_semaphore, #tpu.memory_space<semaphore_mem>>) src(%dma_wait3A_501 : memref<1000000xf32, #tpu.memory_space<hbm>>) dst(%dma_wait3A_496 : memref<128xf32, #tpu.memory_space<vmem>>)
    %dma_wait3A_502 = arith.constant 0 : i32
    %dma_wait3A_503 = arith.constant 1 : i32
    %dma_wait3A_504 = arith.constant 0 : i32
    %dma_wait3A_505 = tpu.memref_slice %arg10[%dma_wait3A_503, %dma_wait3A_504] : memref<2x128xf32, #tpu.memory_space<vmem>> -> memref<1x128xf32, #tpu.memory_space<vmem>>
    %dma_wait3A_506 = tpu.memref_squeeze %dma_wait3A_505 : memref<1x128xf32, #tpu.memory_space<vmem>> -> memref<128xf32, #tpu.memory_space<vmem>>
    %dma_wait3A_507 = arith.constant 0 : i32
    %dma_wait3A_508 = tpu.memref_slice %arg6[%dma_wait3A_502, %dma_wait3A_507] : memref<200x128xi32, #tpu.memory_space<vmem>> -> memref<1x128xi32, #tpu.memory_space<vmem>>
    %dma_wait3A_509 = tpu.memref_squeeze %dma_wait3A_508 : memref<1x128xi32, #tpu.memory_space<vmem>> -> memref<128xi32, #tpu.memory_space<vmem>>
    %dma_wait3A_510 = arith.constant 0 : i32
    %dma_wait3A_511 = tpu.memref_slice %arg4[%dma_wait3A_510] : memref<1000000xf32, #tpu.memory_space<hbm>> -> memref<1000000xf32, #tpu.memory_space<hbm>>
    tpu.wait_indirect_dma semaphore(%arg15 : memref<!tpu.dma_semaphore, #tpu.memory_space<semaphore_mem>>) src(%dma_wait3A_511 : memref<1000000xf32, #tpu.memory_space<hbm>>) dst(%dma_wait3A_506 : memref<128xf32, #tpu.memory_space<vmem>>)
    %get3A_512 = arith.constant 0 : i32
    %get3A_513 = arith.index_cast %get3A_512 : i32 to index
    %get3A_514 = arith.constant 0 : index
    %get3A_515 = tpu.vector_load %arg10[%get3A_513, %get3A_514] {strides = array<i32>} : memref<2x128xf32, #tpu.memory_space<vmem>>, vector<1x16xf32>,
    %get3A_516 = vector.shape_cast %get3A_515 : vector<1x16xf32> to vector<16xf32>
    %get3A_517 = arith.constant 0 : i32
    %get3A_518 = arith.index_cast %get3A_517 : i32 to index
    %get3A_519 = arith.constant 16 : index
    %get3A_520 = tpu.vector_load %arg10[%get3A_518, %get3A_519] {strides = array<i32>} : memref<2x128xf32, #tpu.memory_space<vmem>>, vector<1x16xf32>,
    %get3A_521 = vector.shape_cast %get3A_520 : vector<1x16xf32> to vector<16xf32>
    %get3A_522 = arith.constant 0 : i32
    %get3A_523 = arith.index_cast %get3A_522 : i32 to index
    %get3A_524 = arith.constant 32 : index
    %get3A_525 = tpu.vector_load %arg10[%get3A_523, %get3A_524] {strides = array<i32>} : memref<2x128xf32, #tpu.memory_space<vmem>>, vector<1x16xf32>,
    %get3A_526 = vector.shape_cast %get3A_525 : vector<1x16xf32> to vector<16xf32>
    %get3A_527 = arith.constant 0 : i32
    %get3A_528 = arith.index_cast %get3A_527 : i32 to index
    %get3A_529 = arith.constant 48 : index
    %get3A_530 = tpu.vector_load %arg10[%get3A_528, %get3A_529] {strides = array<i32>} : memref<2x128xf32, #tpu.memory_space<vmem>>, vector<1x16xf32>,
    %get3A_531 = vector.shape_cast %get3A_530 : vector<1x16xf32> to vector<16xf32>
    %get3A_532 = arith.constant 0 : i32
    %get3A_533 = arith.index_cast %get3A_532 : i32 to index
    %get3A_534 = arith.constant 64 : index
    %get3A_535 = tpu.vector_load %arg10[%get3A_533, %get3A_534] {strides = array<i32>} : memref<2x128xf32, #tpu.memory_space<vmem>>, vector<1x16xf32>,
    %get3A_536 = vector.shape_cast %get3A_535 : vector<1x16xf32> to vector<16xf32>
    %get3A_537 = arith.constant 0 : i32
    %get3A_538 = arith.index_cast %get3A_537 : i32 to index
    %get3A_539 = arith.constant 80 : index
    %get3A_540 = tpu.vector_load %arg10[%get3A_538, %get3A_539] {strides = array<i32>} : memref<2x128xf32, #tpu.memory_space<vmem>>, vector<1x16xf32>,
    %get3A_541 = vector.shape_cast %get3A_540 : vector<1x16xf32> to vector<16xf32>
    %get3A_542 = arith.constant 0 : i32
    %get3A_543 = arith.index_cast %get3A_542 : i32 to index
    %get3A_544 = arith.constant 96 : index
    %get3A_545 = tpu.vector_load %arg10[%get3A_543, %get3A_544] {strides = array<i32>} : memref<2x128xf32, #tpu.memory_space<vmem>>, vector<1x16xf32>,
    %get3A_546 = vector.shape_cast %get3A_545 : vector<1x16xf32> to vector<16xf32>
    %get3A_547 = arith.constant 0 : i32
    %get3A_548 = arith.index_cast %get3A_547 : i32 to index
    %get3A_549 = arith.constant 112 : index
    %get3A_550 = tpu.vector_load %arg10[%get3A_548, %get3A_549] {strides = array<i32>} : memref<2x128xf32, #tpu.memory_space<vmem>>, vector<1x16xf32>,
    %get3A_551 = vector.shape_cast %get3A_550 : vector<1x16xf32> to vector<16xf32>
    %get3A_552 = arith.constant 1 : i32
    %get3A_553 = arith.index_cast %get3A_552 : i32 to index
    %get3A_554 = arith.constant 0 : index
    %get3A_555 = tpu.vector_load %arg10[%get3A_553, %get3A_554] {strides = array<i32>} : memref<2x128xf32, #tpu.memory_space<vmem>>, vector<1x16xf32>,
    %get3A_556 = vector.shape_cast %get3A_555 : vector<1x16xf32> to vector<16xf32>
    %get3A_557 = arith.constant 1 : i32
    %get3A_558 = arith.index_cast %get3A_557 : i32 to index
    %get3A_559 = arith.constant 16 : index
    %get3A_560 = tpu.vector_load %arg10[%get3A_558, %get3A_559] {strides = array<i32>} : memref<2x128xf32, #tpu.memory_space<vmem>>, vector<1x16xf32>,
    %get3A_561 = vector.shape_cast %get3A_560 : vector<1x16xf32> to vector<16xf32>
    %get3A_562 = arith.constant 1 : i32
    %get3A_563 = arith.index_cast %get3A_562 : i32 to index
    %get3A_564 = arith.constant 32 : index
    %get3A_565 = tpu.vector_load %arg10[%get3A_563, %get3A_564] {strides = array<i32>} : memref<2x128xf32, #tpu.memory_space<vmem>>, vector<1x16xf32>,
    %get3A_566 = vector.shape_cast %get3A_565 : vector<1x16xf32> to vector<16xf32>
    %get3A_567 = arith.constant 1 : i32
    %get3A_568 = arith.index_cast %get3A_567 : i32 to index
    %get3A_569 = arith.constant 48 : index
    %get3A_570 = tpu.vector_load %arg10[%get3A_568, %get3A_569] {strides = array<i32>} : memref<2x128xf32, #tpu.memory_space<vmem>>, vector<1x16xf32>,
    %get3A_571 = vector.shape_cast %get3A_570 : vector<1x16xf32> to vector<16xf32>
    %get3A_572 = arith.constant 1 : i32
    %get3A_573 = arith.index_cast %get3A_572 : i32 to index
    %get3A_574 = arith.constant 64 : index
    %get3A_575 = tpu.vector_load %arg10[%get3A_573, %get3A_574] {strides = array<i32>} : memref<2x128xf32, #tpu.memory_space<vmem>>, vector<1x16xf32>,
    %get3A_576 = vector.shape_cast %get3A_575 : vector<1x16xf32> to vector<16xf32>
    %get3A_577 = arith.constant 1 : i32
    %get3A_578 = arith.index_cast %get3A_577 : i32 to index
    %get3A_579 = arith.constant 80 : index
    %get3A_580 = tpu.vector_load %arg10[%get3A_578, %get3A_579] {strides = array<i32>} : memref<2x128xf32, #tpu.memory_space<vmem>>, vector<1x16xf32>,
    %get3A_581 = vector.shape_cast %get3A_580 : vector<1x16xf32> to vector<16xf32>
    %get3A_582 = arith.constant 1 : i32
    %get3A_583 = arith.index_cast %get3A_582 : i32 to index
    %get3A_584 = arith.constant 96 : index
    %get3A_585 = tpu.vector_load %arg10[%get3A_583, %get3A_584] {strides = array<i32>} : memref<2x128xf32, #tpu.memory_space<vmem>>, vector<1x16xf32>,
    %get3A_586 = vector.shape_cast %get3A_585 : vector<1x16xf32> to vector<16xf32>
    %get3A_587 = arith.constant 1 : i32
    %get3A_588 = arith.index_cast %get3A_587 : i32 to index
    %get3A_589 = arith.constant 112 : index
    %get3A_590 = tpu.vector_load %arg10[%get3A_588, %get3A_589] {strides = array<i32>} : memref<2x128xf32, #tpu.memory_space<vmem>>, vector<1x16xf32>,
    %get3A_591 = vector.shape_cast %get3A_590 : vector<1x16xf32> to vector<16xf32>
    %add3A_592 = arith.addf %add3A_456, %get3A_516 : vector<16xf32>
    %add3A_593 = arith.addf %add3A_457, %get3A_521 : vector<16xf32>
    %add3A_594 = arith.addf %add3A_458, %get3A_526 : vector<16xf32>
    %add3A_595 = arith.addf %add3A_459, %get3A_531 : vector<16xf32>
    %add3A_596 = arith.addf %add3A_460, %get3A_536 : vector<16xf32>
    %add3A_597 = arith.addf %add3A_461, %get3A_541 : vector<16xf32>
    %add3A_598 = arith.addf %add3A_462, %get3A_546 : vector<16xf32>
    %add3A_599 = arith.addf %add3A_463, %get3A_551 : vector<16xf32>
    %add3A_600 = arith.addf %add3A_464, %get3A_556 : vector<16xf32>
    %add3A_601 = arith.addf %add3A_465, %get3A_561 : vector<16xf32>
    %add3A_602 = arith.addf %add3A_466, %get3A_566 : vector<16xf32>
    %add3A_603 = arith.addf %add3A_467, %get3A_571 : vector<16xf32>
    %add3A_604 = arith.addf %add3A_468, %get3A_576 : vector<16xf32>
    %add3A_605 = arith.addf %add3A_469, %get3A_581 : vector<16xf32>
    %add3A_606 = arith.addf %add3A_470, %get3A_586 : vector<16xf32>
    %add3A_607 = arith.addf %add3A_471, %get3A_591 : vector<16xf32>
    %dma_start3A_608 = arith.constant 8 : i32
    %dma_start3A_609 = arith.constant 0 : i32
    %dma_start3A_610 = arith.constant 0 : i32
    %dma_start3A_611 = tpu.memref_slice %arg10[%dma_start3A_609, %dma_start3A_610] : memref<2x128xf32, #tpu.memory_space<vmem>> -> memref<1x128xf32, #tpu.memory_space<vmem>>
    %dma_start3A_612 = tpu.memref_squeeze %dma_start3A_611 : memref<1x128xf32, #tpu.memory_space<vmem>> -> memref<128xf32, #tpu.memory_space<vmem>>
    %dma_start3A_613 = arith.constant 0 : i32
    %dma_start3A_614 = tpu.memref_slice %arg6[%dma_start3A_608, %dma_start3A_613] : memref<200x128xi32, #tpu.memory_space<vmem>> -> memref<1x128xi32, #tpu.memory_space<vmem>>
    %dma_start3A_615 = tpu.memref_squeeze %dma_start3A_614 : memref<1x128xi32, #tpu.memory_space<vmem>> -> memref<128xi32, #tpu.memory_space<vmem>>
    %dma_start3A_616 = arith.constant 0 : i32
    %dma_start3A_617 = tpu.memref_slice %arg3[%dma_start3A_616] : memref<1000000xf32, #tpu.memory_space<hbm>> -> memref<1000000xf32, #tpu.memory_space<hbm>>
    tpu.enqueue_indirect_dma source(%dma_start3A_617 : memref<1000000xf32, #tpu.memory_space<hbm>>) target(%dma_start3A_612 : memref<128xf32, #tpu.memory_space<vmem>>) offsets(%dma_start3A_615 : memref<128xi32, #tpu.memory_space<vmem>>) semaphore(%arg15 : memref<!tpu.dma_semaphore, #tpu.memory_space<semaphore_mem>>)
    %dma_start3A_618 = arith.constant 8 : i32
    %dma_start3A_619 = arith.constant 1 : i32
    %dma_start3A_620 = arith.constant 0 : i32
    %dma_start3A_621 = tpu.memref_slice %arg10[%dma_start3A_619, %dma_start3A_620] : memref<2x128xf32, #tpu.memory_space<vmem>> -> memref<1x128xf32, #tpu.memory_space<vmem>>
    %dma_start3A_622 = tpu.memref_squeeze %dma_start3A_621 : memref<1x128xf32, #tpu.memory_space<vmem>> -> memref<128xf32, #tpu.memory_space<vmem>>
    %dma_start3A_623 = arith.constant 0 : i32
    %dma_start3A_624 = tpu.memref_slice %arg6[%dma_start3A_618, %dma_start3A_623] : memref<200x128xi32, #tpu.memory_space<vmem>> -> memref<1x128xi32, #tpu.memory_space<vmem>>
    %dma_start3A_625 = tpu.memref_squeeze %dma_start3A_624 : memref<1x128xi32, #tpu.memory_space<vmem>> -> memref<128xi32, #tpu.memory_space<vmem>>
    %dma_start3A_626 = arith.constant 0 : i32
    %dma_start3A_627 = tpu.memref_slice %arg4[%dma_start3A_626] : memref<1000000xf32, #tpu.memory_space<hbm>> -> memref<1000000xf32, #tpu.memory_space<hbm>>
    tpu.enqueue_indirect_dma source(%dma_start3A_627 : memref<1000000xf32, #tpu.memory_space<hbm>>) target(%dma_start3A_622 : memref<128xf32, #tpu.memory_space<vmem>>) offsets(%dma_start3A_625 : memref<128xi32, #tpu.memory_space<vmem>>) semaphore(%arg15 : memref<!tpu.dma_semaphore, #tpu.memory_space<semaphore_mem>>)
    %dma_wait3A_628 = arith.constant 0 : i32
    %dma_wait3A_629 = arith.constant 0 : i32
    %dma_wait3A_630 = arith.constant 0 : i32
    %dma_wait3A_631 = tpu.memref_slice %arg11[%dma_wait3A_629, %dma_wait3A_630] : memref<2x128xf32, #tpu.memory_space<vmem>> -> memref<1x128xf32, #tpu.memory_space<vmem>>
    %dma_wait3A_632 = tpu.memref_squeeze %dma_wait3A_631 : memref<1x128xf32, #tpu.memory_space<vmem>> -> memref<128xf32, #tpu.memory_space<vmem>>
    %dma_wait3A_633 = arith.constant 0 : i32
    %dma_wait3A_634 = tpu.memref_slice %arg6[%dma_wait3A_628, %dma_wait3A_633] : memref<200x128xi32, #tpu.memory_space<vmem>> -> memref<1x128xi32, #tpu.memory_space<vmem>>
    %dma_wait3A_635 = tpu.memref_squeeze %dma_wait3A_634 : memref<1x128xi32, #tpu.memory_space<vmem>> -> memref<128xi32, #tpu.memory_space<vmem>>
    %dma_wait3A_636 = arith.constant 0 : i32
    %dma_wait3A_637 = tpu.memref_slice %arg3[%dma_wait3A_636] : memref<1000000xf32, #tpu.memory_space<hbm>> -> memref<1000000xf32, #tpu.memory_space<hbm>>
    tpu.wait_indirect_dma semaphore(%arg16 : memref<!tpu.dma_semaphore, #tpu.memory_space<semaphore_mem>>) src(%dma_wait3A_637 : memref<1000000xf32, #tpu.memory_space<hbm>>) dst(%dma_wait3A_632 : memref<128xf32, #tpu.memory_space<vmem>>)
    %dma_wait3A_638 = arith.constant 0 : i32
    %dma_wait3A_639 = arith.constant 1 : i32
    %dma_wait3A_640 = arith.constant 0 : i32
    %dma_wait3A_641 = tpu.memref_slice %arg11[%dma_wait3A_639, %dma_wait3A_640] : memref<2x128xf32, #tpu.memory_space<vmem>> -> memref<1x128xf32, #tpu.memory_space<vmem>>
    %dma_wait3A_642 = tpu.memref_squeeze %dma_wait3A_641 : memref<1x128xf32, #tpu.memory_space<vmem>> -> memref<128xf32, #tpu.memory_space<vmem>>
    %dma_wait3A_643 = arith.constant 0 : i32
    %dma_wait3A_644 = tpu.memref_slice %arg6[%dma_wait3A_638, %dma_wait3A_643] : memref<200x128xi32, #tpu.memory_space<vmem>> -> memref<1x128xi32, #tpu.memory_space<vmem>>
    %dma_wait3A_645 = tpu.memref_squeeze %dma_wait3A_644 : memref<1x128xi32, #tpu.memory_space<vmem>> -> memref<128xi32, #tpu.memory_space<vmem>>
    %dma_wait3A_646 = arith.constant 0 : i32
    %dma_wait3A_647 = tpu.memref_slice %arg4[%dma_wait3A_646] : memref<1000000xf32, #tpu.memory_space<hbm>> -> memref<1000000xf32, #tpu.memory_space<hbm>>
    tpu.wait_indirect_dma semaphore(%arg16 : memref<!tpu.dma_semaphore, #tpu.memory_space<semaphore_mem>>) src(%dma_wait3A_647 : memref<1000000xf32, #tpu.memory_space<hbm>>) dst(%dma_wait3A_642 : memref<128xf32, #tpu.memory_space<vmem>>)
    %get3A_648 = arith.constant 0 : i32
    %get3A_649 = arith.index_cast %get3A_648 : i32 to index
    %get3A_650 = arith.constant 0 : index
    %get3A_651 = tpu.vector_load %arg11[%get3A_649, %get3A_650] {strides = array<i32>} : memref<2x128xf32, #tpu.memory_space<vmem>>, vector<1x16xf32>,
    %get3A_652 = vector.shape_cast %get3A_651 : vector<1x16xf32> to vector<16xf32>
    %get3A_653 = arith.constant 0 : i32
    %get3A_654 = arith.index_cast %get3A_653 : i32 to index
    %get3A_655 = arith.constant 16 : index
    %get3A_656 = tpu.vector_load %arg11[%get3A_654, %get3A_655] {strides = array<i32>} : memref<2x128xf32, #tpu.memory_space<vmem>>, vector<1x16xf32>,
    %get3A_657 = vector.shape_cast %get3A_656 : vector<1x16xf32> to vector<16xf32>
    %get3A_658 = arith.constant 0 : i32
    %get3A_659 = arith.index_cast %get3A_658 : i32 to index
    %get3A_660 = arith.constant 32 : index
    %get3A_661 = tpu.vector_load %arg11[%get3A_659, %get3A_660] {strides = array<i32>} : memref<2x128xf32, #tpu.memory_space<vmem>>, vector<1x16xf32>,
    %get3A_662 = vector.shape_cast %get3A_661 : vector<1x16xf32> to vector<16xf32>
    %get3A_663 = arith.constant 0 : i32
    %get3A_664 = arith.index_cast %get3A_663 : i32 to index
    %get3A_665 = arith.constant 48 : index
    %get3A_666 = tpu.vector_load %arg11[%get3A_664, %get3A_665] {strides = array<i32>} : memref<2x128xf32, #tpu.memory_space<vmem>>, vector<1x16xf32>,
    %get3A_667 = vector.shape_cast %get3A_666 : vector<1x16xf32> to vector<16xf32>
    %get3A_668 = arith.constant 0 : i32
    %get3A_669 = arith.index_cast %get3A_668 : i32 to index
    %get3A_670 = arith.constant 64 : index
    %get3A_671 = tpu.vector_load %arg11[%get3A_669, %get3A_670] {strides = array<i32>} : memref<2x128xf32, #tpu.memory_space<vmem>>, vector<1x16xf32>,
    %get3A_672 = vector.shape_cast %get3A_671 : vector<1x16xf32> to vector<16xf32>
    %get3A_673 = arith.constant 0 : i32
    %get3A_674 = arith.index_cast %get3A_673 : i32 to index
    %get3A_675 = arith.constant 80 : index
    %get3A_676 = tpu.vector_load %arg11[%get3A_674, %get3A_675] {strides = array<i32>} : memref<2x128xf32, #tpu.memory_space<vmem>>, vector<1x16xf32>,
    %get3A_677 = vector.shape_cast %get3A_676 : vector<1x16xf32> to vector<16xf32>
    %get3A_678 = arith.constant 0 : i32
    %get3A_679 = arith.index_cast %get3A_678 : i32 to index
    %get3A_680 = arith.constant 96 : index
    %get3A_681 = tpu.vector_load %arg11[%get3A_679, %get3A_680] {strides = array<i32>} : memref<2x128xf32, #tpu.memory_space<vmem>>, vector<1x16xf32>,
    %get3A_682 = vector.shape_cast %get3A_681 : vector<1x16xf32> to vector<16xf32>
    %get3A_683 = arith.constant 0 : i32
    %get3A_684 = arith.index_cast %get3A_683 : i32 to index
    %get3A_685 = arith.constant 112 : index
    %get3A_686 = tpu.vector_load %arg11[%get3A_684, %get3A_685] {strides = array<i32>} : memref<2x128xf32, #tpu.memory_space<vmem>>, vector<1x16xf32>,
    %get3A_687 = vector.shape_cast %get3A_686 : vector<1x16xf32> to vector<16xf32>
    %get3A_688 = arith.constant 1 : i32
    %get3A_689 = arith.index_cast %get3A_688 : i32 to index
    %get3A_690 = arith.constant 0 : index
    %get3A_691 = tpu.vector_load %arg11[%get3A_689, %get3A_690] {strides = array<i32>} : memref<2x128xf32, #tpu.memory_space<vmem>>, vector<1x16xf32>,
    %get3A_692 = vector.shape_cast %get3A_691 : vector<1x16xf32> to vector<16xf32>
    %get3A_693 = arith.constant 1 : i32
    %get3A_694 = arith.index_cast %get3A_693 : i32 to index
    %get3A_695 = arith.constant 16 : index
    %get3A_696 = tpu.vector_load %arg11[%get3A_694, %get3A_695] {strides = array<i32>} : memref<2x128xf32, #tpu.memory_space<vmem>>, vector<1x16xf32>,
    %get3A_697 = vector.shape_cast %get3A_696 : vector<1x16xf32> to vector<16xf32>
    %get3A_698 = arith.constant 1 : i32
    %get3A_699 = arith.index_cast %get3A_698 : i32 to index
    %get3A_700 = arith.constant 32 : index
    %get3A_701 = tpu.vector_load %arg11[%get3A_699, %get3A_700] {strides = array<i32>} : memref<2x128xf32, #tpu.memory_space<vmem>>, vector<1x16xf32>,
    %get3A_702 = vector.shape_cast %get3A_701 : vector<1x16xf32> to vector<16xf32>
    %get3A_703 = arith.constant 1 : i32
    %get3A_704 = arith.index_cast %get3A_703 : i32 to index
    %get3A_705 = arith.constant 48 : index
    %get3A_706 = tpu.vector_load %arg11[%get3A_704, %get3A_705] {strides = array<i32>} : memref<2x128xf32, #tpu.memory_space<vmem>>, vector<1x16xf32>,
    %get3A_707 = vector.shape_cast %get3A_706 : vector<1x16xf32> to vector<16xf32>
    %get3A_708 = arith.constant 1 : i32
    %get3A_709 = arith.index_cast %get3A_708 : i32 to index
    %get3A_710 = arith.constant 64 : index
    %get3A_711 = tpu.vector_load %arg11[%get3A_709, %get3A_710] {strides = array<i32>} : memref<2x128xf32, #tpu.memory_space<vmem>>, vector<1x16xf32>,
    %get3A_712 = vector.shape_cast %get3A_711 : vector<1x16xf32> to vector<16xf32>
    %get3A_713 = arith.constant 1 : i32
    %get3A_714 = arith.index_cast %get3A_713 : i32 to index
    %get3A_715 = arith.constant 80 : index
    %get3A_716 = tpu.vector_load %arg11[%get3A_714, %get3A_715] {strides = array<i32>} : memref<2x128xf32, #tpu.memory_space<vmem>>, vector<1x16xf32>,
    %get3A_717 = vector.shape_cast %get3A_716 : vector<1x16xf32> to vector<16xf32>
    %get3A_718 = arith.constant 1 : i32
    %get3A_719 = arith.index_cast %get3A_718 : i32 to index
    %get3A_720 = arith.constant 96 : index
    %get3A_721 = tpu.vector_load %arg11[%get3A_719, %get3A_720] {strides = array<i32>} : memref<2x128xf32, #tpu.memory_space<vmem>>, vector<1x16xf32>,
    %get3A_722 = vector.shape_cast %get3A_721 : vector<1x16xf32> to vector<16xf32>
    %get3A_723 = arith.constant 1 : i32
    %get3A_724 = arith.index_cast %get3A_723 : i32 to index
    %get3A_725 = arith.constant 112 : index
    %get3A_726 = tpu.vector_load %arg11[%get3A_724, %get3A_725] {strides = array<i32>} : memref<2x128xf32, #tpu.memory_space<vmem>>, vector<1x16xf32>,
    %get3A_727 = vector.shape_cast %get3A_726 : vector<1x16xf32> to vector<16xf32>
    %add3A_728 = arith.addf %add3A_592, %get3A_652 : vector<16xf32>
    %add3A_729 = arith.addf %add3A_593, %get3A_657 : vector<16xf32>
    %add3A_730 = arith.addf %add3A_594, %get3A_662 : vector<16xf32>
    %add3A_731 = arith.addf %add3A_595, %get3A_667 : vector<16xf32>
    %add3A_732 = arith.addf %add3A_596, %get3A_672 : vector<16xf32>
    %add3A_733 = arith.addf %add3A_597, %get3A_677 : vector<16xf32>
    %add3A_734 = arith.addf %add3A_598, %get3A_682 : vector<16xf32>
    %add3A_735 = arith.addf %add3A_599, %get3A_687 : vector<16xf32>
    %add3A_736 = arith.addf %add3A_600, %get3A_692 : vector<16xf32>
    %add3A_737 = arith.addf %add3A_601, %get3A_697 : vector<16xf32>
    %add3A_738 = arith.addf %add3A_602, %get3A_702 : vector<16xf32>
    %add3A_739 = arith.addf %add3A_603, %get3A_707 : vector<16xf32>
    %add3A_740 = arith.addf %add3A_604, %get3A_712 : vector<16xf32>
    %add3A_741 = arith.addf %add3A_605, %get3A_717 : vector<16xf32>
    %add3A_742 = arith.addf %add3A_606, %get3A_722 : vector<16xf32>
    %add3A_743 = arith.addf %add3A_607, %get3A_727 : vector<16xf32>
    %dma_start3A_744 = arith.constant 9 : i32
    %dma_start3A_745 = arith.constant 0 : i32
    %dma_start3A_746 = arith.constant 0 : i32
    %dma_start3A_747 = tpu.memref_slice %arg11[%dma_start3A_745, %dma_start3A_746] : memref<2x128xf32, #tpu.memory_space<vmem>> -> memref<1x128xf32, #tpu.memory_space<vmem>>
    %dma_start3A_748 = tpu.memref_squeeze %dma_start3A_747 : memref<1x128xf32, #tpu.memory_space<vmem>> -> memref<128xf32, #tpu.memory_space<vmem>>
    %dma_start3A_749 = arith.constant 0 : i32
    %dma_start3A_750 = tpu.memref_slice %arg6[%dma_start3A_744, %dma_start3A_749] : memref<200x128xi32, #tpu.memory_space<vmem>> -> memref<1x128xi32, #tpu.memory_space<vmem>>
    %dma_start3A_751 = tpu.memref_squeeze %dma_start3A_750 : memref<1x128xi32, #tpu.memory_space<vmem>> -> memref<128xi32, #tpu.memory_space<vmem>>
    %dma_start3A_752 = arith.constant 0 : i32
    %dma_start3A_753 = tpu.memref_slice %arg3[%dma_start3A_752] : memref<1000000xf32, #tpu.memory_space<hbm>> -> memref<1000000xf32, #tpu.memory_space<hbm>>
    tpu.enqueue_indirect_dma source(%dma_start3A_753 : memref<1000000xf32, #tpu.memory_space<hbm>>) target(%dma_start3A_748 : memref<128xf32, #tpu.memory_space<vmem>>) offsets(%dma_start3A_751 : memref<128xi32, #tpu.memory_space<vmem>>) semaphore(%arg16 : memref<!tpu.dma_semaphore, #tpu.memory_space<semaphore_mem>>)
    %dma_start3A_754 = arith.constant 9 : i32
    %dma_start3A_755 = arith.constant 1 : i32
    %dma_start3A_756 = arith.constant 0 : i32
    %dma_start3A_757 = tpu.memref_slice %arg11[%dma_start3A_755, %dma_start3A_756] : memref<2x128xf32, #tpu.memory_space<vmem>> -> memref<1x128xf32, #tpu.memory_space<vmem>>
    %dma_start3A_758 = tpu.memref_squeeze %dma_start3A_757 : memref<1x128xf32, #tpu.memory_space<vmem>> -> memref<128xf32, #tpu.memory_space<vmem>>
    %dma_start3A_759 = arith.constant 0 : i32
    %dma_start3A_760 = tpu.memref_slice %arg6[%dma_start3A_754, %dma_start3A_759] : memref<200x128xi32, #tpu.memory_space<vmem>> -> memref<1x128xi32, #tpu.memory_space<vmem>>
    %dma_start3A_761 = tpu.memref_squeeze %dma_start3A_760 : memref<1x128xi32, #tpu.memory_space<vmem>> -> memref<128xi32, #tpu.memory_space<vmem>>
    %dma_start3A_762 = arith.constant 0 : i32
    %dma_start3A_763 = tpu.memref_slice %arg4[%dma_start3A_762] : memref<1000000xf32, #tpu.memory_space<hbm>> -> memref<1000000xf32, #tpu.memory_space<hbm>>
    tpu.enqueue_indirect_dma source(%dma_start3A_763 : memref<1000000xf32, #tpu.memory_space<hbm>>) target(%dma_start3A_758 : memref<128xf32, #tpu.memory_space<vmem>>) offsets(%dma_start3A_761 : memref<128xi32, #tpu.memory_space<vmem>>) semaphore(%arg16 : memref<!tpu.dma_semaphore, #tpu.memory_space<semaphore_mem>>)
    %scan3A = arith.constant 1 : i32
    %scan3A_764 = arith.constant 38 : i32
    %scan3A_765 = arith.addi %scan3A, %scan3A_764 : i32
    %scan3A_766 = arith.constant 1 : i32
    %scan3A_767:16 = scf.for %scan3A_1444 = %scan3A to %scan3A_765 step %scan3A_766 iter_args(%scan3A_1445 = %add3A_728, %scan3A_1446 = %add3A_729, %scan3A_1447 = %add3A_730, %scan3A_1448 = %add3A_731, %scan3A_1449 = %add3A_732, %scan3A_1450 = %add3A_733, %scan3A_1451 = %add3A_734, %scan3A_1452 = %add3A_735, %scan3A_1453 = %add3A_736, %scan3A_1454 = %add3A_737, %scan3A_1455 = %add3A_738, %scan3A_1456 = %add3A_739, %scan3A_1457 = %add3A_740, %scan3A_1458 = %add3A_741, %scan3A_1459 = %add3A_742, %scan3A_1460 = %add3A_743) -> (vector<16xf32>, vector<16xf32>, vector<16xf32>, vector<16xf32>, vector<16xf32>, vector<16xf32>, vector<16xf32>, vector<16xf32>, vector<16xf32>, vector<16xf32>, vector<16xf32>, vector<16xf32>, vector<16xf32>, vector<16xf32>, vector<16xf32>, vector<16xf32>)  : i32 {
      %dma_wait3A_1461 = arith.constant 0 : i32
      %dma_wait3A_1462 = arith.constant 0 : i32
      %dma_wait3A_1463 = arith.constant 0 : i32
      %dma_wait3A_1464 = tpu.memref_slice %arg7[%dma_wait3A_1462, %dma_wait3A_1463] : memref<2x128xf32, #tpu.memory_space<vmem>> -> memref<1x128xf32, #tpu.memory_space<vmem>>
      %dma_wait3A_1465 = tpu.memref_squeeze %dma_wait3A_1464 : memref<1x128xf32, #tpu.memory_space<vmem>> -> memref<128xf32, #tpu.memory_space<vmem>>
      %dma_wait3A_1466 = arith.constant 0 : i32
      %dma_wait3A_1467 = tpu.memref_slice %arg6[%dma_wait3A_1461, %dma_wait3A_1466] : memref<200x128xi32, #tpu.memory_space<vmem>> -> memref<1x128xi32, #tpu.memory_space<vmem>>
      %dma_wait3A_1468 = tpu.memref_squeeze %dma_wait3A_1467 : memref<1x128xi32, #tpu.memory_space<vmem>> -> memref<128xi32, #tpu.memory_space<vmem>>
      %dma_wait3A_1469 = arith.constant 0 : i32
      %dma_wait3A_1470 = tpu.memref_slice %arg3[%dma_wait3A_1469] : memref<1000000xf32, #tpu.memory_space<hbm>> -> memref<1000000xf32, #tpu.memory_space<hbm>>
      tpu.wait_indirect_dma semaphore(%arg12 : memref<!tpu.dma_semaphore, #tpu.memory_space<semaphore_mem>>) src(%dma_wait3A_1470 : memref<1000000xf32, #tpu.memory_space<hbm>>) dst(%dma_wait3A_1465 : memref<128xf32, #tpu.memory_space<vmem>>)
      %dma_wait3A_1471 = arith.constant 0 : i32
      %dma_wait3A_1472 = arith.constant 1 : i32
      %dma_wait3A_1473 = arith.constant 0 : i32
      %dma_wait3A_1474 = tpu.memref_slice %arg7[%dma_wait3A_1472, %dma_wait3A_1473] : memref<2x128xf32, #tpu.memory_space<vmem>> -> memref<1x128xf32, #tpu.memory_space<vmem>>
      %dma_wait3A_1475 = tpu.memref_squeeze %dma_wait3A_1474 : memref<1x128xf32, #tpu.memory_space<vmem>> -> memref<128xf32, #tpu.memory_space<vmem>>
      %dma_wait3A_1476 = arith.constant 0 : i32
      %dma_wait3A_1477 = tpu.memref_slice %arg6[%dma_wait3A_1471, %dma_wait3A_1476] : memref<200x128xi32, #tpu.memory_space<vmem>> -> memref<1x128xi32, #tpu.memory_space<vmem>>
      %dma_wait3A_1478 = tpu.memref_squeeze %dma_wait3A_1477 : memref<1x128xi32, #tpu.memory_space<vmem>> -> memref<128xi32, #tpu.memory_space<vmem>>
      %dma_wait3A_1479 = arith.constant 0 : i32
      %dma_wait3A_1480 = tpu.memref_slice %arg4[%dma_wait3A_1479] : memref<1000000xf32, #tpu.memory_space<hbm>> -> memref<1000000xf32, #tpu.memory_space<hbm>>
      tpu.wait_indirect_dma semaphore(%arg12 : memref<!tpu.dma_semaphore, #tpu.memory_space<semaphore_mem>>) src(%dma_wait3A_1480 : memref<1000000xf32, #tpu.memory_space<hbm>>) dst(%dma_wait3A_1475 : memref<128xf32, #tpu.memory_space<vmem>>)
      %get3A_1481 = arith.constant 0 : i32
      %get3A_1482 = arith.index_cast %get3A_1481 : i32 to index
      %get3A_1483 = arith.constant 0 : index
      %get3A_1484 = tpu.vector_load %arg7[%get3A_1482, %get3A_1483] {strides = array<i32>} : memref<2x128xf32, #tpu.memory_space<vmem>>, vector<1x16xf32>,
      %get3A_1485 = vector.shape_cast %get3A_1484 : vector<1x16xf32> to vector<16xf32>
      %get3A_1486 = arith.constant 0 : i32
      %get3A_1487 = arith.index_cast %get3A_1486 : i32 to index
      %get3A_1488 = arith.constant 16 : index
      %get3A_1489 = tpu.vector_load %arg7[%get3A_1487, %get3A_1488] {strides = array<i32>} : memref<2x128xf32, #tpu.memory_space<vmem>>, vector<1x16xf32>,
      %get3A_1490 = vector.shape_cast %get3A_1489 : vector<1x16xf32> to vector<16xf32>
      %get3A_1491 = arith.constant 0 : i32
      %get3A_1492 = arith.index_cast %get3A_1491 : i32 to index
      %get3A_1493 = arith.constant 32 : index
      %get3A_1494 = tpu.vector_load %arg7[%get3A_1492, %get3A_1493] {strides = array<i32>} : memref<2x128xf32, #tpu.memory_space<vmem>>, vector<1x16xf32>,
      %get3A_1495 = vector.shape_cast %get3A_1494 : vector<1x16xf32> to vector<16xf32>
      %get3A_1496 = arith.constant 0 : i32
      %get3A_1497 = arith.index_cast %get3A_1496 : i32 to index
      %get3A_1498 = arith.constant 48 : index
      %get3A_1499 = tpu.vector_load %arg7[%get3A_1497, %get3A_1498] {strides = array<i32>} : memref<2x128xf32, #tpu.memory_space<vmem>>, vector<1x16xf32>,
      %get3A_1500 = vector.shape_cast %get3A_1499 : vector<1x16xf32> to vector<16xf32>
      %get3A_1501 = arith.constant 0 : i32
      %get3A_1502 = arith.index_cast %get3A_1501 : i32 to index
      %get3A_1503 = arith.constant 64 : index
      %get3A_1504 = tpu.vector_load %arg7[%get3A_1502, %get3A_1503] {strides = array<i32>} : memref<2x128xf32, #tpu.memory_space<vmem>>, vector<1x16xf32>,
      %get3A_1505 = vector.shape_cast %get3A_1504 : vector<1x16xf32> to vector<16xf32>
      %get3A_1506 = arith.constant 0 : i32
      %get3A_1507 = arith.index_cast %get3A_1506 : i32 to index
      %get3A_1508 = arith.constant 80 : index
      %get3A_1509 = tpu.vector_load %arg7[%get3A_1507, %get3A_1508] {strides = array<i32>} : memref<2x128xf32, #tpu.memory_space<vmem>>, vector<1x16xf32>,
      %get3A_1510 = vector.shape_cast %get3A_1509 : vector<1x16xf32> to vector<16xf32>
      %get3A_1511 = arith.constant 0 : i32
      %get3A_1512 = arith.index_cast %get3A_1511 : i32 to index
      %get3A_1513 = arith.constant 96 : index
      %get3A_1514 = tpu.vector_load %arg7[%get3A_1512, %get3A_1513] {strides = array<i32>} : memref<2x128xf32, #tpu.memory_space<vmem>>, vector<1x16xf32>,
      %get3A_1515 = vector.shape_cast %get3A_1514 : vector<1x16xf32> to vector<16xf32>
      %get3A_1516 = arith.constant 0 : i32
      %get3A_1517 = arith.index_cast %get3A_1516 : i32 to index
      %get3A_1518 = arith.constant 112 : index
      %get3A_1519 = tpu.vector_load %arg7[%get3A_1517, %get3A_1518] {strides = array<i32>} : memref<2x128xf32, #tpu.memory_space<vmem>>, vector<1x16xf32>,
      %get3A_1520 = vector.shape_cast %get3A_1519 : vector<1x16xf32> to vector<16xf32>
      %get3A_1521 = arith.constant 1 : i32
      %get3A_1522 = arith.index_cast %get3A_1521 : i32 to index
      %get3A_1523 = arith.constant 0 : index
      %get3A_1524 = tpu.vector_load %arg7[%get3A_1522, %get3A_1523] {strides = array<i32>} : memref<2x128xf32, #tpu.memory_space<vmem>>, vector<1x16xf32>,
      %get3A_1525 = vector.shape_cast %get3A_1524 : vector<1x16xf32> to vector<16xf32>
      %get3A_1526 = arith.constant 1 : i32
      %get3A_1527 = arith.index_cast %get3A_1526 : i32 to index
      %get3A_1528 = arith.constant 16 : index
      %get3A_1529 = tpu.vector_load %arg7[%get3A_1527, %get3A_1528] {strides = array<i32>} : memref<2x128xf32, #tpu.memory_space<vmem>>, vector<1x16xf32>,
      %get3A_1530 = vector.shape_cast %get3A_1529 : vector<1x16xf32> to vector<16xf32>
      %get3A_1531 = arith.constant 1 : i32
      %get3A_1532 = arith.index_cast %get3A_1531 : i32 to index
      %get3A_1533 = arith.constant 32 : index
      %get3A_1534 = tpu.vector_load %arg7[%get3A_1532, %get3A_1533] {strides = array<i32>} : memref<2x128xf32, #tpu.memory_space<vmem>>, vector<1x16xf32>,
      %get3A_1535 = vector.shape_cast %get3A_1534 : vector<1x16xf32> to vector<16xf32>
      %get3A_1536 = arith.constant 1 : i32
      %get3A_1537 = arith.index_cast %get3A_1536 : i32 to index
      %get3A_1538 = arith.constant 48 : index
      %get3A_1539 = tpu.vector_load %arg7[%get3A_1537, %get3A_1538] {strides = array<i32>} : memref<2x128xf32, #tpu.memory_space<vmem>>, vector<1x16xf32>,
      %get3A_1540 = vector.shape_cast %get3A_1539 : vector<1x16xf32> to vector<16xf32>
      %get3A_1541 = arith.constant 1 : i32
      %get3A_1542 = arith.index_cast %get3A_1541 : i32 to index
      %get3A_1543 = arith.constant 64 : index
      %get3A_1544 = tpu.vector_load %arg7[%get3A_1542, %get3A_1543] {strides = array<i32>} : memref<2x128xf32, #tpu.memory_space<vmem>>, vector<1x16xf32>,
      %get3A_1545 = vector.shape_cast %get3A_1544 : vector<1x16xf32> to vector<16xf32>
      %get3A_1546 = arith.constant 1 : i32
      %get3A_1547 = arith.index_cast %get3A_1546 : i32 to index
      %get3A_1548 = arith.constant 80 : index
      %get3A_1549 = tpu.vector_load %arg7[%get3A_1547, %get3A_1548] {strides = array<i32>} : memref<2x128xf32, #tpu.memory_space<vmem>>, vector<1x16xf32>,
      %get3A_1550 = vector.shape_cast %get3A_1549 : vector<1x16xf32> to vector<16xf32>
      %get3A_1551 = arith.constant 1 : i32
      %get3A_1552 = arith.index_cast %get3A_1551 : i32 to index
      %get3A_1553 = arith.constant 96 : index
      %get3A_1554 = tpu.vector_load %arg7[%get3A_1552, %get3A_1553] {strides = array<i32>} : memref<2x128xf32, #tpu.memory_space<vmem>>, vector<1x16xf32>,
      %get3A_1555 = vector.shape_cast %get3A_1554 : vector<1x16xf32> to vector<16xf32>
      %get3A_1556 = arith.constant 1 : i32
      %get3A_1557 = arith.index_cast %get3A_1556 : i32 to index
      %get3A_1558 = arith.constant 112 : index
      %get3A_1559 = tpu.vector_load %arg7[%get3A_1557, %get3A_1558] {strides = array<i32>} : memref<2x128xf32, #tpu.memory_space<vmem>>, vector<1x16xf32>,
      %get3A_1560 = vector.shape_cast %get3A_1559 : vector<1x16xf32> to vector<16xf32>
      %add3A_1561 = arith.addf %scan3A_1445, %get3A_1485 : vector<16xf32>
      %add3A_1562 = arith.addf %scan3A_1446, %get3A_1490 : vector<16xf32>
      %add3A_1563 = arith.addf %scan3A_1447, %get3A_1495 : vector<16xf32>
      %add3A_1564 = arith.addf %scan3A_1448, %get3A_1500 : vector<16xf32>
      %add3A_1565 = arith.addf %scan3A_1449, %get3A_1505 : vector<16xf32>
      %add3A_1566 = arith.addf %scan3A_1450, %get3A_1510 : vector<16xf32>
      %add3A_1567 = arith.addf %scan3A_1451, %get3A_1515 : vector<16xf32>
      %add3A_1568 = arith.addf %scan3A_1452, %get3A_1520 : vector<16xf32>
      %add3A_1569 = arith.addf %scan3A_1453, %get3A_1525 : vector<16xf32>
      %add3A_1570 = arith.addf %scan3A_1454, %get3A_1530 : vector<16xf32>
      %add3A_1571 = arith.addf %scan3A_1455, %get3A_1535 : vector<16xf32>
      %add3A_1572 = arith.addf %scan3A_1456, %get3A_1540 : vector<16xf32>
      %add3A_1573 = arith.addf %scan3A_1457, %get3A_1545 : vector<16xf32>
      %add3A_1574 = arith.addf %scan3A_1458, %get3A_1550 : vector<16xf32>
      %add3A_1575 = arith.addf %scan3A_1459, %get3A_1555 : vector<16xf32>
      %add3A_1576 = arith.addf %scan3A_1460, %get3A_1560 : vector<16xf32>
      %mul3A_1577 = arith.constant 5 : i32
      %mul3A_1578 = arith.muli %mul3A_1577, %scan3A_1444 : i32
      %add3A_1579 = arith.constant 5 : i32
      %add3A_1580 = arith.addi %mul3A_1578, %add3A_1579 : i32
      %add3A_1581 = arith.constant 0 : i32
      %add3A_1582 = arith.addi %add3A_1580, %add3A_1581 : i32
      %dma_start3A_1583 = arith.constant 0 : i32
      %dma_start3A_1584 = arith.constant 0 : i32
      %dma_start3A_1585 = tpu.memref_slice %arg7[%dma_start3A_1583, %dma_start3A_1584] : memref<2x128xf32, #tpu.memory_space<vmem>> -> memref<1x128xf32, #tpu.memory_space<vmem>>
      %dma_start3A_1586 = tpu.memref_squeeze %dma_start3A_1585 : memref<1x128xf32, #tpu.memory_space<vmem>> -> memref<128xf32, #tpu.memory_space<vmem>>
      %dma_start3A_1587 = arith.constant 0 : i32
      %dma_start3A_1588 = tpu.memref_slice %arg6[%add3A_1582, %dma_start3A_1587] : memref<200x128xi32, #tpu.memory_space<vmem>> -> memref<1x128xi32, #tpu.memory_space<vmem>>
      %dma_start3A_1589 = tpu.memref_squeeze %dma_start3A_1588 : memref<1x128xi32, #tpu.memory_space<vmem>> -> memref<128xi32, #tpu.memory_space<vmem>>
      %dma_start3A_1590 = arith.constant 0 : i32
      %dma_start3A_1591 = tpu.memref_slice %arg3[%dma_start3A_1590] : memref<1000000xf32, #tpu.memory_space<hbm>> -> memref<1000000xf32, #tpu.memory_space<hbm>>
      tpu.enqueue_indirect_dma source(%dma_start3A_1591 : memref<1000000xf32, #tpu.memory_space<hbm>>) target(%dma_start3A_1586 : memref<128xf32, #tpu.memory_space<vmem>>) offsets(%dma_start3A_1589 : memref<128xi32, #tpu.memory_space<vmem>>) semaphore(%arg12 : memref<!tpu.dma_semaphore, #tpu.memory_space<semaphore_mem>>)
      %dma_start3A_1592 = arith.constant 1 : i32
      %dma_start3A_1593 = arith.constant 0 : i32
      %dma_start3A_1594 = tpu.memref_slice %arg7[%dma_start3A_1592, %dma_start3A_1593] : memref<2x128xf32, #tpu.memory_space<vmem>> -> memref<1x128xf32, #tpu.memory_space<vmem>>
      %dma_start3A_1595 = tpu.memref_squeeze %dma_start3A_1594 : memref<1x128xf32, #tpu.memory_space<vmem>> -> memref<128xf32, #tpu.memory_space<vmem>>
      %dma_start3A_1596 = arith.constant 0 : i32
      %dma_start3A_1597 = tpu.memref_slice %arg6[%add3A_1582, %dma_start3A_1596] : memref<200x128xi32, #tpu.memory_space<vmem>> -> memref<1x128xi32, #tpu.memory_space<vmem>>
      %dma_start3A_1598 = tpu.memref_squeeze %dma_start3A_1597 : memref<1x128xi32, #tpu.memory_space<vmem>> -> memref<128xi32, #tpu.memory_space<vmem>>
      %dma_start3A_1599 = arith.constant 0 : i32
      %dma_start3A_1600 = tpu.memref_slice %arg4[%dma_start3A_1599] : memref<1000000xf32, #tpu.memory_space<hbm>> -> memref<1000000xf32, #tpu.memory_space<hbm>>
      tpu.enqueue_indirect_dma source(%dma_start3A_1600 : memref<1000000xf32, #tpu.memory_space<hbm>>) target(%dma_start3A_1595 : memref<128xf32, #tpu.memory_space<vmem>>) offsets(%dma_start3A_1598 : memref<128xi32, #tpu.memory_space<vmem>>) semaphore(%arg12 : memref<!tpu.dma_semaphore, #tpu.memory_space<semaphore_mem>>)
      %dma_wait3A_1601 = arith.constant 0 : i32
      %dma_wait3A_1602 = arith.constant 0 : i32
      %dma_wait3A_1603 = arith.constant 0 : i32
      %dma_wait3A_1604 = tpu.memref_slice %arg8[%dma_wait3A_1602, %dma_wait3A_1603] : memref<2x128xf32, #tpu.memory_space<vmem>> -> memref<1x128xf32, #tpu.memory_space<vmem>>
      %dma_wait3A_1605 = tpu.memref_squeeze %dma_wait3A_1604 : memref<1x128xf32, #tpu.memory_space<vmem>> -> memref<128xf32, #tpu.memory_space<vmem>>
      %dma_wait3A_1606 = arith.constant 0 : i32
      %dma_wait3A_1607 = tpu.memref_slice %arg6[%dma_wait3A_1601, %dma_wait3A_1606] : memref<200x128xi32, #tpu.memory_space<vmem>> -> memref<1x128xi32, #tpu.memory_space<vmem>>
      %dma_wait3A_1608 = tpu.memref_squeeze %dma_wait3A_1607 : memref<1x128xi32, #tpu.memory_space<vmem>> -> memref<128xi32, #tpu.memory_space<vmem>>
      %dma_wait3A_1609 = arith.constant 0 : i32
      %dma_wait3A_1610 = tpu.memref_slice %arg3[%dma_wait3A_1609] : memref<1000000xf32, #tpu.memory_space<hbm>> -> memref<1000000xf32, #tpu.memory_space<hbm>>
      tpu.wait_indirect_dma semaphore(%arg13 : memref<!tpu.dma_semaphore, #tpu.memory_space<semaphore_mem>>) src(%dma_wait3A_1610 : memref<1000000xf32, #tpu.memory_space<hbm>>) dst(%dma_wait3A_1605 : memref<128xf32, #tpu.memory_space<vmem>>)
      %dma_wait3A_1611 = arith.constant 0 : i32
      %dma_wait3A_1612 = arith.constant 1 : i32
      %dma_wait3A_1613 = arith.constant 0 : i32
      %dma_wait3A_1614 = tpu.memref_slice %arg8[%dma_wait3A_1612, %dma_wait3A_1613] : memref<2x128xf32, #tpu.memory_space<vmem>> -> memref<1x128xf32, #tpu.memory_space<vmem>>
      %dma_wait3A_1615 = tpu.memref_squeeze %dma_wait3A_1614 : memref<1x128xf32, #tpu.memory_space<vmem>> -> memref<128xf32, #tpu.memory_space<vmem>>
      %dma_wait3A_1616 = arith.constant 0 : i32
      %dma_wait3A_1617 = tpu.memref_slice %arg6[%dma_wait3A_1611, %dma_wait3A_1616] : memref<200x128xi32, #tpu.memory_space<vmem>> -> memref<1x128xi32, #tpu.memory_space<vmem>>
      %dma_wait3A_1618 = tpu.memref_squeeze %dma_wait3A_1617 : memref<1x128xi32, #tpu.memory_space<vmem>> -> memref<128xi32, #tpu.memory_space<vmem>>
      %dma_wait3A_1619 = arith.constant 0 : i32
      %dma_wait3A_1620 = tpu.memref_slice %arg4[%dma_wait3A_1619] : memref<1000000xf32, #tpu.memory_space<hbm>> -> memref<1000000xf32, #tpu.memory_space<hbm>>
      tpu.wait_indirect_dma semaphore(%arg13 : memref<!tpu.dma_semaphore, #tpu.memory_space<semaphore_mem>>) src(%dma_wait3A_1620 : memref<1000000xf32, #tpu.memory_space<hbm>>) dst(%dma_wait3A_1615 : memref<128xf32, #tpu.memory_space<vmem>>)
      %get3A_1621 = arith.constant 0 : i32
      %get3A_1622 = arith.index_cast %get3A_1621 : i32 to index
      %get3A_1623 = arith.constant 0 : index
      %get3A_1624 = tpu.vector_load %arg8[%get3A_1622, %get3A_1623] {strides = array<i32>} : memref<2x128xf32, #tpu.memory_space<vmem>>, vector<1x16xf32>,
      %get3A_1625 = vector.shape_cast %get3A_1624 : vector<1x16xf32> to vector<16xf32>
      %get3A_1626 = arith.constant 0 : i32
      %get3A_1627 = arith.index_cast %get3A_1626 : i32 to index
      %get3A_1628 = arith.constant 16 : index
      %get3A_1629 = tpu.vector_load %arg8[%get3A_1627, %get3A_1628] {strides = array<i32>} : memref<2x128xf32, #tpu.memory_space<vmem>>, vector<1x16xf32>,
      %get3A_1630 = vector.shape_cast %get3A_1629 : vector<1x16xf32> to vector<16xf32>
      %get3A_1631 = arith.constant 0 : i32
      %get3A_1632 = arith.index_cast %get3A_1631 : i32 to index
      %get3A_1633 = arith.constant 32 : index
      %get3A_1634 = tpu.vector_load %arg8[%get3A_1632, %get3A_1633] {strides = array<i32>} : memref<2x128xf32, #tpu.memory_space<vmem>>, vector<1x16xf32>,
      %get3A_1635 = vector.shape_cast %get3A_1634 : vector<1x16xf32> to vector<16xf32>
      %get3A_1636 = arith.constant 0 : i32
      %get3A_1637 = arith.index_cast %get3A_1636 : i32 to index
      %get3A_1638 = arith.constant 48 : index
      %get3A_1639 = tpu.vector_load %arg8[%get3A_1637, %get3A_1638] {strides = array<i32>} : memref<2x128xf32, #tpu.memory_space<vmem>>, vector<1x16xf32>,
      %get3A_1640 = vector.shape_cast %get3A_1639 : vector<1x16xf32> to vector<16xf32>
      %get3A_1641 = arith.constant 0 : i32
      %get3A_1642 = arith.index_cast %get3A_1641 : i32 to index
      %get3A_1643 = arith.constant 64 : index
      %get3A_1644 = tpu.vector_load %arg8[%get3A_1642, %get3A_1643] {strides = array<i32>} : memref<2x128xf32, #tpu.memory_space<vmem>>, vector<1x16xf32>,
      %get3A_1645 = vector.shape_cast %get3A_1644 : vector<1x16xf32> to vector<16xf32>
      %get3A_1646 = arith.constant 0 : i32
      %get3A_1647 = arith.index_cast %get3A_1646 : i32 to index
      %get3A_1648 = arith.constant 80 : index
      %get3A_1649 = tpu.vector_load %arg8[%get3A_1647, %get3A_1648] {strides = array<i32>} : memref<2x128xf32, #tpu.memory_space<vmem>>, vector<1x16xf32>,
      %get3A_1650 = vector.shape_cast %get3A_1649 : vector<1x16xf32> to vector<16xf32>
      %get3A_1651 = arith.constant 0 : i32
      %get3A_1652 = arith.index_cast %get3A_1651 : i32 to index
      %get3A_1653 = arith.constant 96 : index
      %get3A_1654 = tpu.vector_load %arg8[%get3A_1652, %get3A_1653] {strides = array<i32>} : memref<2x128xf32, #tpu.memory_space<vmem>>, vector<1x16xf32>,
      %get3A_1655 = vector.shape_cast %get3A_1654 : vector<1x16xf32> to vector<16xf32>
      %get3A_1656 = arith.constant 0 : i32
      %get3A_1657 = arith.index_cast %get3A_1656 : i32 to index
      %get3A_1658 = arith.constant 112 : index
      %get3A_1659 = tpu.vector_load %arg8[%get3A_1657, %get3A_1658] {strides = array<i32>} : memref<2x128xf32, #tpu.memory_space<vmem>>, vector<1x16xf32>,
      %get3A_1660 = vector.shape_cast %get3A_1659 : vector<1x16xf32> to vector<16xf32>
      %get3A_1661 = arith.constant 1 : i32
      %get3A_1662 = arith.index_cast %get3A_1661 : i32 to index
      %get3A_1663 = arith.constant 0 : index
      %get3A_1664 = tpu.vector_load %arg8[%get3A_1662, %get3A_1663] {strides = array<i32>} : memref<2x128xf32, #tpu.memory_space<vmem>>, vector<1x16xf32>,
      %get3A_1665 = vector.shape_cast %get3A_1664 : vector<1x16xf32> to vector<16xf32>
      %get3A_1666 = arith.constant 1 : i32
      %get3A_1667 = arith.index_cast %get3A_1666 : i32 to index
      %get3A_1668 = arith.constant 16 : index
      %get3A_1669 = tpu.vector_load %arg8[%get3A_1667, %get3A_1668] {strides = array<i32>} : memref<2x128xf32, #tpu.memory_space<vmem>>, vector<1x16xf32>,
      %get3A_1670 = vector.shape_cast %get3A_1669 : vector<1x16xf32> to vector<16xf32>
      %get3A_1671 = arith.constant 1 : i32
      %get3A_1672 = arith.index_cast %get3A_1671 : i32 to index
      %get3A_1673 = arith.constant 32 : index
      %get3A_1674 = tpu.vector_load %arg8[%get3A_1672, %get3A_1673] {strides = array<i32>} : memref<2x128xf32, #tpu.memory_space<vmem>>, vector<1x16xf32>,
      %get3A_1675 = vector.shape_cast %get3A_1674 : vector<1x16xf32> to vector<16xf32>
      %get3A_1676 = arith.constant 1 : i32
      %get3A_1677 = arith.index_cast %get3A_1676 : i32 to index
      %get3A_1678 = arith.constant 48 : index
      %get3A_1679 = tpu.vector_load %arg8[%get3A_1677, %get3A_1678] {strides = array<i32>} : memref<2x128xf32, #tpu.memory_space<vmem>>, vector<1x16xf32>,
      %get3A_1680 = vector.shape_cast %get3A_1679 : vector<1x16xf32> to vector<16xf32>
      %get3A_1681 = arith.constant 1 : i32
      %get3A_1682 = arith.index_cast %get3A_1681 : i32 to index
      %get3A_1683 = arith.constant 64 : index
      %get3A_1684 = tpu.vector_load %arg8[%get3A_1682, %get3A_1683] {strides = array<i32>} : memref<2x128xf32, #tpu.memory_space<vmem>>, vector<1x16xf32>,
      %get3A_1685 = vector.shape_cast %get3A_1684 : vector<1x16xf32> to vector<16xf32>
      %get3A_1686 = arith.constant 1 : i32
      %get3A_1687 = arith.index_cast %get3A_1686 : i32 to index
      %get3A_1688 = arith.constant 80 : index
      %get3A_1689 = tpu.vector_load %arg8[%get3A_1687, %get3A_1688] {strides = array<i32>} : memref<2x128xf32, #tpu.memory_space<vmem>>, vector<1x16xf32>,
      %get3A_1690 = vector.shape_cast %get3A_1689 : vector<1x16xf32> to vector<16xf32>
      %get3A_1691 = arith.constant 1 : i32
      %get3A_1692 = arith.index_cast %get3A_1691 : i32 to index
      %get3A_1693 = arith.constant 96 : index
      %get3A_1694 = tpu.vector_load %arg8[%get3A_1692, %get3A_1693] {strides = array<i32>} : memref<2x128xf32, #tpu.memory_space<vmem>>, vector<1x16xf32>,
      %get3A_1695 = vector.shape_cast %get3A_1694 : vector<1x16xf32> to vector<16xf32>
      %get3A_1696 = arith.constant 1 : i32
      %get3A_1697 = arith.index_cast %get3A_1696 : i32 to index
      %get3A_1698 = arith.constant 112 : index
      %get3A_1699 = tpu.vector_load %arg8[%get3A_1697, %get3A_1698] {strides = array<i32>} : memref<2x128xf32, #tpu.memory_space<vmem>>, vector<1x16xf32>,
      %get3A_1700 = vector.shape_cast %get3A_1699 : vector<1x16xf32> to vector<16xf32>
      %add3A_1701 = arith.addf %add3A_1561, %get3A_1625 : vector<16xf32>
      %add3A_1702 = arith.addf %add3A_1562, %get3A_1630 : vector<16xf32>
      %add3A_1703 = arith.addf %add3A_1563, %get3A_1635 : vector<16xf32>
      %add3A_1704 = arith.addf %add3A_1564, %get3A_1640 : vector<16xf32>
      %add3A_1705 = arith.addf %add3A_1565, %get3A_1645 : vector<16xf32>
      %add3A_1706 = arith.addf %add3A_1566, %get3A_1650 : vector<16xf32>
      %add3A_1707 = arith.addf %add3A_1567, %get3A_1655 : vector<16xf32>
      %add3A_1708 = arith.addf %add3A_1568, %get3A_1660 : vector<16xf32>
      %add3A_1709 = arith.addf %add3A_1569, %get3A_1665 : vector<16xf32>
      %add3A_1710 = arith.addf %add3A_1570, %get3A_1670 : vector<16xf32>
      %add3A_1711 = arith.addf %add3A_1571, %get3A_1675 : vector<16xf32>
      %add3A_1712 = arith.addf %add3A_1572, %get3A_1680 : vector<16xf32>
      %add3A_1713 = arith.addf %add3A_1573, %get3A_1685 : vector<16xf32>
      %add3A_1714 = arith.addf %add3A_1574, %get3A_1690 : vector<16xf32>
      %add3A_1715 = arith.addf %add3A_1575, %get3A_1695 : vector<16xf32>
      %add3A_1716 = arith.addf %add3A_1576, %get3A_1700 : vector<16xf32>
      %mul3A_1717 = arith.constant 5 : i32
      %mul3A_1718 = arith.muli %mul3A_1717, %scan3A_1444 : i32
      %add3A_1719 = arith.constant 5 : i32
      %add3A_1720 = arith.addi %mul3A_1718, %add3A_1719 : i32
      %add3A_1721 = arith.constant 1 : i32
      %add3A_1722 = arith.addi %add3A_1720, %add3A_1721 : i32
      %dma_start3A_1723 = arith.constant 0 : i32
      %dma_start3A_1724 = arith.constant 0 : i32
      %dma_start3A_1725 = tpu.memref_slice %arg8[%dma_start3A_1723, %dma_start3A_1724] : memref<2x128xf32, #tpu.memory_space<vmem>> -> memref<1x128xf32, #tpu.memory_space<vmem>>
      %dma_start3A_1726 = tpu.memref_squeeze %dma_start3A_1725 : memref<1x128xf32, #tpu.memory_space<vmem>> -> memref<128xf32, #tpu.memory_space<vmem>>
      %dma_start3A_1727 = arith.constant 0 : i32
      %dma_start3A_1728 = tpu.memref_slice %arg6[%add3A_1722, %dma_start3A_1727] : memref<200x128xi32, #tpu.memory_space<vmem>> -> memref<1x128xi32, #tpu.memory_space<vmem>>
      %dma_start3A_1729 = tpu.memref_squeeze %dma_start3A_1728 : memref<1x128xi32, #tpu.memory_space<vmem>> -> memref<128xi32, #tpu.memory_space<vmem>>
      %dma_start3A_1730 = arith.constant 0 : i32
      %dma_start3A_1731 = tpu.memref_slice %arg3[%dma_start3A_1730] : memref<1000000xf32, #tpu.memory_space<hbm>> -> memref<1000000xf32, #tpu.memory_space<hbm>>
      tpu.enqueue_indirect_dma source(%dma_start3A_1731 : memref<1000000xf32, #tpu.memory_space<hbm>>) target(%dma_start3A_1726 : memref<128xf32, #tpu.memory_space<vmem>>) offsets(%dma_start3A_1729 : memref<128xi32, #tpu.memory_space<vmem>>) semaphore(%arg13 : memref<!tpu.dma_semaphore, #tpu.memory_space<semaphore_mem>>)
      %dma_start3A_1732 = arith.constant 1 : i32
      %dma_start3A_1733 = arith.constant 0 : i32
      %dma_start3A_1734 = tpu.memref_slice %arg8[%dma_start3A_1732, %dma_start3A_1733] : memref<2x128xf32, #tpu.memory_space<vmem>> -> memref<1x128xf32, #tpu.memory_space<vmem>>
      %dma_start3A_1735 = tpu.memref_squeeze %dma_start3A_1734 : memref<1x128xf32, #tpu.memory_space<vmem>> -> memref<128xf32, #tpu.memory_space<vmem>>
      %dma_start3A_1736 = arith.constant 0 : i32
      %dma_start3A_1737 = tpu.memref_slice %arg6[%add3A_1722, %dma_start3A_1736] : memref<200x128xi32, #tpu.memory_space<vmem>> -> memref<1x128xi32, #tpu.memory_space<vmem>>
      %dma_start3A_1738 = tpu.memref_squeeze %dma_start3A_1737 : memref<1x128xi32, #tpu.memory_space<vmem>> -> memref<128xi32, #tpu.memory_space<vmem>>
      %dma_start3A_1739 = arith.constant 0 : i32
      %dma_start3A_1740 = tpu.memref_slice %arg4[%dma_start3A_1739] : memref<1000000xf32, #tpu.memory_space<hbm>> -> memref<1000000xf32, #tpu.memory_space<hbm>>
      tpu.enqueue_indirect_dma source(%dma_start3A_1740 : memref<1000000xf32, #tpu.memory_space<hbm>>) target(%dma_start3A_1735 : memref<128xf32, #tpu.memory_space<vmem>>) offsets(%dma_start3A_1738 : memref<128xi32, #tpu.memory_space<vmem>>) semaphore(%arg13 : memref<!tpu.dma_semaphore, #tpu.memory_space<semaphore_mem>>)
      %dma_wait3A_1741 = arith.constant 0 : i32
      %dma_wait3A_1742 = arith.constant 0 : i32
      %dma_wait3A_1743 = arith.constant 0 : i32
      %dma_wait3A_1744 = tpu.memref_slice %arg9[%dma_wait3A_1742, %dma_wait3A_1743] : memref<2x128xf32, #tpu.memory_space<vmem>> -> memref<1x128xf32, #tpu.memory_space<vmem>>
      %dma_wait3A_1745 = tpu.memref_squeeze %dma_wait3A_1744 : memref<1x128xf32, #tpu.memory_space<vmem>> -> memref<128xf32, #tpu.memory_space<vmem>>
      %dma_wait3A_1746 = arith.constant 0 : i32
      %dma_wait3A_1747 = tpu.memref_slice %arg6[%dma_wait3A_1741, %dma_wait3A_1746] : memref<200x128xi32, #tpu.memory_space<vmem>> -> memref<1x128xi32, #tpu.memory_space<vmem>>
      %dma_wait3A_1748 = tpu.memref_squeeze %dma_wait3A_1747 : memref<1x128xi32, #tpu.memory_space<vmem>> -> memref<128xi32, #tpu.memory_space<vmem>>
      %dma_wait3A_1749 = arith.constant 0 : i32
      %dma_wait3A_1750 = tpu.memref_slice %arg3[%dma_wait3A_1749] : memref<1000000xf32, #tpu.memory_space<hbm>> -> memref<1000000xf32, #tpu.memory_space<hbm>>
      tpu.wait_indirect_dma semaphore(%arg14 : memref<!tpu.dma_semaphore, #tpu.memory_space<semaphore_mem>>) src(%dma_wait3A_1750 : memref<1000000xf32, #tpu.memory_space<hbm>>) dst(%dma_wait3A_1745 : memref<128xf32, #tpu.memory_space<vmem>>)
      %dma_wait3A_1751 = arith.constant 0 : i32
      %dma_wait3A_1752 = arith.constant 1 : i32
      %dma_wait3A_1753 = arith.constant 0 : i32
      %dma_wait3A_1754 = tpu.memref_slice %arg9[%dma_wait3A_1752, %dma_wait3A_1753] : memref<2x128xf32, #tpu.memory_space<vmem>> -> memref<1x128xf32, #tpu.memory_space<vmem>>
      %dma_wait3A_1755 = tpu.memref_squeeze %dma_wait3A_1754 : memref<1x128xf32, #tpu.memory_space<vmem>> -> memref<128xf32, #tpu.memory_space<vmem>>
      %dma_wait3A_1756 = arith.constant 0 : i32
      %dma_wait3A_1757 = tpu.memref_slice %arg6[%dma_wait3A_1751, %dma_wait3A_1756] : memref<200x128xi32, #tpu.memory_space<vmem>> -> memref<1x128xi32, #tpu.memory_space<vmem>>
      %dma_wait3A_1758 = tpu.memref_squeeze %dma_wait3A_1757 : memref<1x128xi32, #tpu.memory_space<vmem>> -> memref<128xi32, #tpu.memory_space<vmem>>
      %dma_wait3A_1759 = arith.constant 0 : i32
      %dma_wait3A_1760 = tpu.memref_slice %arg4[%dma_wait3A_1759] : memref<1000000xf32, #tpu.memory_space<hbm>> -> memref<1000000xf32, #tpu.memory_space<hbm>>
      tpu.wait_indirect_dma semaphore(%arg14 : memref<!tpu.dma_semaphore, #tpu.memory_space<semaphore_mem>>) src(%dma_wait3A_1760 : memref<1000000xf32, #tpu.memory_space<hbm>>) dst(%dma_wait3A_1755 : memref<128xf32, #tpu.memory_space<vmem>>)
      %get3A_1761 = arith.constant 0 : i32
      %get3A_1762 = arith.index_cast %get3A_1761 : i32 to index
      %get3A_1763 = arith.constant 0 : index
      %get3A_1764 = tpu.vector_load %arg9[%get3A_1762, %get3A_1763] {strides = array<i32>} : memref<2x128xf32, #tpu.memory_space<vmem>>, vector<1x16xf32>,
      %get3A_1765 = vector.shape_cast %get3A_1764 : vector<1x16xf32> to vector<16xf32>
      %get3A_1766 = arith.constant 0 : i32
      %get3A_1767 = arith.index_cast %get3A_1766 : i32 to index
      %get3A_1768 = arith.constant 16 : index
      %get3A_1769 = tpu.vector_load %arg9[%get3A_1767, %get3A_1768] {strides = array<i32>} : memref<2x128xf32, #tpu.memory_space<vmem>>, vector<1x16xf32>,
      %get3A_1770 = vector.shape_cast %get3A_1769 : vector<1x16xf32> to vector<16xf32>
      %get3A_1771 = arith.constant 0 : i32
      %get3A_1772 = arith.index_cast %get3A_1771 : i32 to index
      %get3A_1773 = arith.constant 32 : index
      %get3A_1774 = tpu.vector_load %arg9[%get3A_1772, %get3A_1773] {strides = array<i32>} : memref<2x128xf32, #tpu.memory_space<vmem>>, vector<1x16xf32>,
      %get3A_1775 = vector.shape_cast %get3A_1774 : vector<1x16xf32> to vector<16xf32>
      %get3A_1776 = arith.constant 0 : i32
      %get3A_1777 = arith.index_cast %get3A_1776 : i32 to index
      %get3A_1778 = arith.constant 48 : index
      %get3A_1779 = tpu.vector_load %arg9[%get3A_1777, %get3A_1778] {strides = array<i32>} : memref<2x128xf32, #tpu.memory_space<vmem>>, vector<1x16xf32>,
      %get3A_1780 = vector.shape_cast %get3A_1779 : vector<1x16xf32> to vector<16xf32>
      %get3A_1781 = arith.constant 0 : i32
      %get3A_1782 = arith.index_cast %get3A_1781 : i32 to index
      %get3A_1783 = arith.constant 64 : index
      %get3A_1784 = tpu.vector_load %arg9[%get3A_1782, %get3A_1783] {strides = array<i32>} : memref<2x128xf32, #tpu.memory_space<vmem>>, vector<1x16xf32>,
      %get3A_1785 = vector.shape_cast %get3A_1784 : vector<1x16xf32> to vector<16xf32>
      %get3A_1786 = arith.constant 0 : i32
      %get3A_1787 = arith.index_cast %get3A_1786 : i32 to index
      %get3A_1788 = arith.constant 80 : index
      %get3A_1789 = tpu.vector_load %arg9[%get3A_1787, %get3A_1788] {strides = array<i32>} : memref<2x128xf32, #tpu.memory_space<vmem>>, vector<1x16xf32>,
      %get3A_1790 = vector.shape_cast %get3A_1789 : vector<1x16xf32> to vector<16xf32>
      %get3A_1791 = arith.constant 0 : i32
      %get3A_1792 = arith.index_cast %get3A_1791 : i32 to index
      %get3A_1793 = arith.constant 96 : index
      %get3A_1794 = tpu.vector_load %arg9[%get3A_1792, %get3A_1793] {strides = array<i32>} : memref<2x128xf32, #tpu.memory_space<vmem>>, vector<1x16xf32>,
      %get3A_1795 = vector.shape_cast %get3A_1794 : vector<1x16xf32> to vector<16xf32>
      %get3A_1796 = arith.constant 0 : i32
      %get3A_1797 = arith.index_cast %get3A_1796 : i32 to index
      %get3A_1798 = arith.constant 112 : index
      %get3A_1799 = tpu.vector_load %arg9[%get3A_1797, %get3A_1798] {strides = array<i32>} : memref<2x128xf32, #tpu.memory_space<vmem>>, vector<1x16xf32>,
      %get3A_1800 = vector.shape_cast %get3A_1799 : vector<1x16xf32> to vector<16xf32>
      %get3A_1801 = arith.constant 1 : i32
      %get3A_1802 = arith.index_cast %get3A_1801 : i32 to index
      %get3A_1803 = arith.constant 0 : index
      %get3A_1804 = tpu.vector_load %arg9[%get3A_1802, %get3A_1803] {strides = array<i32>} : memref<2x128xf32, #tpu.memory_space<vmem>>, vector<1x16xf32>,
      %get3A_1805 = vector.shape_cast %get3A_1804 : vector<1x16xf32> to vector<16xf32>
      %get3A_1806 = arith.constant 1 : i32
      %get3A_1807 = arith.index_cast %get3A_1806 : i32 to index
      %get3A_1808 = arith.constant 16 : index
      %get3A_1809 = tpu.vector_load %arg9[%get3A_1807, %get3A_1808] {strides = array<i32>} : memref<2x128xf32, #tpu.memory_space<vmem>>, vector<1x16xf32>,
      %get3A_1810 = vector.shape_cast %get3A_1809 : vector<1x16xf32> to vector<16xf32>
      %get3A_1811 = arith.constant 1 : i32
      %get3A_1812 = arith.index_cast %get3A_1811 : i32 to index
      %get3A_1813 = arith.constant 32 : index
      %get3A_1814 = tpu.vector_load %arg9[%get3A_1812, %get3A_1813] {strides = array<i32>} : memref<2x128xf32, #tpu.memory_space<vmem>>, vector<1x16xf32>,
      %get3A_1815 = vector.shape_cast %get3A_1814 : vector<1x16xf32> to vector<16xf32>
      %get3A_1816 = arith.constant 1 : i32
      %get3A_1817 = arith.index_cast %get3A_1816 : i32 to index
      %get3A_1818 = arith.constant 48 : index
      %get3A_1819 = tpu.vector_load %arg9[%get3A_1817, %get3A_1818] {strides = array<i32>} : memref<2x128xf32, #tpu.memory_space<vmem>>, vector<1x16xf32>,
      %get3A_1820 = vector.shape_cast %get3A_1819 : vector<1x16xf32> to vector<16xf32>
      %get3A_1821 = arith.constant 1 : i32
      %get3A_1822 = arith.index_cast %get3A_1821 : i32 to index
      %get3A_1823 = arith.constant 64 : index
      %get3A_1824 = tpu.vector_load %arg9[%get3A_1822, %get3A_1823] {strides = array<i32>} : memref<2x128xf32, #tpu.memory_space<vmem>>, vector<1x16xf32>,
      %get3A_1825 = vector.shape_cast %get3A_1824 : vector<1x16xf32> to vector<16xf32>
      %get3A_1826 = arith.constant 1 : i32
      %get3A_1827 = arith.index_cast %get3A_1826 : i32 to index
      %get3A_1828 = arith.constant 80 : index
      %get3A_1829 = tpu.vector_load %arg9[%get3A_1827, %get3A_1828] {strides = array<i32>} : memref<2x128xf32, #tpu.memory_space<vmem>>, vector<1x16xf32>,
      %get3A_1830 = vector.shape_cast %get3A_1829 : vector<1x16xf32> to vector<16xf32>
      %get3A_1831 = arith.constant 1 : i32
      %get3A_1832 = arith.index_cast %get3A_1831 : i32 to index
      %get3A_1833 = arith.constant 96 : index
      %get3A_1834 = tpu.vector_load %arg9[%get3A_1832, %get3A_1833] {strides = array<i32>} : memref<2x128xf32, #tpu.memory_space<vmem>>, vector<1x16xf32>,
      %get3A_1835 = vector.shape_cast %get3A_1834 : vector<1x16xf32> to vector<16xf32>
      %get3A_1836 = arith.constant 1 : i32
      %get3A_1837 = arith.index_cast %get3A_1836 : i32 to index
      %get3A_1838 = arith.constant 112 : index
      %get3A_1839 = tpu.vector_load %arg9[%get3A_1837, %get3A_1838] {strides = array<i32>} : memref<2x128xf32, #tpu.memory_space<vmem>>, vector<1x16xf32>,
      %get3A_1840 = vector.shape_cast %get3A_1839 : vector<1x16xf32> to vector<16xf32>
      %add3A_1841 = arith.addf %add3A_1701, %get3A_1765 : vector<16xf32>
      %add3A_1842 = arith.addf %add3A_1702, %get3A_1770 : vector<16xf32>
      %add3A_1843 = arith.addf %add3A_1703, %get3A_1775 : vector<16xf32>
      %add3A_1844 = arith.addf %add3A_1704, %get3A_1780 : vector<16xf32>
      %add3A_1845 = arith.addf %add3A_1705, %get3A_1785 : vector<16xf32>
      %add3A_1846 = arith.addf %add3A_1706, %get3A_1790 : vector<16xf32>
      %add3A_1847 = arith.addf %add3A_1707, %get3A_1795 : vector<16xf32>
      %add3A_1848 = arith.addf %add3A_1708, %get3A_1800 : vector<16xf32>
      %add3A_1849 = arith.addf %add3A_1709, %get3A_1805 : vector<16xf32>
      %add3A_1850 = arith.addf %add3A_1710, %get3A_1810 : vector<16xf32>
      %add3A_1851 = arith.addf %add3A_1711, %get3A_1815 : vector<16xf32>
      %add3A_1852 = arith.addf %add3A_1712, %get3A_1820 : vector<16xf32>
      %add3A_1853 = arith.addf %add3A_1713, %get3A_1825 : vector<16xf32>
      %add3A_1854 = arith.addf %add3A_1714, %get3A_1830 : vector<16xf32>
      %add3A_1855 = arith.addf %add3A_1715, %get3A_1835 : vector<16xf32>
      %add3A_1856 = arith.addf %add3A_1716, %get3A_1840 : vector<16xf32>
      %mul3A_1857 = arith.constant 5 : i32
      %mul3A_1858 = arith.muli %mul3A_1857, %scan3A_1444 : i32
      %add3A_1859 = arith.constant 5 : i32
      %add3A_1860 = arith.addi %mul3A_1858, %add3A_1859 : i32
      %add3A_1861 = arith.constant 2 : i32
      %add3A_1862 = arith.addi %add3A_1860, %add3A_1861 : i32
      %dma_start3A_1863 = arith.constant 0 : i32
      %dma_start3A_1864 = arith.constant 0 : i32
      %dma_start3A_1865 = tpu.memref_slice %arg9[%dma_start3A_1863, %dma_start3A_1864] : memref<2x128xf32, #tpu.memory_space<vmem>> -> memref<1x128xf32, #tpu.memory_space<vmem>>
      %dma_start3A_1866 = tpu.memref_squeeze %dma_start3A_1865 : memref<1x128xf32, #tpu.memory_space<vmem>> -> memref<128xf32, #tpu.memory_space<vmem>>
      %dma_start3A_1867 = arith.constant 0 : i32
      %dma_start3A_1868 = tpu.memref_slice %arg6[%add3A_1862, %dma_start3A_1867] : memref<200x128xi32, #tpu.memory_space<vmem>> -> memref<1x128xi32, #tpu.memory_space<vmem>>
      %dma_start3A_1869 = tpu.memref_squeeze %dma_start3A_1868 : memref<1x128xi32, #tpu.memory_space<vmem>> -> memref<128xi32, #tpu.memory_space<vmem>>
      %dma_start3A_1870 = arith.constant 0 : i32
      %dma_start3A_1871 = tpu.memref_slice %arg3[%dma_start3A_1870] : memref<1000000xf32, #tpu.memory_space<hbm>> -> memref<1000000xf32, #tpu.memory_space<hbm>>
      tpu.enqueue_indirect_dma source(%dma_start3A_1871 : memref<1000000xf32, #tpu.memory_space<hbm>>) target(%dma_start3A_1866 : memref<128xf32, #tpu.memory_space<vmem>>) offsets(%dma_start3A_1869 : memref<128xi32, #tpu.memory_space<vmem>>) semaphore(%arg14 : memref<!tpu.dma_semaphore, #tpu.memory_space<semaphore_mem>>)
      %dma_start3A_1872 = arith.constant 1 : i32
      %dma_start3A_1873 = arith.constant 0 : i32
      %dma_start3A_1874 = tpu.memref_slice %arg9[%dma_start3A_1872, %dma_start3A_1873] : memref<2x128xf32, #tpu.memory_space<vmem>> -> memref<1x128xf32, #tpu.memory_space<vmem>>
      %dma_start3A_1875 = tpu.memref_squeeze %dma_start3A_1874 : memref<1x128xf32, #tpu.memory_space<vmem>> -> memref<128xf32, #tpu.memory_space<vmem>>
      %dma_start3A_1876 = arith.constant 0 : i32
      %dma_start3A_1877 = tpu.memref_slice %arg6[%add3A_1862, %dma_start3A_1876] : memref<200x128xi32, #tpu.memory_space<vmem>> -> memref<1x128xi32, #tpu.memory_space<vmem>>
      %dma_start3A_1878 = tpu.memref_squeeze %dma_start3A_1877 : memref<1x128xi32, #tpu.memory_space<vmem>> -> memref<128xi32, #tpu.memory_space<vmem>>
      %dma_start3A_1879 = arith.constant 0 : i32
      %dma_start3A_1880 = tpu.memref_slice %arg4[%dma_start3A_1879] : memref<1000000xf32, #tpu.memory_space<hbm>> -> memref<1000000xf32, #tpu.memory_space<hbm>>
      tpu.enqueue_indirect_dma source(%dma_start3A_1880 : memref<1000000xf32, #tpu.memory_space<hbm>>) target(%dma_start3A_1875 : memref<128xf32, #tpu.memory_space<vmem>>) offsets(%dma_start3A_1878 : memref<128xi32, #tpu.memory_space<vmem>>) semaphore(%arg14 : memref<!tpu.dma_semaphore, #tpu.memory_space<semaphore_mem>>)
      %dma_wait3A_1881 = arith.constant 0 : i32
      %dma_wait3A_1882 = arith.constant 0 : i32
      %dma_wait3A_1883 = arith.constant 0 : i32
      %dma_wait3A_1884 = tpu.memref_slice %arg10[%dma_wait3A_1882, %dma_wait3A_1883] : memref<2x128xf32, #tpu.memory_space<vmem>> -> memref<1x128xf32, #tpu.memory_space<vmem>>
      %dma_wait3A_1885 = tpu.memref_squeeze %dma_wait3A_1884 : memref<1x128xf32, #tpu.memory_space<vmem>> -> memref<128xf32, #tpu.memory_space<vmem>>
      %dma_wait3A_1886 = arith.constant 0 : i32
      %dma_wait3A_1887 = tpu.memref_slice %arg6[%dma_wait3A_1881, %dma_wait3A_1886] : memref<200x128xi32, #tpu.memory_space<vmem>> -> memref<1x128xi32, #tpu.memory_space<vmem>>
      %dma_wait3A_1888 = tpu.memref_squeeze %dma_wait3A_1887 : memref<1x128xi32, #tpu.memory_space<vmem>> -> memref<128xi32, #tpu.memory_space<vmem>>
      %dma_wait3A_1889 = arith.constant 0 : i32
      %dma_wait3A_1890 = tpu.memref_slice %arg3[%dma_wait3A_1889] : memref<1000000xf32, #tpu.memory_space<hbm>> -> memref<1000000xf32, #tpu.memory_space<hbm>>
      tpu.wait_indirect_dma semaphore(%arg15 : memref<!tpu.dma_semaphore, #tpu.memory_space<semaphore_mem>>) src(%dma_wait3A_1890 : memref<1000000xf32, #tpu.memory_space<hbm>>) dst(%dma_wait3A_1885 : memref<128xf32, #tpu.memory_space<vmem>>)
      %dma_wait3A_1891 = arith.constant 0 : i32
      %dma_wait3A_1892 = arith.constant 1 : i32
      %dma_wait3A_1893 = arith.constant 0 : i32
      %dma_wait3A_1894 = tpu.memref_slice %arg10[%dma_wait3A_1892, %dma_wait3A_1893] : memref<2x128xf32, #tpu.memory_space<vmem>> -> memref<1x128xf32, #tpu.memory_space<vmem>>
      %dma_wait3A_1895 = tpu.memref_squeeze %dma_wait3A_1894 : memref<1x128xf32, #tpu.memory_space<vmem>> -> memref<128xf32, #tpu.memory_space<vmem>>
      %dma_wait3A_1896 = arith.constant 0 : i32
      %dma_wait3A_1897 = tpu.memref_slice %arg6[%dma_wait3A_1891, %dma_wait3A_1896] : memref<200x128xi32, #tpu.memory_space<vmem>> -> memref<1x128xi32, #tpu.memory_space<vmem>>
      %dma_wait3A_1898 = tpu.memref_squeeze %dma_wait3A_1897 : memref<1x128xi32, #tpu.memory_space<vmem>> -> memref<128xi32, #tpu.memory_space<vmem>>
      %dma_wait3A_1899 = arith.constant 0 : i32
      %dma_wait3A_1900 = tpu.memref_slice %arg4[%dma_wait3A_1899] : memref<1000000xf32, #tpu.memory_space<hbm>> -> memref<1000000xf32, #tpu.memory_space<hbm>>
      tpu.wait_indirect_dma semaphore(%arg15 : memref<!tpu.dma_semaphore, #tpu.memory_space<semaphore_mem>>) src(%dma_wait3A_1900 : memref<1000000xf32, #tpu.memory_space<hbm>>) dst(%dma_wait3A_1895 : memref<128xf32, #tpu.memory_space<vmem>>)
      %get3A_1901 = arith.constant 0 : i32
      %get3A_1902 = arith.index_cast %get3A_1901 : i32 to index
      %get3A_1903 = arith.constant 0 : index
      %get3A_1904 = tpu.vector_load %arg10[%get3A_1902, %get3A_1903] {strides = array<i32>} : memref<2x128xf32, #tpu.memory_space<vmem>>, vector<1x16xf32>,
      %get3A_1905 = vector.shape_cast %get3A_1904 : vector<1x16xf32> to vector<16xf32>
      %get3A_1906 = arith.constant 0 : i32
      %get3A_1907 = arith.index_cast %get3A_1906 : i32 to index
      %get3A_1908 = arith.constant 16 : index
      %get3A_1909 = tpu.vector_load %arg10[%get3A_1907, %get3A_1908] {strides = array<i32>} : memref<2x128xf32, #tpu.memory_space<vmem>>, vector<1x16xf32>,
      %get3A_1910 = vector.shape_cast %get3A_1909 : vector<1x16xf32> to vector<16xf32>
      %get3A_1911 = arith.constant 0 : i32
      %get3A_1912 = arith.index_cast %get3A_1911 : i32 to index
      %get3A_1913 = arith.constant 32 : index
      %get3A_1914 = tpu.vector_load %arg10[%get3A_1912, %get3A_1913] {strides = array<i32>} : memref<2x128xf32, #tpu.memory_space<vmem>>, vector<1x16xf32>,
      %get3A_1915 = vector.shape_cast %get3A_1914 : vector<1x16xf32> to vector<16xf32>
      %get3A_1916 = arith.constant 0 : i32
      %get3A_1917 = arith.index_cast %get3A_1916 : i32 to index
      %get3A_1918 = arith.constant 48 : index
      %get3A_1919 = tpu.vector_load %arg10[%get3A_1917, %get3A_1918] {strides = array<i32>} : memref<2x128xf32, #tpu.memory_space<vmem>>, vector<1x16xf32>,
      %get3A_1920 = vector.shape_cast %get3A_1919 : vector<1x16xf32> to vector<16xf32>
      %get3A_1921 = arith.constant 0 : i32
      %get3A_1922 = arith.index_cast %get3A_1921 : i32 to index
      %get3A_1923 = arith.constant 64 : index
      %get3A_1924 = tpu.vector_load %arg10[%get3A_1922, %get3A_1923] {strides = array<i32>} : memref<2x128xf32, #tpu.memory_space<vmem>>, vector<1x16xf32>,
      %get3A_1925 = vector.shape_cast %get3A_1924 : vector<1x16xf32> to vector<16xf32>
      %get3A_1926 = arith.constant 0 : i32
      %get3A_1927 = arith.index_cast %get3A_1926 : i32 to index
      %get3A_1928 = arith.constant 80 : index
      %get3A_1929 = tpu.vector_load %arg10[%get3A_1927, %get3A_1928] {strides = array<i32>} : memref<2x128xf32, #tpu.memory_space<vmem>>, vector<1x16xf32>,
      %get3A_1930 = vector.shape_cast %get3A_1929 : vector<1x16xf32> to vector<16xf32>
      %get3A_1931 = arith.constant 0 : i32
      %get3A_1932 = arith.index_cast %get3A_1931 : i32 to index
      %get3A_1933 = arith.constant 96 : index
      %get3A_1934 = tpu.vector_load %arg10[%get3A_1932, %get3A_1933] {strides = array<i32>} : memref<2x128xf32, #tpu.memory_space<vmem>>, vector<1x16xf32>,
      %get3A_1935 = vector.shape_cast %get3A_1934 : vector<1x16xf32> to vector<16xf32>
      %get3A_1936 = arith.constant 0 : i32
      %get3A_1937 = arith.index_cast %get3A_1936 : i32 to index
      %get3A_1938 = arith.constant 112 : index
      %get3A_1939 = tpu.vector_load %arg10[%get3A_1937, %get3A_1938] {strides = array<i32>} : memref<2x128xf32, #tpu.memory_space<vmem>>, vector<1x16xf32>,
      %get3A_1940 = vector.shape_cast %get3A_1939 : vector<1x16xf32> to vector<16xf32>
      %get3A_1941 = arith.constant 1 : i32
      %get3A_1942 = arith.index_cast %get3A_1941 : i32 to index
      %get3A_1943 = arith.constant 0 : index
      %get3A_1944 = tpu.vector_load %arg10[%get3A_1942, %get3A_1943] {strides = array<i32>} : memref<2x128xf32, #tpu.memory_space<vmem>>, vector<1x16xf32>,
      %get3A_1945 = vector.shape_cast %get3A_1944 : vector<1x16xf32> to vector<16xf32>
      %get3A_1946 = arith.constant 1 : i32
      %get3A_1947 = arith.index_cast %get3A_1946 : i32 to index
      %get3A_1948 = arith.constant 16 : index
      %get3A_1949 = tpu.vector_load %arg10[%get3A_1947, %get3A_1948] {strides = array<i32>} : memref<2x128xf32, #tpu.memory_space<vmem>>, vector<1x16xf32>,
      %get3A_1950 = vector.shape_cast %get3A_1949 : vector<1x16xf32> to vector<16xf32>
      %get3A_1951 = arith.constant 1 : i32
      %get3A_1952 = arith.index_cast %get3A_1951 : i32 to index
      %get3A_1953 = arith.constant 32 : index
      %get3A_1954 = tpu.vector_load %arg10[%get3A_1952, %get3A_1953] {strides = array<i32>} : memref<2x128xf32, #tpu.memory_space<vmem>>, vector<1x16xf32>,
      %get3A_1955 = vector.shape_cast %get3A_1954 : vector<1x16xf32> to vector<16xf32>
      %get3A_1956 = arith.constant 1 : i32
      %get3A_1957 = arith.index_cast %get3A_1956 : i32 to index
      %get3A_1958 = arith.constant 48 : index
      %get3A_1959 = tpu.vector_load %arg10[%get3A_1957, %get3A_1958] {strides = array<i32>} : memref<2x128xf32, #tpu.memory_space<vmem>>, vector<1x16xf32>,
      %get3A_1960 = vector.shape_cast %get3A_1959 : vector<1x16xf32> to vector<16xf32>
      %get3A_1961 = arith.constant 1 : i32
      %get3A_1962 = arith.index_cast %get3A_1961 : i32 to index
      %get3A_1963 = arith.constant 64 : index
      %get3A_1964 = tpu.vector_load %arg10[%get3A_1962, %get3A_1963] {strides = array<i32>} : memref<2x128xf32, #tpu.memory_space<vmem>>, vector<1x16xf32>,
      %get3A_1965 = vector.shape_cast %get3A_1964 : vector<1x16xf32> to vector<16xf32>
      %get3A_1966 = arith.constant 1 : i32
      %get3A_1967 = arith.index_cast %get3A_1966 : i32 to index
      %get3A_1968 = arith.constant 80 : index
      %get3A_1969 = tpu.vector_load %arg10[%get3A_1967, %get3A_1968] {strides = array<i32>} : memref<2x128xf32, #tpu.memory_space<vmem>>, vector<1x16xf32>,
      %get3A_1970 = vector.shape_cast %get3A_1969 : vector<1x16xf32> to vector<16xf32>
      %get3A_1971 = arith.constant 1 : i32
      %get3A_1972 = arith.index_cast %get3A_1971 : i32 to index
      %get3A_1973 = arith.constant 96 : index
      %get3A_1974 = tpu.vector_load %arg10[%get3A_1972, %get3A_1973] {strides = array<i32>} : memref<2x128xf32, #tpu.memory_space<vmem>>, vector<1x16xf32>,
      %get3A_1975 = vector.shape_cast %get3A_1974 : vector<1x16xf32> to vector<16xf32>
      %get3A_1976 = arith.constant 1 : i32
      %get3A_1977 = arith.index_cast %get3A_1976 : i32 to index
      %get3A_1978 = arith.constant 112 : index
      %get3A_1979 = tpu.vector_load %arg10[%get3A_1977, %get3A_1978] {strides = array<i32>} : memref<2x128xf32, #tpu.memory_space<vmem>>, vector<1x16xf32>,
      %get3A_1980 = vector.shape_cast %get3A_1979 : vector<1x16xf32> to vector<16xf32>
      %add3A_1981 = arith.addf %add3A_1841, %get3A_1905 : vector<16xf32>
      %add3A_1982 = arith.addf %add3A_1842, %get3A_1910 : vector<16xf32>
      %add3A_1983 = arith.addf %add3A_1843, %get3A_1915 : vector<16xf32>
      %add3A_1984 = arith.addf %add3A_1844, %get3A_1920 : vector<16xf32>
      %add3A_1985 = arith.addf %add3A_1845, %get3A_1925 : vector<16xf32>
      %add3A_1986 = arith.addf %add3A_1846, %get3A_1930 : vector<16xf32>
      %add3A_1987 = arith.addf %add3A_1847, %get3A_1935 : vector<16xf32>
      %add3A_1988 = arith.addf %add3A_1848, %get3A_1940 : vector<16xf32>
      %add3A_1989 = arith.addf %add3A_1849, %get3A_1945 : vector<16xf32>
      %add3A_1990 = arith.addf %add3A_1850, %get3A_1950 : vector<16xf32>
      %add3A_1991 = arith.addf %add3A_1851, %get3A_1955 : vector<16xf32>
      %add3A_1992 = arith.addf %add3A_1852, %get3A_1960 : vector<16xf32>
      %add3A_1993 = arith.addf %add3A_1853, %get3A_1965 : vector<16xf32>
      %add3A_1994 = arith.addf %add3A_1854, %get3A_1970 : vector<16xf32>
      %add3A_1995 = arith.addf %add3A_1855, %get3A_1975 : vector<16xf32>
      %add3A_1996 = arith.addf %add3A_1856, %get3A_1980 : vector<16xf32>
      %mul3A_1997 = arith.constant 5 : i32
      %mul3A_1998 = arith.muli %mul3A_1997, %scan3A_1444 : i32
      %add3A_1999 = arith.constant 5 : i32
      %add3A_2000 = arith.addi %mul3A_1998, %add3A_1999 : i32
      %add3A_2001 = arith.constant 3 : i32
      %add3A_2002 = arith.addi %add3A_2000, %add3A_2001 : i32
      %dma_start3A_2003 = arith.constant 0 : i32
      %dma_start3A_2004 = arith.constant 0 : i32
      %dma_start3A_2005 = tpu.memref_slice %arg10[%dma_start3A_2003, %dma_start3A_2004] : memref<2x128xf32, #tpu.memory_space<vmem>> -> memref<1x128xf32, #tpu.memory_space<vmem>>
      %dma_start3A_2006 = tpu.memref_squeeze %dma_start3A_2005 : memref<1x128xf32, #tpu.memory_space<vmem>> -> memref<128xf32, #tpu.memory_space<vmem>>
      %dma_start3A_2007 = arith.constant 0 : i32
      %dma_start3A_2008 = tpu.memref_slice %arg6[%add3A_2002, %dma_start3A_2007] : memref<200x128xi32, #tpu.memory_space<vmem>> -> memref<1x128xi32, #tpu.memory_space<vmem>>
      %dma_start3A_2009 = tpu.memref_squeeze %dma_start3A_2008 : memref<1x128xi32, #tpu.memory_space<vmem>> -> memref<128xi32, #tpu.memory_space<vmem>>
      %dma_start3A_2010 = arith.constant 0 : i32
      %dma_start3A_2011 = tpu.memref_slice %arg3[%dma_start3A_2010] : memref<1000000xf32, #tpu.memory_space<hbm>> -> memref<1000000xf32, #tpu.memory_space<hbm>>
      tpu.enqueue_indirect_dma source(%dma_start3A_2011 : memref<1000000xf32, #tpu.memory_space<hbm>>) target(%dma_start3A_2006 : memref<128xf32, #tpu.memory_space<vmem>>) offsets(%dma_start3A_2009 : memref<128xi32, #tpu.memory_space<vmem>>) semaphore(%arg15 : memref<!tpu.dma_semaphore, #tpu.memory_space<semaphore_mem>>)
      %dma_start3A_2012 = arith.constant 1 : i32
      %dma_start3A_2013 = arith.constant 0 : i32
      %dma_start3A_2014 = tpu.memref_slice %arg10[%dma_start3A_2012, %dma_start3A_2013] : memref<2x128xf32, #tpu.memory_space<vmem>> -> memref<1x128xf32, #tpu.memory_space<vmem>>
      %dma_start3A_2015 = tpu.memref_squeeze %dma_start3A_2014 : memref<1x128xf32, #tpu.memory_space<vmem>> -> memref<128xf32, #tpu.memory_space<vmem>>
      %dma_start3A_2016 = arith.constant 0 : i32
      %dma_start3A_2017 = tpu.memref_slice %arg6[%add3A_2002, %dma_start3A_2016] : memref<200x128xi32, #tpu.memory_space<vmem>> -> memref<1x128xi32, #tpu.memory_space<vmem>>
      %dma_start3A_2018 = tpu.memref_squeeze %dma_start3A_2017 : memref<1x128xi32, #tpu.memory_space<vmem>> -> memref<128xi32, #tpu.memory_space<vmem>>
      %dma_start3A_2019 = arith.constant 0 : i32
      %dma_start3A_2020 = tpu.memref_slice %arg4[%dma_start3A_2019] : memref<1000000xf32, #tpu.memory_space<hbm>> -> memref<1000000xf32, #tpu.memory_space<hbm>>
      tpu.enqueue_indirect_dma source(%dma_start3A_2020 : memref<1000000xf32, #tpu.memory_space<hbm>>) target(%dma_start3A_2015 : memref<128xf32, #tpu.memory_space<vmem>>) offsets(%dma_start3A_2018 : memref<128xi32, #tpu.memory_space<vmem>>) semaphore(%arg15 : memref<!tpu.dma_semaphore, #tpu.memory_space<semaphore_mem>>)
      %dma_wait3A_2021 = arith.constant 0 : i32
      %dma_wait3A_2022 = arith.constant 0 : i32
      %dma_wait3A_2023 = arith.constant 0 : i32
      %dma_wait3A_2024 = tpu.memref_slice %arg11[%dma_wait3A_2022, %dma_wait3A_2023] : memref<2x128xf32, #tpu.memory_space<vmem>> -> memref<1x128xf32, #tpu.memory_space<vmem>>
      %dma_wait3A_2025 = tpu.memref_squeeze %dma_wait3A_2024 : memref<1x128xf32, #tpu.memory_space<vmem>> -> memref<128xf32, #tpu.memory_space<vmem>>
      %dma_wait3A_2026 = arith.constant 0 : i32
      %dma_wait3A_2027 = tpu.memref_slice %arg6[%dma_wait3A_2021, %dma_wait3A_2026] : memref<200x128xi32, #tpu.memory_space<vmem>> -> memref<1x128xi32, #tpu.memory_space<vmem>>
      %dma_wait3A_2028 = tpu.memref_squeeze %dma_wait3A_2027 : memref<1x128xi32, #tpu.memory_space<vmem>> -> memref<128xi32, #tpu.memory_space<vmem>>
      %dma_wait3A_2029 = arith.constant 0 : i32
      %dma_wait3A_2030 = tpu.memref_slice %arg3[%dma_wait3A_2029] : memref<1000000xf32, #tpu.memory_space<hbm>> -> memref<1000000xf32, #tpu.memory_space<hbm>>
      tpu.wait_indirect_dma semaphore(%arg16 : memref<!tpu.dma_semaphore, #tpu.memory_space<semaphore_mem>>) src(%dma_wait3A_2030 : memref<1000000xf32, #tpu.memory_space<hbm>>) dst(%dma_wait3A_2025 : memref<128xf32, #tpu.memory_space<vmem>>)
      %dma_wait3A_2031 = arith.constant 0 : i32
      %dma_wait3A_2032 = arith.constant 1 : i32
      %dma_wait3A_2033 = arith.constant 0 : i32
      %dma_wait3A_2034 = tpu.memref_slice %arg11[%dma_wait3A_2032, %dma_wait3A_2033] : memref<2x128xf32, #tpu.memory_space<vmem>> -> memref<1x128xf32, #tpu.memory_space<vmem>>
      %dma_wait3A_2035 = tpu.memref_squeeze %dma_wait3A_2034 : memref<1x128xf32, #tpu.memory_space<vmem>> -> memref<128xf32, #tpu.memory_space<vmem>>
      %dma_wait3A_2036 = arith.constant 0 : i32
      %dma_wait3A_2037 = tpu.memref_slice %arg6[%dma_wait3A_2031, %dma_wait3A_2036] : memref<200x128xi32, #tpu.memory_space<vmem>> -> memref<1x128xi32, #tpu.memory_space<vmem>>
      %dma_wait3A_2038 = tpu.memref_squeeze %dma_wait3A_2037 : memref<1x128xi32, #tpu.memory_space<vmem>> -> memref<128xi32, #tpu.memory_space<vmem>>
      %dma_wait3A_2039 = arith.constant 0 : i32
      %dma_wait3A_2040 = tpu.memref_slice %arg4[%dma_wait3A_2039] : memref<1000000xf32, #tpu.memory_space<hbm>> -> memref<1000000xf32, #tpu.memory_space<hbm>>
      tpu.wait_indirect_dma semaphore(%arg16 : memref<!tpu.dma_semaphore, #tpu.memory_space<semaphore_mem>>) src(%dma_wait3A_2040 : memref<1000000xf32, #tpu.memory_space<hbm>>) dst(%dma_wait3A_2035 : memref<128xf32, #tpu.memory_space<vmem>>)
      %get3A_2041 = arith.constant 0 : i32
      %get3A_2042 = arith.index_cast %get3A_2041 : i32 to index
      %get3A_2043 = arith.constant 0 : index
      %get3A_2044 = tpu.vector_load %arg11[%get3A_2042, %get3A_2043] {strides = array<i32>} : memref<2x128xf32, #tpu.memory_space<vmem>>, vector<1x16xf32>,
      %get3A_2045 = vector.shape_cast %get3A_2044 : vector<1x16xf32> to vector<16xf32>
      %get3A_2046 = arith.constant 0 : i32
      %get3A_2047 = arith.index_cast %get3A_2046 : i32 to index
      %get3A_2048 = arith.constant 16 : index
      %get3A_2049 = tpu.vector_load %arg11[%get3A_2047, %get3A_2048] {strides = array<i32>} : memref<2x128xf32, #tpu.memory_space<vmem>>, vector<1x16xf32>,
      %get3A_2050 = vector.shape_cast %get3A_2049 : vector<1x16xf32> to vector<16xf32>
      %get3A_2051 = arith.constant 0 : i32
      %get3A_2052 = arith.index_cast %get3A_2051 : i32 to index
      %get3A_2053 = arith.constant 32 : index
      %get3A_2054 = tpu.vector_load %arg11[%get3A_2052, %get3A_2053] {strides = array<i32>} : memref<2x128xf32, #tpu.memory_space<vmem>>, vector<1x16xf32>,
      %get3A_2055 = vector.shape_cast %get3A_2054 : vector<1x16xf32> to vector<16xf32>
      %get3A_2056 = arith.constant 0 : i32
      %get3A_2057 = arith.index_cast %get3A_2056 : i32 to index
      %get3A_2058 = arith.constant 48 : index
      %get3A_2059 = tpu.vector_load %arg11[%get3A_2057, %get3A_2058] {strides = array<i32>} : memref<2x128xf32, #tpu.memory_space<vmem>>, vector<1x16xf32>,
      %get3A_2060 = vector.shape_cast %get3A_2059 : vector<1x16xf32> to vector<16xf32>
      %get3A_2061 = arith.constant 0 : i32
      %get3A_2062 = arith.index_cast %get3A_2061 : i32 to index
      %get3A_2063 = arith.constant 64 : index
      %get3A_2064 = tpu.vector_load %arg11[%get3A_2062, %get3A_2063] {strides = array<i32>} : memref<2x128xf32, #tpu.memory_space<vmem>>, vector<1x16xf32>,
      %get3A_2065 = vector.shape_cast %get3A_2064 : vector<1x16xf32> to vector<16xf32>
      %get3A_2066 = arith.constant 0 : i32
      %get3A_2067 = arith.index_cast %get3A_2066 : i32 to index
      %get3A_2068 = arith.constant 80 : index
      %get3A_2069 = tpu.vector_load %arg11[%get3A_2067, %get3A_2068] {strides = array<i32>} : memref<2x128xf32, #tpu.memory_space<vmem>>, vector<1x16xf32>,
      %get3A_2070 = vector.shape_cast %get3A_2069 : vector<1x16xf32> to vector<16xf32>
      %get3A_2071 = arith.constant 0 : i32
      %get3A_2072 = arith.index_cast %get3A_2071 : i32 to index
      %get3A_2073 = arith.constant 96 : index
      %get3A_2074 = tpu.vector_load %arg11[%get3A_2072, %get3A_2073] {strides = array<i32>} : memref<2x128xf32, #tpu.memory_space<vmem>>, vector<1x16xf32>,
      %get3A_2075 = vector.shape_cast %get3A_2074 : vector<1x16xf32> to vector<16xf32>
      %get3A_2076 = arith.constant 0 : i32
      %get3A_2077 = arith.index_cast %get3A_2076 : i32 to index
      %get3A_2078 = arith.constant 112 : index
      %get3A_2079 = tpu.vector_load %arg11[%get3A_2077, %get3A_2078] {strides = array<i32>} : memref<2x128xf32, #tpu.memory_space<vmem>>, vector<1x16xf32>,
      %get3A_2080 = vector.shape_cast %get3A_2079 : vector<1x16xf32> to vector<16xf32>
      %get3A_2081 = arith.constant 1 : i32
      %get3A_2082 = arith.index_cast %get3A_2081 : i32 to index
      %get3A_2083 = arith.constant 0 : index
      %get3A_2084 = tpu.vector_load %arg11[%get3A_2082, %get3A_2083] {strides = array<i32>} : memref<2x128xf32, #tpu.memory_space<vmem>>, vector<1x16xf32>,
      %get3A_2085 = vector.shape_cast %get3A_2084 : vector<1x16xf32> to vector<16xf32>
      %get3A_2086 = arith.constant 1 : i32
      %get3A_2087 = arith.index_cast %get3A_2086 : i32 to index
      %get3A_2088 = arith.constant 16 : index
      %get3A_2089 = tpu.vector_load %arg11[%get3A_2087, %get3A_2088] {strides = array<i32>} : memref<2x128xf32, #tpu.memory_space<vmem>>, vector<1x16xf32>,
      %get3A_2090 = vector.shape_cast %get3A_2089 : vector<1x16xf32> to vector<16xf32>
      %get3A_2091 = arith.constant 1 : i32
      %get3A_2092 = arith.index_cast %get3A_2091 : i32 to index
      %get3A_2093 = arith.constant 32 : index
      %get3A_2094 = tpu.vector_load %arg11[%get3A_2092, %get3A_2093] {strides = array<i32>} : memref<2x128xf32, #tpu.memory_space<vmem>>, vector<1x16xf32>,
      %get3A_2095 = vector.shape_cast %get3A_2094 : vector<1x16xf32> to vector<16xf32>
      %get3A_2096 = arith.constant 1 : i32
      %get3A_2097 = arith.index_cast %get3A_2096 : i32 to index
      %get3A_2098 = arith.constant 48 : index
      %get3A_2099 = tpu.vector_load %arg11[%get3A_2097, %get3A_2098] {strides = array<i32>} : memref<2x128xf32, #tpu.memory_space<vmem>>, vector<1x16xf32>,
      %get3A_2100 = vector.shape_cast %get3A_2099 : vector<1x16xf32> to vector<16xf32>
      %get3A_2101 = arith.constant 1 : i32
      %get3A_2102 = arith.index_cast %get3A_2101 : i32 to index
      %get3A_2103 = arith.constant 64 : index
      %get3A_2104 = tpu.vector_load %arg11[%get3A_2102, %get3A_2103] {strides = array<i32>} : memref<2x128xf32, #tpu.memory_space<vmem>>, vector<1x16xf32>,
      %get3A_2105 = vector.shape_cast %get3A_2104 : vector<1x16xf32> to vector<16xf32>
      %get3A_2106 = arith.constant 1 : i32
      %get3A_2107 = arith.index_cast %get3A_2106 : i32 to index
      %get3A_2108 = arith.constant 80 : index
      %get3A_2109 = tpu.vector_load %arg11[%get3A_2107, %get3A_2108] {strides = array<i32>} : memref<2x128xf32, #tpu.memory_space<vmem>>, vector<1x16xf32>,
      %get3A_2110 = vector.shape_cast %get3A_2109 : vector<1x16xf32> to vector<16xf32>
      %get3A_2111 = arith.constant 1 : i32
      %get3A_2112 = arith.index_cast %get3A_2111 : i32 to index
      %get3A_2113 = arith.constant 96 : index
      %get3A_2114 = tpu.vector_load %arg11[%get3A_2112, %get3A_2113] {strides = array<i32>} : memref<2x128xf32, #tpu.memory_space<vmem>>, vector<1x16xf32>,
      %get3A_2115 = vector.shape_cast %get3A_2114 : vector<1x16xf32> to vector<16xf32>
      %get3A_2116 = arith.constant 1 : i32
      %get3A_2117 = arith.index_cast %get3A_2116 : i32 to index
      %get3A_2118 = arith.constant 112 : index
      %get3A_2119 = tpu.vector_load %arg11[%get3A_2117, %get3A_2118] {strides = array<i32>} : memref<2x128xf32, #tpu.memory_space<vmem>>, vector<1x16xf32>,
      %get3A_2120 = vector.shape_cast %get3A_2119 : vector<1x16xf32> to vector<16xf32>
      %add3A_2121 = arith.addf %add3A_1981, %get3A_2045 : vector<16xf32>
      %add3A_2122 = arith.addf %add3A_1982, %get3A_2050 : vector<16xf32>
      %add3A_2123 = arith.addf %add3A_1983, %get3A_2055 : vector<16xf32>
      %add3A_2124 = arith.addf %add3A_1984, %get3A_2060 : vector<16xf32>
      %add3A_2125 = arith.addf %add3A_1985, %get3A_2065 : vector<16xf32>
      %add3A_2126 = arith.addf %add3A_1986, %get3A_2070 : vector<16xf32>
      %add3A_2127 = arith.addf %add3A_1987, %get3A_2075 : vector<16xf32>
      %add3A_2128 = arith.addf %add3A_1988, %get3A_2080 : vector<16xf32>
      %add3A_2129 = arith.addf %add3A_1989, %get3A_2085 : vector<16xf32>
      %add3A_2130 = arith.addf %add3A_1990, %get3A_2090 : vector<16xf32>
      %add3A_2131 = arith.addf %add3A_1991, %get3A_2095 : vector<16xf32>
      %add3A_2132 = arith.addf %add3A_1992, %get3A_2100 : vector<16xf32>
      %add3A_2133 = arith.addf %add3A_1993, %get3A_2105 : vector<16xf32>
      %add3A_2134 = arith.addf %add3A_1994, %get3A_2110 : vector<16xf32>
      %add3A_2135 = arith.addf %add3A_1995, %get3A_2115 : vector<16xf32>
      %add3A_2136 = arith.addf %add3A_1996, %get3A_2120 : vector<16xf32>
      %mul3A_2137 = arith.constant 5 : i32
      %mul3A_2138 = arith.muli %mul3A_2137, %scan3A_1444 : i32
      %add3A_2139 = arith.constant 5 : i32
      %add3A_2140 = arith.addi %mul3A_2138, %add3A_2139 : i32
      %add3A_2141 = arith.constant 4 : i32
      %add3A_2142 = arith.addi %add3A_2140, %add3A_2141 : i32
      %dma_start3A_2143 = arith.constant 0 : i32
      %dma_start3A_2144 = arith.constant 0 : i32
      %dma_start3A_2145 = tpu.memref_slice %arg11[%dma_start3A_2143, %dma_start3A_2144] : memref<2x128xf32, #tpu.memory_space<vmem>> -> memref<1x128xf32, #tpu.memory_space<vmem>>
      %dma_start3A_2146 = tpu.memref_squeeze %dma_start3A_2145 : memref<1x128xf32, #tpu.memory_space<vmem>> -> memref<128xf32, #tpu.memory_space<vmem>>
      %dma_start3A_2147 = arith.constant 0 : i32
      %dma_start3A_2148 = tpu.memref_slice %arg6[%add3A_2142, %dma_start3A_2147] : memref<200x128xi32, #tpu.memory_space<vmem>> -> memref<1x128xi32, #tpu.memory_space<vmem>>
      %dma_start3A_2149 = tpu.memref_squeeze %dma_start3A_2148 : memref<1x128xi32, #tpu.memory_space<vmem>> -> memref<128xi32, #tpu.memory_space<vmem>>
      %dma_start3A_2150 = arith.constant 0 : i32
      %dma_start3A_2151 = tpu.memref_slice %arg3[%dma_start3A_2150] : memref<1000000xf32, #tpu.memory_space<hbm>> -> memref<1000000xf32, #tpu.memory_space<hbm>>
      tpu.enqueue_indirect_dma source(%dma_start3A_2151 : memref<1000000xf32, #tpu.memory_space<hbm>>) target(%dma_start3A_2146 : memref<128xf32, #tpu.memory_space<vmem>>) offsets(%dma_start3A_2149 : memref<128xi32, #tpu.memory_space<vmem>>) semaphore(%arg16 : memref<!tpu.dma_semaphore, #tpu.memory_space<semaphore_mem>>)
      %dma_start3A_2152 = arith.constant 1 : i32
      %dma_start3A_2153 = arith.constant 0 : i32
      %dma_start3A_2154 = tpu.memref_slice %arg11[%dma_start3A_2152, %dma_start3A_2153] : memref<2x128xf32, #tpu.memory_space<vmem>> -> memref<1x128xf32, #tpu.memory_space<vmem>>
      %dma_start3A_2155 = tpu.memref_squeeze %dma_start3A_2154 : memref<1x128xf32, #tpu.memory_space<vmem>> -> memref<128xf32, #tpu.memory_space<vmem>>
      %dma_start3A_2156 = arith.constant 0 : i32
      %dma_start3A_2157 = tpu.memref_slice %arg6[%add3A_2142, %dma_start3A_2156] : memref<200x128xi32, #tpu.memory_space<vmem>> -> memref<1x128xi32, #tpu.memory_space<vmem>>
      %dma_start3A_2158 = tpu.memref_squeeze %dma_start3A_2157 : memref<1x128xi32, #tpu.memory_space<vmem>> -> memref<128xi32, #tpu.memory_space<vmem>>
      %dma_start3A_2159 = arith.constant 0 : i32
      %dma_start3A_2160 = tpu.memref_slice %arg4[%dma_start3A_2159] : memref<1000000xf32, #tpu.memory_space<hbm>> -> memref<1000000xf32, #tpu.memory_space<hbm>>
      tpu.enqueue_indirect_dma source(%dma_start3A_2160 : memref<1000000xf32, #tpu.memory_space<hbm>>) target(%dma_start3A_2155 : memref<128xf32, #tpu.memory_space<vmem>>) offsets(%dma_start3A_2158 : memref<128xi32, #tpu.memory_space<vmem>>) semaphore(%arg16 : memref<!tpu.dma_semaphore, #tpu.memory_space<semaphore_mem>>)
      scf.yield %add3A_2121, %add3A_2122, %add3A_2123, %add3A_2124, %add3A_2125, %add3A_2126, %add3A_2127, %add3A_2128, %add3A_2129, %add3A_2130, %add3A_2131, %add3A_2132, %add3A_2133, %add3A_2134, %add3A_2135, %add3A_2136 : vector<16xf32>, vector<16xf32>, vector<16xf32>, vector<16xf32>, vector<16xf32>, vector<16xf32>, vector<16xf32>, vector<16xf32>, vector<16xf32>, vector<16xf32>, vector<16xf32>, vector<16xf32>, vector<16xf32>, vector<16xf32>, vector<16xf32>, vector<16xf32>
    }
    %scan3A_768 = arith.constant 38 : i32
    %dma_wait3A_769 = arith.constant 0 : i32
    %dma_wait3A_770 = arith.constant 0 : i32
    %dma_wait3A_771 = arith.constant 0 : i32
    %dma_wait3A_772 = tpu.memref_slice %arg7[%dma_wait3A_770, %dma_wait3A_771] : memref<2x128xf32, #tpu.memory_space<vmem>> -> memref<1x128xf32, #tpu.memory_space<vmem>>
    %dma_wait3A_773 = tpu.memref_squeeze %dma_wait3A_772 : memref<1x128xf32, #tpu.memory_space<vmem>> -> memref<128xf32, #tpu.memory_space<vmem>>
    %dma_wait3A_774 = arith.constant 0 : i32
    %dma_wait3A_775 = tpu.memref_slice %arg6[%dma_wait3A_769, %dma_wait3A_774] : memref<200x128xi32, #tpu.memory_space<vmem>> -> memref<1x128xi32, #tpu.memory_space<vmem>>
    %dma_wait3A_776 = tpu.memref_squeeze %dma_wait3A_775 : memref<1x128xi32, #tpu.memory_space<vmem>> -> memref<128xi32, #tpu.memory_space<vmem>>
    %dma_wait3A_777 = arith.constant 0 : i32
    %dma_wait3A_778 = tpu.memref_slice %arg3[%dma_wait3A_777] : memref<1000000xf32, #tpu.memory_space<hbm>> -> memref<1000000xf32, #tpu.memory_space<hbm>>
    tpu.wait_indirect_dma semaphore(%arg12 : memref<!tpu.dma_semaphore, #tpu.memory_space<semaphore_mem>>) src(%dma_wait3A_778 : memref<1000000xf32, #tpu.memory_space<hbm>>) dst(%dma_wait3A_773 : memref<128xf32, #tpu.memory_space<vmem>>)
    %dma_wait3A_779 = arith.constant 0 : i32
    %dma_wait3A_780 = arith.constant 1 : i32
    %dma_wait3A_781 = arith.constant 0 : i32
    %dma_wait3A_782 = tpu.memref_slice %arg7[%dma_wait3A_780, %dma_wait3A_781] : memref<2x128xf32, #tpu.memory_space<vmem>> -> memref<1x128xf32, #tpu.memory_space<vmem>>
    %dma_wait3A_783 = tpu.memref_squeeze %dma_wait3A_782 : memref<1x128xf32, #tpu.memory_space<vmem>> -> memref<128xf32, #tpu.memory_space<vmem>>
    %dma_wait3A_784 = arith.constant 0 : i32
    %dma_wait3A_785 = tpu.memref_slice %arg6[%dma_wait3A_779, %dma_wait3A_784] : memref<200x128xi32, #tpu.memory_space<vmem>> -> memref<1x128xi32, #tpu.memory_space<vmem>>
    %dma_wait3A_786 = tpu.memref_squeeze %dma_wait3A_785 : memref<1x128xi32, #tpu.memory_space<vmem>> -> memref<128xi32, #tpu.memory_space<vmem>>
    %dma_wait3A_787 = arith.constant 0 : i32
    %dma_wait3A_788 = tpu.memref_slice %arg4[%dma_wait3A_787] : memref<1000000xf32, #tpu.memory_space<hbm>> -> memref<1000000xf32, #tpu.memory_space<hbm>>
    tpu.wait_indirect_dma semaphore(%arg12 : memref<!tpu.dma_semaphore, #tpu.memory_space<semaphore_mem>>) src(%dma_wait3A_788 : memref<1000000xf32, #tpu.memory_space<hbm>>) dst(%dma_wait3A_783 : memref<128xf32, #tpu.memory_space<vmem>>)
    %get3A_789 = arith.constant 0 : i32
    %get3A_790 = arith.index_cast %get3A_789 : i32 to index
    %get3A_791 = arith.constant 0 : index
    %get3A_792 = tpu.vector_load %arg7[%get3A_790, %get3A_791] {strides = array<i32>} : memref<2x128xf32, #tpu.memory_space<vmem>>, vector<1x16xf32>,
    %get3A_793 = vector.shape_cast %get3A_792 : vector<1x16xf32> to vector<16xf32>
    %get3A_794 = arith.constant 0 : i32
    %get3A_795 = arith.index_cast %get3A_794 : i32 to index
    %get3A_796 = arith.constant 16 : index
    %get3A_797 = tpu.vector_load %arg7[%get3A_795, %get3A_796] {strides = array<i32>} : memref<2x128xf32, #tpu.memory_space<vmem>>, vector<1x16xf32>,
    %get3A_798 = vector.shape_cast %get3A_797 : vector<1x16xf32> to vector<16xf32>
    %get3A_799 = arith.constant 0 : i32
    %get3A_800 = arith.index_cast %get3A_799 : i32 to index
    %get3A_801 = arith.constant 32 : index
    %get3A_802 = tpu.vector_load %arg7[%get3A_800, %get3A_801] {strides = array<i32>} : memref<2x128xf32, #tpu.memory_space<vmem>>, vector<1x16xf32>,
    %get3A_803 = vector.shape_cast %get3A_802 : vector<1x16xf32> to vector<16xf32>
    %get3A_804 = arith.constant 0 : i32
    %get3A_805 = arith.index_cast %get3A_804 : i32 to index
    %get3A_806 = arith.constant 48 : index
    %get3A_807 = tpu.vector_load %arg7[%get3A_805, %get3A_806] {strides = array<i32>} : memref<2x128xf32, #tpu.memory_space<vmem>>, vector<1x16xf32>,
    %get3A_808 = vector.shape_cast %get3A_807 : vector<1x16xf32> to vector<16xf32>
    %get3A_809 = arith.constant 0 : i32
    %get3A_810 = arith.index_cast %get3A_809 : i32 to index
    %get3A_811 = arith.constant 64 : index
    %get3A_812 = tpu.vector_load %arg7[%get3A_810, %get3A_811] {strides = array<i32>} : memref<2x128xf32, #tpu.memory_space<vmem>>, vector<1x16xf32>,
    %get3A_813 = vector.shape_cast %get3A_812 : vector<1x16xf32> to vector<16xf32>
    %get3A_814 = arith.constant 0 : i32
    %get3A_815 = arith.index_cast %get3A_814 : i32 to index
    %get3A_816 = arith.constant 80 : index
    %get3A_817 = tpu.vector_load %arg7[%get3A_815, %get3A_816] {strides = array<i32>} : memref<2x128xf32, #tpu.memory_space<vmem>>, vector<1x16xf32>,
    %get3A_818 = vector.shape_cast %get3A_817 : vector<1x16xf32> to vector<16xf32>
    %get3A_819 = arith.constant 0 : i32
    %get3A_820 = arith.index_cast %get3A_819 : i32 to index
    %get3A_821 = arith.constant 96 : index
    %get3A_822 = tpu.vector_load %arg7[%get3A_820, %get3A_821] {strides = array<i32>} : memref<2x128xf32, #tpu.memory_space<vmem>>, vector<1x16xf32>,
    %get3A_823 = vector.shape_cast %get3A_822 : vector<1x16xf32> to vector<16xf32>
    %get3A_824 = arith.constant 0 : i32
    %get3A_825 = arith.index_cast %get3A_824 : i32 to index
    %get3A_826 = arith.constant 112 : index
    %get3A_827 = tpu.vector_load %arg7[%get3A_825, %get3A_826] {strides = array<i32>} : memref<2x128xf32, #tpu.memory_space<vmem>>, vector<1x16xf32>,
    %get3A_828 = vector.shape_cast %get3A_827 : vector<1x16xf32> to vector<16xf32>
    %get3A_829 = arith.constant 1 : i32
    %get3A_830 = arith.index_cast %get3A_829 : i32 to index
    %get3A_831 = arith.constant 0 : index
    %get3A_832 = tpu.vector_load %arg7[%get3A_830, %get3A_831] {strides = array<i32>} : memref<2x128xf32, #tpu.memory_space<vmem>>, vector<1x16xf32>,
    %get3A_833 = vector.shape_cast %get3A_832 : vector<1x16xf32> to vector<16xf32>
    %get3A_834 = arith.constant 1 : i32
    %get3A_835 = arith.index_cast %get3A_834 : i32 to index
    %get3A_836 = arith.constant 16 : index
    %get3A_837 = tpu.vector_load %arg7[%get3A_835, %get3A_836] {strides = array<i32>} : memref<2x128xf32, #tpu.memory_space<vmem>>, vector<1x16xf32>,
    %get3A_838 = vector.shape_cast %get3A_837 : vector<1x16xf32> to vector<16xf32>
    %get3A_839 = arith.constant 1 : i32
    %get3A_840 = arith.index_cast %get3A_839 : i32 to index
    %get3A_841 = arith.constant 32 : index
    %get3A_842 = tpu.vector_load %arg7[%get3A_840, %get3A_841] {strides = array<i32>} : memref<2x128xf32, #tpu.memory_space<vmem>>, vector<1x16xf32>,
    %get3A_843 = vector.shape_cast %get3A_842 : vector<1x16xf32> to vector<16xf32>
    %get3A_844 = arith.constant 1 : i32
    %get3A_845 = arith.index_cast %get3A_844 : i32 to index
    %get3A_846 = arith.constant 48 : index
    %get3A_847 = tpu.vector_load %arg7[%get3A_845, %get3A_846] {strides = array<i32>} : memref<2x128xf32, #tpu.memory_space<vmem>>, vector<1x16xf32>,
    %get3A_848 = vector.shape_cast %get3A_847 : vector<1x16xf32> to vector<16xf32>
    %get3A_849 = arith.constant 1 : i32
    %get3A_850 = arith.index_cast %get3A_849 : i32 to index
    %get3A_851 = arith.constant 64 : index
    %get3A_852 = tpu.vector_load %arg7[%get3A_850, %get3A_851] {strides = array<i32>} : memref<2x128xf32, #tpu.memory_space<vmem>>, vector<1x16xf32>,
    %get3A_853 = vector.shape_cast %get3A_852 : vector<1x16xf32> to vector<16xf32>
    %get3A_854 = arith.constant 1 : i32
    %get3A_855 = arith.index_cast %get3A_854 : i32 to index
    %get3A_856 = arith.constant 80 : index
    %get3A_857 = tpu.vector_load %arg7[%get3A_855, %get3A_856] {strides = array<i32>} : memref<2x128xf32, #tpu.memory_space<vmem>>, vector<1x16xf32>,
    %get3A_858 = vector.shape_cast %get3A_857 : vector<1x16xf32> to vector<16xf32>
    %get3A_859 = arith.constant 1 : i32
    %get3A_860 = arith.index_cast %get3A_859 : i32 to index
    %get3A_861 = arith.constant 96 : index
    %get3A_862 = tpu.vector_load %arg7[%get3A_860, %get3A_861] {strides = array<i32>} : memref<2x128xf32, #tpu.memory_space<vmem>>, vector<1x16xf32>,
    %get3A_863 = vector.shape_cast %get3A_862 : vector<1x16xf32> to vector<16xf32>
    %get3A_864 = arith.constant 1 : i32
    %get3A_865 = arith.index_cast %get3A_864 : i32 to index
    %get3A_866 = arith.constant 112 : index
    %get3A_867 = tpu.vector_load %arg7[%get3A_865, %get3A_866] {strides = array<i32>} : memref<2x128xf32, #tpu.memory_space<vmem>>, vector<1x16xf32>,
    %get3A_868 = vector.shape_cast %get3A_867 : vector<1x16xf32> to vector<16xf32>
    %add3A_869 = arith.addf %scan3A_767#0, %get3A_793 : vector<16xf32>
    %add3A_870 = arith.addf %scan3A_767#1, %get3A_798 : vector<16xf32>
    %add3A_871 = arith.addf %scan3A_767#2, %get3A_803 : vector<16xf32>
    %add3A_872 = arith.addf %scan3A_767#3, %get3A_808 : vector<16xf32>
    %add3A_873 = arith.addf %scan3A_767#4, %get3A_813 : vector<16xf32>
    %add3A_874 = arith.addf %scan3A_767#5, %get3A_818 : vector<16xf32>
    %add3A_875 = arith.addf %scan3A_767#6, %get3A_823 : vector<16xf32>
    %add3A_876 = arith.addf %scan3A_767#7, %get3A_828 : vector<16xf32>
    %add3A_877 = arith.addf %scan3A_767#8, %get3A_833 : vector<16xf32>
    %add3A_878 = arith.addf %scan3A_767#9, %get3A_838 : vector<16xf32>
    %add3A_879 = arith.addf %scan3A_767#10, %get3A_843 : vector<16xf32>
    %add3A_880 = arith.addf %scan3A_767#11, %get3A_848 : vector<16xf32>
    %add3A_881 = arith.addf %scan3A_767#12, %get3A_853 : vector<16xf32>
    %add3A_882 = arith.addf %scan3A_767#13, %get3A_858 : vector<16xf32>
    %add3A_883 = arith.addf %scan3A_767#14, %get3A_863 : vector<16xf32>
    %add3A_884 = arith.addf %scan3A_767#15, %get3A_868 : vector<16xf32>
    %dma_wait3A_885 = arith.constant 0 : i32
    %dma_wait3A_886 = arith.constant 0 : i32
    %dma_wait3A_887 = arith.constant 0 : i32
    %dma_wait3A_888 = tpu.memref_slice %arg8[%dma_wait3A_886, %dma_wait3A_887] : memref<2x128xf32, #tpu.memory_space<vmem>> -> memref<1x128xf32, #tpu.memory_space<vmem>>
    %dma_wait3A_889 = tpu.memref_squeeze %dma_wait3A_888 : memref<1x128xf32, #tpu.memory_space<vmem>> -> memref<128xf32, #tpu.memory_space<vmem>>
    %dma_wait3A_890 = arith.constant 0 : i32
    %dma_wait3A_891 = tpu.memref_slice %arg6[%dma_wait3A_885, %dma_wait3A_890] : memref<200x128xi32, #tpu.memory_space<vmem>> -> memref<1x128xi32, #tpu.memory_space<vmem>>
    %dma_wait3A_892 = tpu.memref_squeeze %dma_wait3A_891 : memref<1x128xi32, #tpu.memory_space<vmem>> -> memref<128xi32, #tpu.memory_space<vmem>>
    %dma_wait3A_893 = arith.constant 0 : i32
    %dma_wait3A_894 = tpu.memref_slice %arg3[%dma_wait3A_893] : memref<1000000xf32, #tpu.memory_space<hbm>> -> memref<1000000xf32, #tpu.memory_space<hbm>>
    tpu.wait_indirect_dma semaphore(%arg13 : memref<!tpu.dma_semaphore, #tpu.memory_space<semaphore_mem>>) src(%dma_wait3A_894 : memref<1000000xf32, #tpu.memory_space<hbm>>) dst(%dma_wait3A_889 : memref<128xf32, #tpu.memory_space<vmem>>)
    %dma_wait3A_895 = arith.constant 0 : i32
    %dma_wait3A_896 = arith.constant 1 : i32
    %dma_wait3A_897 = arith.constant 0 : i32
    %dma_wait3A_898 = tpu.memref_slice %arg8[%dma_wait3A_896, %dma_wait3A_897] : memref<2x128xf32, #tpu.memory_space<vmem>> -> memref<1x128xf32, #tpu.memory_space<vmem>>
    %dma_wait3A_899 = tpu.memref_squeeze %dma_wait3A_898 : memref<1x128xf32, #tpu.memory_space<vmem>> -> memref<128xf32, #tpu.memory_space<vmem>>
    %dma_wait3A_900 = arith.constant 0 : i32
    %dma_wait3A_901 = tpu.memref_slice %arg6[%dma_wait3A_895, %dma_wait3A_900] : memref<200x128xi32, #tpu.memory_space<vmem>> -> memref<1x128xi32, #tpu.memory_space<vmem>>
    %dma_wait3A_902 = tpu.memref_squeeze %dma_wait3A_901 : memref<1x128xi32, #tpu.memory_space<vmem>> -> memref<128xi32, #tpu.memory_space<vmem>>
    %dma_wait3A_903 = arith.constant 0 : i32
    %dma_wait3A_904 = tpu.memref_slice %arg4[%dma_wait3A_903] : memref<1000000xf32, #tpu.memory_space<hbm>> -> memref<1000000xf32, #tpu.memory_space<hbm>>
    tpu.wait_indirect_dma semaphore(%arg13 : memref<!tpu.dma_semaphore, #tpu.memory_space<semaphore_mem>>) src(%dma_wait3A_904 : memref<1000000xf32, #tpu.memory_space<hbm>>) dst(%dma_wait3A_899 : memref<128xf32, #tpu.memory_space<vmem>>)
    %get3A_905 = arith.constant 0 : i32
    %get3A_906 = arith.index_cast %get3A_905 : i32 to index
    %get3A_907 = arith.constant 0 : index
    %get3A_908 = tpu.vector_load %arg8[%get3A_906, %get3A_907] {strides = array<i32>} : memref<2x128xf32, #tpu.memory_space<vmem>>, vector<1x16xf32>,
    %get3A_909 = vector.shape_cast %get3A_908 : vector<1x16xf32> to vector<16xf32>
    %get3A_910 = arith.constant 0 : i32
    %get3A_911 = arith.index_cast %get3A_910 : i32 to index
    %get3A_912 = arith.constant 16 : index
    %get3A_913 = tpu.vector_load %arg8[%get3A_911, %get3A_912] {strides = array<i32>} : memref<2x128xf32, #tpu.memory_space<vmem>>, vector<1x16xf32>,
    %get3A_914 = vector.shape_cast %get3A_913 : vector<1x16xf32> to vector<16xf32>
    %get3A_915 = arith.constant 0 : i32
    %get3A_916 = arith.index_cast %get3A_915 : i32 to index
    %get3A_917 = arith.constant 32 : index
    %get3A_918 = tpu.vector_load %arg8[%get3A_916, %get3A_917] {strides = array<i32>} : memref<2x128xf32, #tpu.memory_space<vmem>>, vector<1x16xf32>,
    %get3A_919 = vector.shape_cast %get3A_918 : vector<1x16xf32> to vector<16xf32>
    %get3A_920 = arith.constant 0 : i32
    %get3A_921 = arith.index_cast %get3A_920 : i32 to index
    %get3A_922 = arith.constant 48 : index
    %get3A_923 = tpu.vector_load %arg8[%get3A_921, %get3A_922] {strides = array<i32>} : memref<2x128xf32, #tpu.memory_space<vmem>>, vector<1x16xf32>,
    %get3A_924 = vector.shape_cast %get3A_923 : vector<1x16xf32> to vector<16xf32>
    %get3A_925 = arith.constant 0 : i32
    %get3A_926 = arith.index_cast %get3A_925 : i32 to index
    %get3A_927 = arith.constant 64 : index
    %get3A_928 = tpu.vector_load %arg8[%get3A_926, %get3A_927] {strides = array<i32>} : memref<2x128xf32, #tpu.memory_space<vmem>>, vector<1x16xf32>,
    %get3A_929 = vector.shape_cast %get3A_928 : vector<1x16xf32> to vector<16xf32>
    %get3A_930 = arith.constant 0 : i32
    %get3A_931 = arith.index_cast %get3A_930 : i32 to index
    %get3A_932 = arith.constant 80 : index
    %get3A_933 = tpu.vector_load %arg8[%get3A_931, %get3A_932] {strides = array<i32>} : memref<2x128xf32, #tpu.memory_space<vmem>>, vector<1x16xf32>,
    %get3A_934 = vector.shape_cast %get3A_933 : vector<1x16xf32> to vector<16xf32>
    %get3A_935 = arith.constant 0 : i32
    %get3A_936 = arith.index_cast %get3A_935 : i32 to index
    %get3A_937 = arith.constant 96 : index
    %get3A_938 = tpu.vector_load %arg8[%get3A_936, %get3A_937] {strides = array<i32>} : memref<2x128xf32, #tpu.memory_space<vmem>>, vector<1x16xf32>,
    %get3A_939 = vector.shape_cast %get3A_938 : vector<1x16xf32> to vector<16xf32>
    %get3A_940 = arith.constant 0 : i32
    %get3A_941 = arith.index_cast %get3A_940 : i32 to index
    %get3A_942 = arith.constant 112 : index
    %get3A_943 = tpu.vector_load %arg8[%get3A_941, %get3A_942] {strides = array<i32>} : memref<2x128xf32, #tpu.memory_space<vmem>>, vector<1x16xf32>,
    %get3A_944 = vector.shape_cast %get3A_943 : vector<1x16xf32> to vector<16xf32>
    %get3A_945 = arith.constant 1 : i32
    %get3A_946 = arith.index_cast %get3A_945 : i32 to index
    %get3A_947 = arith.constant 0 : index
    %get3A_948 = tpu.vector_load %arg8[%get3A_946, %get3A_947] {strides = array<i32>} : memref<2x128xf32, #tpu.memory_space<vmem>>, vector<1x16xf32>,
    %get3A_949 = vector.shape_cast %get3A_948 : vector<1x16xf32> to vector<16xf32>
    %get3A_950 = arith.constant 1 : i32
    %get3A_951 = arith.index_cast %get3A_950 : i32 to index
    %get3A_952 = arith.constant 16 : index
    %get3A_953 = tpu.vector_load %arg8[%get3A_951, %get3A_952] {strides = array<i32>} : memref<2x128xf32, #tpu.memory_space<vmem>>, vector<1x16xf32>,
    %get3A_954 = vector.shape_cast %get3A_953 : vector<1x16xf32> to vector<16xf32>
    %get3A_955 = arith.constant 1 : i32
    %get3A_956 = arith.index_cast %get3A_955 : i32 to index
    %get3A_957 = arith.constant 32 : index
    %get3A_958 = tpu.vector_load %arg8[%get3A_956, %get3A_957] {strides = array<i32>} : memref<2x128xf32, #tpu.memory_space<vmem>>, vector<1x16xf32>,
    %get3A_959 = vector.shape_cast %get3A_958 : vector<1x16xf32> to vector<16xf32>
    %get3A_960 = arith.constant 1 : i32
    %get3A_961 = arith.index_cast %get3A_960 : i32 to index
    %get3A_962 = arith.constant 48 : index
    %get3A_963 = tpu.vector_load %arg8[%get3A_961, %get3A_962] {strides = array<i32>} : memref<2x128xf32, #tpu.memory_space<vmem>>, vector<1x16xf32>,
    %get3A_964 = vector.shape_cast %get3A_963 : vector<1x16xf32> to vector<16xf32>
    %get3A_965 = arith.constant 1 : i32
    %get3A_966 = arith.index_cast %get3A_965 : i32 to index
    %get3A_967 = arith.constant 64 : index
    %get3A_968 = tpu.vector_load %arg8[%get3A_966, %get3A_967] {strides = array<i32>} : memref<2x128xf32, #tpu.memory_space<vmem>>, vector<1x16xf32>,
    %get3A_969 = vector.shape_cast %get3A_968 : vector<1x16xf32> to vector<16xf32>
    %get3A_970 = arith.constant 1 : i32
    %get3A_971 = arith.index_cast %get3A_970 : i32 to index
    %get3A_972 = arith.constant 80 : index
    %get3A_973 = tpu.vector_load %arg8[%get3A_971, %get3A_972] {strides = array<i32>} : memref<2x128xf32, #tpu.memory_space<vmem>>, vector<1x16xf32>,
    %get3A_974 = vector.shape_cast %get3A_973 : vector<1x16xf32> to vector<16xf32>
    %get3A_975 = arith.constant 1 : i32
    %get3A_976 = arith.index_cast %get3A_975 : i32 to index
    %get3A_977 = arith.constant 96 : index
    %get3A_978 = tpu.vector_load %arg8[%get3A_976, %get3A_977] {strides = array<i32>} : memref<2x128xf32, #tpu.memory_space<vmem>>, vector<1x16xf32>,
    %get3A_979 = vector.shape_cast %get3A_978 : vector<1x16xf32> to vector<16xf32>
    %get3A_980 = arith.constant 1 : i32
    %get3A_981 = arith.index_cast %get3A_980 : i32 to index
    %get3A_982 = arith.constant 112 : index
    %get3A_983 = tpu.vector_load %arg8[%get3A_981, %get3A_982] {strides = array<i32>} : memref<2x128xf32, #tpu.memory_space<vmem>>, vector<1x16xf32>,
    %get3A_984 = vector.shape_cast %get3A_983 : vector<1x16xf32> to vector<16xf32>
    %add3A_985 = arith.addf %add3A_869, %get3A_909 : vector<16xf32>
    %add3A_986 = arith.addf %add3A_870, %get3A_914 : vector<16xf32>
    %add3A_987 = arith.addf %add3A_871, %get3A_919 : vector<16xf32>
    %add3A_988 = arith.addf %add3A_872, %get3A_924 : vector<16xf32>
    %add3A_989 = arith.addf %add3A_873, %get3A_929 : vector<16xf32>
    %add3A_990 = arith.addf %add3A_874, %get3A_934 : vector<16xf32>
    %add3A_991 = arith.addf %add3A_875, %get3A_939 : vector<16xf32>
    %add3A_992 = arith.addf %add3A_876, %get3A_944 : vector<16xf32>
    %add3A_993 = arith.addf %add3A_877, %get3A_949 : vector<16xf32>
    %add3A_994 = arith.addf %add3A_878, %get3A_954 : vector<16xf32>
    %add3A_995 = arith.addf %add3A_879, %get3A_959 : vector<16xf32>
    %add3A_996 = arith.addf %add3A_880, %get3A_964 : vector<16xf32>
    %add3A_997 = arith.addf %add3A_881, %get3A_969 : vector<16xf32>
    %add3A_998 = arith.addf %add3A_882, %get3A_974 : vector<16xf32>
    %add3A_999 = arith.addf %add3A_883, %get3A_979 : vector<16xf32>
    %add3A_1000 = arith.addf %add3A_884, %get3A_984 : vector<16xf32>
    %dma_wait3A_1001 = arith.constant 0 : i32
    %dma_wait3A_1002 = arith.constant 0 : i32
    %dma_wait3A_1003 = arith.constant 0 : i32
    %dma_wait3A_1004 = tpu.memref_slice %arg9[%dma_wait3A_1002, %dma_wait3A_1003] : memref<2x128xf32, #tpu.memory_space<vmem>> -> memref<1x128xf32, #tpu.memory_space<vmem>>
    %dma_wait3A_1005 = tpu.memref_squeeze %dma_wait3A_1004 : memref<1x128xf32, #tpu.memory_space<vmem>> -> memref<128xf32, #tpu.memory_space<vmem>>
    %dma_wait3A_1006 = arith.constant 0 : i32
    %dma_wait3A_1007 = tpu.memref_slice %arg6[%dma_wait3A_1001, %dma_wait3A_1006] : memref<200x128xi32, #tpu.memory_space<vmem>> -> memref<1x128xi32, #tpu.memory_space<vmem>>
    %dma_wait3A_1008 = tpu.memref_squeeze %dma_wait3A_1007 : memref<1x128xi32, #tpu.memory_space<vmem>> -> memref<128xi32, #tpu.memory_space<vmem>>
    %dma_wait3A_1009 = arith.constant 0 : i32
    %dma_wait3A_1010 = tpu.memref_slice %arg3[%dma_wait3A_1009] : memref<1000000xf32, #tpu.memory_space<hbm>> -> memref<1000000xf32, #tpu.memory_space<hbm>>
    tpu.wait_indirect_dma semaphore(%arg14 : memref<!tpu.dma_semaphore, #tpu.memory_space<semaphore_mem>>) src(%dma_wait3A_1010 : memref<1000000xf32, #tpu.memory_space<hbm>>) dst(%dma_wait3A_1005 : memref<128xf32, #tpu.memory_space<vmem>>)
    %dma_wait3A_1011 = arith.constant 0 : i32
    %dma_wait3A_1012 = arith.constant 1 : i32
    %dma_wait3A_1013 = arith.constant 0 : i32
    %dma_wait3A_1014 = tpu.memref_slice %arg9[%dma_wait3A_1012, %dma_wait3A_1013] : memref<2x128xf32, #tpu.memory_space<vmem>> -> memref<1x128xf32, #tpu.memory_space<vmem>>
    %dma_wait3A_1015 = tpu.memref_squeeze %dma_wait3A_1014 : memref<1x128xf32, #tpu.memory_space<vmem>> -> memref<128xf32, #tpu.memory_space<vmem>>
    %dma_wait3A_1016 = arith.constant 0 : i32
    %dma_wait3A_1017 = tpu.memref_slice %arg6[%dma_wait3A_1011, %dma_wait3A_1016] : memref<200x128xi32, #tpu.memory_space<vmem>> -> memref<1x128xi32, #tpu.memory_space<vmem>>
    %dma_wait3A_1018 = tpu.memref_squeeze %dma_wait3A_1017 : memref<1x128xi32, #tpu.memory_space<vmem>> -> memref<128xi32, #tpu.memory_space<vmem>>
    %dma_wait3A_1019 = arith.constant 0 : i32
    %dma_wait3A_1020 = tpu.memref_slice %arg4[%dma_wait3A_1019] : memref<1000000xf32, #tpu.memory_space<hbm>> -> memref<1000000xf32, #tpu.memory_space<hbm>>
    tpu.wait_indirect_dma semaphore(%arg14 : memref<!tpu.dma_semaphore, #tpu.memory_space<semaphore_mem>>) src(%dma_wait3A_1020 : memref<1000000xf32, #tpu.memory_space<hbm>>) dst(%dma_wait3A_1015 : memref<128xf32, #tpu.memory_space<vmem>>)
    %get3A_1021 = arith.constant 0 : i32
    %get3A_1022 = arith.index_cast %get3A_1021 : i32 to index
    %get3A_1023 = arith.constant 0 : index
    %get3A_1024 = tpu.vector_load %arg9[%get3A_1022, %get3A_1023] {strides = array<i32>} : memref<2x128xf32, #tpu.memory_space<vmem>>, vector<1x16xf32>,
    %get3A_1025 = vector.shape_cast %get3A_1024 : vector<1x16xf32> to vector<16xf32>
    %get3A_1026 = arith.constant 0 : i32
    %get3A_1027 = arith.index_cast %get3A_1026 : i32 to index
    %get3A_1028 = arith.constant 16 : index
    %get3A_1029 = tpu.vector_load %arg9[%get3A_1027, %get3A_1028] {strides = array<i32>} : memref<2x128xf32, #tpu.memory_space<vmem>>, vector<1x16xf32>,
    %get3A_1030 = vector.shape_cast %get3A_1029 : vector<1x16xf32> to vector<16xf32>
    %get3A_1031 = arith.constant 0 : i32
    %get3A_1032 = arith.index_cast %get3A_1031 : i32 to index
    %get3A_1033 = arith.constant 32 : index
    %get3A_1034 = tpu.vector_load %arg9[%get3A_1032, %get3A_1033] {strides = array<i32>} : memref<2x128xf32, #tpu.memory_space<vmem>>, vector<1x16xf32>,
    %get3A_1035 = vector.shape_cast %get3A_1034 : vector<1x16xf32> to vector<16xf32>
    %get3A_1036 = arith.constant 0 : i32
    %get3A_1037 = arith.index_cast %get3A_1036 : i32 to index
    %get3A_1038 = arith.constant 48 : index
    %get3A_1039 = tpu.vector_load %arg9[%get3A_1037, %get3A_1038] {strides = array<i32>} : memref<2x128xf32, #tpu.memory_space<vmem>>, vector<1x16xf32>,
    %get3A_1040 = vector.shape_cast %get3A_1039 : vector<1x16xf32> to vector<16xf32>
    %get3A_1041 = arith.constant 0 : i32
    %get3A_1042 = arith.index_cast %get3A_1041 : i32 to index
    %get3A_1043 = arith.constant 64 : index
    %get3A_1044 = tpu.vector_load %arg9[%get3A_1042, %get3A_1043] {strides = array<i32>} : memref<2x128xf32, #tpu.memory_space<vmem>>, vector<1x16xf32>,
    %get3A_1045 = vector.shape_cast %get3A_1044 : vector<1x16xf32> to vector<16xf32>
    %get3A_1046 = arith.constant 0 : i32
    %get3A_1047 = arith.index_cast %get3A_1046 : i32 to index
    %get3A_1048 = arith.constant 80 : index
    %get3A_1049 = tpu.vector_load %arg9[%get3A_1047, %get3A_1048] {strides = array<i32>} : memref<2x128xf32, #tpu.memory_space<vmem>>, vector<1x16xf32>,
    %get3A_1050 = vector.shape_cast %get3A_1049 : vector<1x16xf32> to vector<16xf32>
    %get3A_1051 = arith.constant 0 : i32
    %get3A_1052 = arith.index_cast %get3A_1051 : i32 to index
    %get3A_1053 = arith.constant 96 : index
    %get3A_1054 = tpu.vector_load %arg9[%get3A_1052, %get3A_1053] {strides = array<i32>} : memref<2x128xf32, #tpu.memory_space<vmem>>, vector<1x16xf32>,
    %get3A_1055 = vector.shape_cast %get3A_1054 : vector<1x16xf32> to vector<16xf32>
    %get3A_1056 = arith.constant 0 : i32
    %get3A_1057 = arith.index_cast %get3A_1056 : i32 to index
    %get3A_1058 = arith.constant 112 : index
    %get3A_1059 = tpu.vector_load %arg9[%get3A_1057, %get3A_1058] {strides = array<i32>} : memref<2x128xf32, #tpu.memory_space<vmem>>, vector<1x16xf32>,
    %get3A_1060 = vector.shape_cast %get3A_1059 : vector<1x16xf32> to vector<16xf32>
    %get3A_1061 = arith.constant 1 : i32
    %get3A_1062 = arith.index_cast %get3A_1061 : i32 to index
    %get3A_1063 = arith.constant 0 : index
    %get3A_1064 = tpu.vector_load %arg9[%get3A_1062, %get3A_1063] {strides = array<i32>} : memref<2x128xf32, #tpu.memory_space<vmem>>, vector<1x16xf32>,
    %get3A_1065 = vector.shape_cast %get3A_1064 : vector<1x16xf32> to vector<16xf32>
    %get3A_1066 = arith.constant 1 : i32
    %get3A_1067 = arith.index_cast %get3A_1066 : i32 to index
    %get3A_1068 = arith.constant 16 : index
    %get3A_1069 = tpu.vector_load %arg9[%get3A_1067, %get3A_1068] {strides = array<i32>} : memref<2x128xf32, #tpu.memory_space<vmem>>, vector<1x16xf32>,
    %get3A_1070 = vector.shape_cast %get3A_1069 : vector<1x16xf32> to vector<16xf32>
    %get3A_1071 = arith.constant 1 : i32
    %get3A_1072 = arith.index_cast %get3A_1071 : i32 to index
    %get3A_1073 = arith.constant 32 : index
    %get3A_1074 = tpu.vector_load %arg9[%get3A_1072, %get3A_1073] {strides = array<i32>} : memref<2x128xf32, #tpu.memory_space<vmem>>, vector<1x16xf32>,
    %get3A_1075 = vector.shape_cast %get3A_1074 : vector<1x16xf32> to vector<16xf32>
    %get3A_1076 = arith.constant 1 : i32
    %get3A_1077 = arith.index_cast %get3A_1076 : i32 to index
    %get3A_1078 = arith.constant 48 : index
    %get3A_1079 = tpu.vector_load %arg9[%get3A_1077, %get3A_1078] {strides = array<i32>} : memref<2x128xf32, #tpu.memory_space<vmem>>, vector<1x16xf32>,
    %get3A_1080 = vector.shape_cast %get3A_1079 : vector<1x16xf32> to vector<16xf32>
    %get3A_1081 = arith.constant 1 : i32
    %get3A_1082 = arith.index_cast %get3A_1081 : i32 to index
    %get3A_1083 = arith.constant 64 : index
    %get3A_1084 = tpu.vector_load %arg9[%get3A_1082, %get3A_1083] {strides = array<i32>} : memref<2x128xf32, #tpu.memory_space<vmem>>, vector<1x16xf32>,
    %get3A_1085 = vector.shape_cast %get3A_1084 : vector<1x16xf32> to vector<16xf32>
    %get3A_1086 = arith.constant 1 : i32
    %get3A_1087 = arith.index_cast %get3A_1086 : i32 to index
    %get3A_1088 = arith.constant 80 : index
    %get3A_1089 = tpu.vector_load %arg9[%get3A_1087, %get3A_1088] {strides = array<i32>} : memref<2x128xf32, #tpu.memory_space<vmem>>, vector<1x16xf32>,
    %get3A_1090 = vector.shape_cast %get3A_1089 : vector<1x16xf32> to vector<16xf32>
    %get3A_1091 = arith.constant 1 : i32
    %get3A_1092 = arith.index_cast %get3A_1091 : i32 to index
    %get3A_1093 = arith.constant 96 : index
    %get3A_1094 = tpu.vector_load %arg9[%get3A_1092, %get3A_1093] {strides = array<i32>} : memref<2x128xf32, #tpu.memory_space<vmem>>, vector<1x16xf32>,
    %get3A_1095 = vector.shape_cast %get3A_1094 : vector<1x16xf32> to vector<16xf32>
    %get3A_1096 = arith.constant 1 : i32
    %get3A_1097 = arith.index_cast %get3A_1096 : i32 to index
    %get3A_1098 = arith.constant 112 : index
    %get3A_1099 = tpu.vector_load %arg9[%get3A_1097, %get3A_1098] {strides = array<i32>} : memref<2x128xf32, #tpu.memory_space<vmem>>, vector<1x16xf32>,
    %get3A_1100 = vector.shape_cast %get3A_1099 : vector<1x16xf32> to vector<16xf32>
    %add3A_1101 = arith.addf %add3A_985, %get3A_1025 : vector<16xf32>
    %add3A_1102 = arith.addf %add3A_986, %get3A_1030 : vector<16xf32>
    %add3A_1103 = arith.addf %add3A_987, %get3A_1035 : vector<16xf32>
    %add3A_1104 = arith.addf %add3A_988, %get3A_1040 : vector<16xf32>
    %add3A_1105 = arith.addf %add3A_989, %get3A_1045 : vector<16xf32>
    %add3A_1106 = arith.addf %add3A_990, %get3A_1050 : vector<16xf32>
    %add3A_1107 = arith.addf %add3A_991, %get3A_1055 : vector<16xf32>
    %add3A_1108 = arith.addf %add3A_992, %get3A_1060 : vector<16xf32>
    %add3A_1109 = arith.addf %add3A_993, %get3A_1065 : vector<16xf32>
    %add3A_1110 = arith.addf %add3A_994, %get3A_1070 : vector<16xf32>
    %add3A_1111 = arith.addf %add3A_995, %get3A_1075 : vector<16xf32>
    %add3A_1112 = arith.addf %add3A_996, %get3A_1080 : vector<16xf32>
    %add3A_1113 = arith.addf %add3A_997, %get3A_1085 : vector<16xf32>
    %add3A_1114 = arith.addf %add3A_998, %get3A_1090 : vector<16xf32>
    %add3A_1115 = arith.addf %add3A_999, %get3A_1095 : vector<16xf32>
    %add3A_1116 = arith.addf %add3A_1000, %get3A_1100 : vector<16xf32>
    %dma_wait3A_1117 = arith.constant 0 : i32
    %dma_wait3A_1118 = arith.constant 0 : i32
    %dma_wait3A_1119 = arith.constant 0 : i32
    %dma_wait3A_1120 = tpu.memref_slice %arg10[%dma_wait3A_1118, %dma_wait3A_1119] : memref<2x128xf32, #tpu.memory_space<vmem>> -> memref<1x128xf32, #tpu.memory_space<vmem>>
    %dma_wait3A_1121 = tpu.memref_squeeze %dma_wait3A_1120 : memref<1x128xf32, #tpu.memory_space<vmem>> -> memref<128xf32, #tpu.memory_space<vmem>>
    %dma_wait3A_1122 = arith.constant 0 : i32
    %dma_wait3A_1123 = tpu.memref_slice %arg6[%dma_wait3A_1117, %dma_wait3A_1122] : memref<200x128xi32, #tpu.memory_space<vmem>> -> memref<1x128xi32, #tpu.memory_space<vmem>>
    %dma_wait3A_1124 = tpu.memref_squeeze %dma_wait3A_1123 : memref<1x128xi32, #tpu.memory_space<vmem>> -> memref<128xi32, #tpu.memory_space<vmem>>
    %dma_wait3A_1125 = arith.constant 0 : i32
    %dma_wait3A_1126 = tpu.memref_slice %arg3[%dma_wait3A_1125] : memref<1000000xf32, #tpu.memory_space<hbm>> -> memref<1000000xf32, #tpu.memory_space<hbm>>
    tpu.wait_indirect_dma semaphore(%arg15 : memref<!tpu.dma_semaphore, #tpu.memory_space<semaphore_mem>>) src(%dma_wait3A_1126 : memref<1000000xf32, #tpu.memory_space<hbm>>) dst(%dma_wait3A_1121 : memref<128xf32, #tpu.memory_space<vmem>>)
    %dma_wait3A_1127 = arith.constant 0 : i32
    %dma_wait3A_1128 = arith.constant 1 : i32
    %dma_wait3A_1129 = arith.constant 0 : i32
    %dma_wait3A_1130 = tpu.memref_slice %arg10[%dma_wait3A_1128, %dma_wait3A_1129] : memref<2x128xf32, #tpu.memory_space<vmem>> -> memref<1x128xf32, #tpu.memory_space<vmem>>
    %dma_wait3A_1131 = tpu.memref_squeeze %dma_wait3A_1130 : memref<1x128xf32, #tpu.memory_space<vmem>> -> memref<128xf32, #tpu.memory_space<vmem>>
    %dma_wait3A_1132 = arith.constant 0 : i32
    %dma_wait3A_1133 = tpu.memref_slice %arg6[%dma_wait3A_1127, %dma_wait3A_1132] : memref<200x128xi32, #tpu.memory_space<vmem>> -> memref<1x128xi32, #tpu.memory_space<vmem>>
    %dma_wait3A_1134 = tpu.memref_squeeze %dma_wait3A_1133 : memref<1x128xi32, #tpu.memory_space<vmem>> -> memref<128xi32, #tpu.memory_space<vmem>>
    %dma_wait3A_1135 = arith.constant 0 : i32
    %dma_wait3A_1136 = tpu.memref_slice %arg4[%dma_wait3A_1135] : memref<1000000xf32, #tpu.memory_space<hbm>> -> memref<1000000xf32, #tpu.memory_space<hbm>>
    tpu.wait_indirect_dma semaphore(%arg15 : memref<!tpu.dma_semaphore, #tpu.memory_space<semaphore_mem>>) src(%dma_wait3A_1136 : memref<1000000xf32, #tpu.memory_space<hbm>>) dst(%dma_wait3A_1131 : memref<128xf32, #tpu.memory_space<vmem>>)
    %get3A_1137 = arith.constant 0 : i32
    %get3A_1138 = arith.index_cast %get3A_1137 : i32 to index
    %get3A_1139 = arith.constant 0 : index
    %get3A_1140 = tpu.vector_load %arg10[%get3A_1138, %get3A_1139] {strides = array<i32>} : memref<2x128xf32, #tpu.memory_space<vmem>>, vector<1x16xf32>,
    %get3A_1141 = vector.shape_cast %get3A_1140 : vector<1x16xf32> to vector<16xf32>
    %get3A_1142 = arith.constant 0 : i32
    %get3A_1143 = arith.index_cast %get3A_1142 : i32 to index
    %get3A_1144 = arith.constant 16 : index
    %get3A_1145 = tpu.vector_load %arg10[%get3A_1143, %get3A_1144] {strides = array<i32>} : memref<2x128xf32, #tpu.memory_space<vmem>>, vector<1x16xf32>,
    %get3A_1146 = vector.shape_cast %get3A_1145 : vector<1x16xf32> to vector<16xf32>
    %get3A_1147 = arith.constant 0 : i32
    %get3A_1148 = arith.index_cast %get3A_1147 : i32 to index
    %get3A_1149 = arith.constant 32 : index
    %get3A_1150 = tpu.vector_load %arg10[%get3A_1148, %get3A_1149] {strides = array<i32>} : memref<2x128xf32, #tpu.memory_space<vmem>>, vector<1x16xf32>,
    %get3A_1151 = vector.shape_cast %get3A_1150 : vector<1x16xf32> to vector<16xf32>
    %get3A_1152 = arith.constant 0 : i32
    %get3A_1153 = arith.index_cast %get3A_1152 : i32 to index
    %get3A_1154 = arith.constant 48 : index
    %get3A_1155 = tpu.vector_load %arg10[%get3A_1153, %get3A_1154] {strides = array<i32>} : memref<2x128xf32, #tpu.memory_space<vmem>>, vector<1x16xf32>,
    %get3A_1156 = vector.shape_cast %get3A_1155 : vector<1x16xf32> to vector<16xf32>
    %get3A_1157 = arith.constant 0 : i32
    %get3A_1158 = arith.index_cast %get3A_1157 : i32 to index
    %get3A_1159 = arith.constant 64 : index
    %get3A_1160 = tpu.vector_load %arg10[%get3A_1158, %get3A_1159] {strides = array<i32>} : memref<2x128xf32, #tpu.memory_space<vmem>>, vector<1x16xf32>,
    %get3A_1161 = vector.shape_cast %get3A_1160 : vector<1x16xf32> to vector<16xf32>
    %get3A_1162 = arith.constant 0 : i32
    %get3A_1163 = arith.index_cast %get3A_1162 : i32 to index
    %get3A_1164 = arith.constant 80 : index
    %get3A_1165 = tpu.vector_load %arg10[%get3A_1163, %get3A_1164] {strides = array<i32>} : memref<2x128xf32, #tpu.memory_space<vmem>>, vector<1x16xf32>,
    %get3A_1166 = vector.shape_cast %get3A_1165 : vector<1x16xf32> to vector<16xf32>
    %get3A_1167 = arith.constant 0 : i32
    %get3A_1168 = arith.index_cast %get3A_1167 : i32 to index
    %get3A_1169 = arith.constant 96 : index
    %get3A_1170 = tpu.vector_load %arg10[%get3A_1168, %get3A_1169] {strides = array<i32>} : memref<2x128xf32, #tpu.memory_space<vmem>>, vector<1x16xf32>,
    %get3A_1171 = vector.shape_cast %get3A_1170 : vector<1x16xf32> to vector<16xf32>
    %get3A_1172 = arith.constant 0 : i32
    %get3A_1173 = arith.index_cast %get3A_1172 : i32 to index
    %get3A_1174 = arith.constant 112 : index
    %get3A_1175 = tpu.vector_load %arg10[%get3A_1173, %get3A_1174] {strides = array<i32>} : memref<2x128xf32, #tpu.memory_space<vmem>>, vector<1x16xf32>,
    %get3A_1176 = vector.shape_cast %get3A_1175 : vector<1x16xf32> to vector<16xf32>
    %get3A_1177 = arith.constant 1 : i32
    %get3A_1178 = arith.index_cast %get3A_1177 : i32 to index
    %get3A_1179 = arith.constant 0 : index
    %get3A_1180 = tpu.vector_load %arg10[%get3A_1178, %get3A_1179] {strides = array<i32>} : memref<2x128xf32, #tpu.memory_space<vmem>>, vector<1x16xf32>,
    %get3A_1181 = vector.shape_cast %get3A_1180 : vector<1x16xf32> to vector<16xf32>
    %get3A_1182 = arith.constant 1 : i32
    %get3A_1183 = arith.index_cast %get3A_1182 : i32 to index
    %get3A_1184 = arith.constant 16 : index
    %get3A_1185 = tpu.vector_load %arg10[%get3A_1183, %get3A_1184] {strides = array<i32>} : memref<2x128xf32, #tpu.memory_space<vmem>>, vector<1x16xf32>,
    %get3A_1186 = vector.shape_cast %get3A_1185 : vector<1x16xf32> to vector<16xf32>
    %get3A_1187 = arith.constant 1 : i32
    %get3A_1188 = arith.index_cast %get3A_1187 : i32 to index
    %get3A_1189 = arith.constant 32 : index
    %get3A_1190 = tpu.vector_load %arg10[%get3A_1188, %get3A_1189] {strides = array<i32>} : memref<2x128xf32, #tpu.memory_space<vmem>>, vector<1x16xf32>,
    %get3A_1191 = vector.shape_cast %get3A_1190 : vector<1x16xf32> to vector<16xf32>
    %get3A_1192 = arith.constant 1 : i32
    %get3A_1193 = arith.index_cast %get3A_1192 : i32 to index
    %get3A_1194 = arith.constant 48 : index
    %get3A_1195 = tpu.vector_load %arg10[%get3A_1193, %get3A_1194] {strides = array<i32>} : memref<2x128xf32, #tpu.memory_space<vmem>>, vector<1x16xf32>,
    %get3A_1196 = vector.shape_cast %get3A_1195 : vector<1x16xf32> to vector<16xf32>
    %get3A_1197 = arith.constant 1 : i32
    %get3A_1198 = arith.index_cast %get3A_1197 : i32 to index
    %get3A_1199 = arith.constant 64 : index
    %get3A_1200 = tpu.vector_load %arg10[%get3A_1198, %get3A_1199] {strides = array<i32>} : memref<2x128xf32, #tpu.memory_space<vmem>>, vector<1x16xf32>,
    %get3A_1201 = vector.shape_cast %get3A_1200 : vector<1x16xf32> to vector<16xf32>
    %get3A_1202 = arith.constant 1 : i32
    %get3A_1203 = arith.index_cast %get3A_1202 : i32 to index
    %get3A_1204 = arith.constant 80 : index
    %get3A_1205 = tpu.vector_load %arg10[%get3A_1203, %get3A_1204] {strides = array<i32>} : memref<2x128xf32, #tpu.memory_space<vmem>>, vector<1x16xf32>,
    %get3A_1206 = vector.shape_cast %get3A_1205 : vector<1x16xf32> to vector<16xf32>
    %get3A_1207 = arith.constant 1 : i32
    %get3A_1208 = arith.index_cast %get3A_1207 : i32 to index
    %get3A_1209 = arith.constant 96 : index
    %get3A_1210 = tpu.vector_load %arg10[%get3A_1208, %get3A_1209] {strides = array<i32>} : memref<2x128xf32, #tpu.memory_space<vmem>>, vector<1x16xf32>,
    %get3A_1211 = vector.shape_cast %get3A_1210 : vector<1x16xf32> to vector<16xf32>
    %get3A_1212 = arith.constant 1 : i32
    %get3A_1213 = arith.index_cast %get3A_1212 : i32 to index
    %get3A_1214 = arith.constant 112 : index
    %get3A_1215 = tpu.vector_load %arg10[%get3A_1213, %get3A_1214] {strides = array<i32>} : memref<2x128xf32, #tpu.memory_space<vmem>>, vector<1x16xf32>,
    %get3A_1216 = vector.shape_cast %get3A_1215 : vector<1x16xf32> to vector<16xf32>
    %add3A_1217 = arith.addf %add3A_1101, %get3A_1141 : vector<16xf32>
    %add3A_1218 = arith.addf %add3A_1102, %get3A_1146 : vector<16xf32>
    %add3A_1219 = arith.addf %add3A_1103, %get3A_1151 : vector<16xf32>
    %add3A_1220 = arith.addf %add3A_1104, %get3A_1156 : vector<16xf32>
    %add3A_1221 = arith.addf %add3A_1105, %get3A_1161 : vector<16xf32>
    %add3A_1222 = arith.addf %add3A_1106, %get3A_1166 : vector<16xf32>
    %add3A_1223 = arith.addf %add3A_1107, %get3A_1171 : vector<16xf32>
    %add3A_1224 = arith.addf %add3A_1108, %get3A_1176 : vector<16xf32>
    %add3A_1225 = arith.addf %add3A_1109, %get3A_1181 : vector<16xf32>
    %add3A_1226 = arith.addf %add3A_1110, %get3A_1186 : vector<16xf32>
    %add3A_1227 = arith.addf %add3A_1111, %get3A_1191 : vector<16xf32>
    %add3A_1228 = arith.addf %add3A_1112, %get3A_1196 : vector<16xf32>
    %add3A_1229 = arith.addf %add3A_1113, %get3A_1201 : vector<16xf32>
    %add3A_1230 = arith.addf %add3A_1114, %get3A_1206 : vector<16xf32>
    %add3A_1231 = arith.addf %add3A_1115, %get3A_1211 : vector<16xf32>
    %add3A_1232 = arith.addf %add3A_1116, %get3A_1216 : vector<16xf32>
    %dma_wait3A_1233 = arith.constant 0 : i32
    %dma_wait3A_1234 = arith.constant 0 : i32
    %dma_wait3A_1235 = arith.constant 0 : i32
    %dma_wait3A_1236 = tpu.memref_slice %arg11[%dma_wait3A_1234, %dma_wait3A_1235] : memref<2x128xf32, #tpu.memory_space<vmem>> -> memref<1x128xf32, #tpu.memory_space<vmem>>
    %dma_wait3A_1237 = tpu.memref_squeeze %dma_wait3A_1236 : memref<1x128xf32, #tpu.memory_space<vmem>> -> memref<128xf32, #tpu.memory_space<vmem>>
    %dma_wait3A_1238 = arith.constant 0 : i32
    %dma_wait3A_1239 = tpu.memref_slice %arg6[%dma_wait3A_1233, %dma_wait3A_1238] : memref<200x128xi32, #tpu.memory_space<vmem>> -> memref<1x128xi32, #tpu.memory_space<vmem>>
    %dma_wait3A_1240 = tpu.memref_squeeze %dma_wait3A_1239 : memref<1x128xi32, #tpu.memory_space<vmem>> -> memref<128xi32, #tpu.memory_space<vmem>>
    %dma_wait3A_1241 = arith.constant 0 : i32
    %dma_wait3A_1242 = tpu.memref_slice %arg3[%dma_wait3A_1241] : memref<1000000xf32, #tpu.memory_space<hbm>> -> memref<1000000xf32, #tpu.memory_space<hbm>>
    tpu.wait_indirect_dma semaphore(%arg16 : memref<!tpu.dma_semaphore, #tpu.memory_space<semaphore_mem>>) src(%dma_wait3A_1242 : memref<1000000xf32, #tpu.memory_space<hbm>>) dst(%dma_wait3A_1237 : memref<128xf32, #tpu.memory_space<vmem>>)
    %dma_wait3A_1243 = arith.constant 0 : i32
    %dma_wait3A_1244 = arith.constant 1 : i32
    %dma_wait3A_1245 = arith.constant 0 : i32
    %dma_wait3A_1246 = tpu.memref_slice %arg11[%dma_wait3A_1244, %dma_wait3A_1245] : memref<2x128xf32, #tpu.memory_space<vmem>> -> memref<1x128xf32, #tpu.memory_space<vmem>>
    %dma_wait3A_1247 = tpu.memref_squeeze %dma_wait3A_1246 : memref<1x128xf32, #tpu.memory_space<vmem>> -> memref<128xf32, #tpu.memory_space<vmem>>
    %dma_wait3A_1248 = arith.constant 0 : i32
    %dma_wait3A_1249 = tpu.memref_slice %arg6[%dma_wait3A_1243, %dma_wait3A_1248] : memref<200x128xi32, #tpu.memory_space<vmem>> -> memref<1x128xi32, #tpu.memory_space<vmem>>
    %dma_wait3A_1250 = tpu.memref_squeeze %dma_wait3A_1249 : memref<1x128xi32, #tpu.memory_space<vmem>> -> memref<128xi32, #tpu.memory_space<vmem>>
    %dma_wait3A_1251 = arith.constant 0 : i32
    %dma_wait3A_1252 = tpu.memref_slice %arg4[%dma_wait3A_1251] : memref<1000000xf32, #tpu.memory_space<hbm>> -> memref<1000000xf32, #tpu.memory_space<hbm>>
    tpu.wait_indirect_dma semaphore(%arg16 : memref<!tpu.dma_semaphore, #tpu.memory_space<semaphore_mem>>) src(%dma_wait3A_1252 : memref<1000000xf32, #tpu.memory_space<hbm>>) dst(%dma_wait3A_1247 : memref<128xf32, #tpu.memory_space<vmem>>)
    %get3A_1253 = arith.constant 0 : i32
    %get3A_1254 = arith.index_cast %get3A_1253 : i32 to index
    %get3A_1255 = arith.constant 0 : index
    %get3A_1256 = tpu.vector_load %arg11[%get3A_1254, %get3A_1255] {strides = array<i32>} : memref<2x128xf32, #tpu.memory_space<vmem>>, vector<1x16xf32>,
    %get3A_1257 = vector.shape_cast %get3A_1256 : vector<1x16xf32> to vector<16xf32>
    %get3A_1258 = arith.constant 0 : i32
    %get3A_1259 = arith.index_cast %get3A_1258 : i32 to index
    %get3A_1260 = arith.constant 16 : index
    %get3A_1261 = tpu.vector_load %arg11[%get3A_1259, %get3A_1260] {strides = array<i32>} : memref<2x128xf32, #tpu.memory_space<vmem>>, vector<1x16xf32>,
    %get3A_1262 = vector.shape_cast %get3A_1261 : vector<1x16xf32> to vector<16xf32>
    %get3A_1263 = arith.constant 0 : i32
    %get3A_1264 = arith.index_cast %get3A_1263 : i32 to index
    %get3A_1265 = arith.constant 32 : index
    %get3A_1266 = tpu.vector_load %arg11[%get3A_1264, %get3A_1265] {strides = array<i32>} : memref<2x128xf32, #tpu.memory_space<vmem>>, vector<1x16xf32>,
    %get3A_1267 = vector.shape_cast %get3A_1266 : vector<1x16xf32> to vector<16xf32>
    %get3A_1268 = arith.constant 0 : i32
    %get3A_1269 = arith.index_cast %get3A_1268 : i32 to index
    %get3A_1270 = arith.constant 48 : index
    %get3A_1271 = tpu.vector_load %arg11[%get3A_1269, %get3A_1270] {strides = array<i32>} : memref<2x128xf32, #tpu.memory_space<vmem>>, vector<1x16xf32>,
    %get3A_1272 = vector.shape_cast %get3A_1271 : vector<1x16xf32> to vector<16xf32>
    %get3A_1273 = arith.constant 0 : i32
    %get3A_1274 = arith.index_cast %get3A_1273 : i32 to index
    %get3A_1275 = arith.constant 64 : index
    %get3A_1276 = tpu.vector_load %arg11[%get3A_1274, %get3A_1275] {strides = array<i32>} : memref<2x128xf32, #tpu.memory_space<vmem>>, vector<1x16xf32>,
    %get3A_1277 = vector.shape_cast %get3A_1276 : vector<1x16xf32> to vector<16xf32>
    %get3A_1278 = arith.constant 0 : i32
    %get3A_1279 = arith.index_cast %get3A_1278 : i32 to index
    %get3A_1280 = arith.constant 80 : index
    %get3A_1281 = tpu.vector_load %arg11[%get3A_1279, %get3A_1280] {strides = array<i32>} : memref<2x128xf32, #tpu.memory_space<vmem>>, vector<1x16xf32>,
    %get3A_1282 = vector.shape_cast %get3A_1281 : vector<1x16xf32> to vector<16xf32>
    %get3A_1283 = arith.constant 0 : i32
    %get3A_1284 = arith.index_cast %get3A_1283 : i32 to index
    %get3A_1285 = arith.constant 96 : index
    %get3A_1286 = tpu.vector_load %arg11[%get3A_1284, %get3A_1285] {strides = array<i32>} : memref<2x128xf32, #tpu.memory_space<vmem>>, vector<1x16xf32>,
    %get3A_1287 = vector.shape_cast %get3A_1286 : vector<1x16xf32> to vector<16xf32>
    %get3A_1288 = arith.constant 0 : i32
    %get3A_1289 = arith.index_cast %get3A_1288 : i32 to index
    %get3A_1290 = arith.constant 112 : index
    %get3A_1291 = tpu.vector_load %arg11[%get3A_1289, %get3A_1290] {strides = array<i32>} : memref<2x128xf32, #tpu.memory_space<vmem>>, vector<1x16xf32>,
    %get3A_1292 = vector.shape_cast %get3A_1291 : vector<1x16xf32> to vector<16xf32>
    %get3A_1293 = arith.constant 1 : i32
    %get3A_1294 = arith.index_cast %get3A_1293 : i32 to index
    %get3A_1295 = arith.constant 0 : index
    %get3A_1296 = tpu.vector_load %arg11[%get3A_1294, %get3A_1295] {strides = array<i32>} : memref<2x128xf32, #tpu.memory_space<vmem>>, vector<1x16xf32>,
    %get3A_1297 = vector.shape_cast %get3A_1296 : vector<1x16xf32> to vector<16xf32>
    %get3A_1298 = arith.constant 1 : i32
    %get3A_1299 = arith.index_cast %get3A_1298 : i32 to index
    %get3A_1300 = arith.constant 16 : index
    %get3A_1301 = tpu.vector_load %arg11[%get3A_1299, %get3A_1300] {strides = array<i32>} : memref<2x128xf32, #tpu.memory_space<vmem>>, vector<1x16xf32>,
    %get3A_1302 = vector.shape_cast %get3A_1301 : vector<1x16xf32> to vector<16xf32>
    %get3A_1303 = arith.constant 1 : i32
    %get3A_1304 = arith.index_cast %get3A_1303 : i32 to index
    %get3A_1305 = arith.constant 32 : index
    %get3A_1306 = tpu.vector_load %arg11[%get3A_1304, %get3A_1305] {strides = array<i32>} : memref<2x128xf32, #tpu.memory_space<vmem>>, vector<1x16xf32>,
    %get3A_1307 = vector.shape_cast %get3A_1306 : vector<1x16xf32> to vector<16xf32>
    %get3A_1308 = arith.constant 1 : i32
    %get3A_1309 = arith.index_cast %get3A_1308 : i32 to index
    %get3A_1310 = arith.constant 48 : index
    %get3A_1311 = tpu.vector_load %arg11[%get3A_1309, %get3A_1310] {strides = array<i32>} : memref<2x128xf32, #tpu.memory_space<vmem>>, vector<1x16xf32>,
    %get3A_1312 = vector.shape_cast %get3A_1311 : vector<1x16xf32> to vector<16xf32>
    %get3A_1313 = arith.constant 1 : i32
    %get3A_1314 = arith.index_cast %get3A_1313 : i32 to index
    %get3A_1315 = arith.constant 64 : index
    %get3A_1316 = tpu.vector_load %arg11[%get3A_1314, %get3A_1315] {strides = array<i32>} : memref<2x128xf32, #tpu.memory_space<vmem>>, vector<1x16xf32>,
    %get3A_1317 = vector.shape_cast %get3A_1316 : vector<1x16xf32> to vector<16xf32>
    %get3A_1318 = arith.constant 1 : i32
    %get3A_1319 = arith.index_cast %get3A_1318 : i32 to index
    %get3A_1320 = arith.constant 80 : index
    %get3A_1321 = tpu.vector_load %arg11[%get3A_1319, %get3A_1320] {strides = array<i32>} : memref<2x128xf32, #tpu.memory_space<vmem>>, vector<1x16xf32>,
    %get3A_1322 = vector.shape_cast %get3A_1321 : vector<1x16xf32> to vector<16xf32>
    %get3A_1323 = arith.constant 1 : i32
    %get3A_1324 = arith.index_cast %get3A_1323 : i32 to index
    %get3A_1325 = arith.constant 96 : index
    %get3A_1326 = tpu.vector_load %arg11[%get3A_1324, %get3A_1325] {strides = array<i32>} : memref<2x128xf32, #tpu.memory_space<vmem>>, vector<1x16xf32>,
    %get3A_1327 = vector.shape_cast %get3A_1326 : vector<1x16xf32> to vector<16xf32>
    %get3A_1328 = arith.constant 1 : i32
    %get3A_1329 = arith.index_cast %get3A_1328 : i32 to index
    %get3A_1330 = arith.constant 112 : index
    %get3A_1331 = tpu.vector_load %arg11[%get3A_1329, %get3A_1330] {strides = array<i32>} : memref<2x128xf32, #tpu.memory_space<vmem>>, vector<1x16xf32>,
    %get3A_1332 = vector.shape_cast %get3A_1331 : vector<1x16xf32> to vector<16xf32>
    %add3A_1333 = arith.addf %add3A_1217, %get3A_1257 : vector<16xf32>
    %add3A_1334 = arith.addf %add3A_1218, %get3A_1262 : vector<16xf32>
    %add3A_1335 = arith.addf %add3A_1219, %get3A_1267 : vector<16xf32>
    %add3A_1336 = arith.addf %add3A_1220, %get3A_1272 : vector<16xf32>
    %add3A_1337 = arith.addf %add3A_1221, %get3A_1277 : vector<16xf32>
    %add3A_1338 = arith.addf %add3A_1222, %get3A_1282 : vector<16xf32>
    %add3A_1339 = arith.addf %add3A_1223, %get3A_1287 : vector<16xf32>
    %add3A_1340 = arith.addf %add3A_1224, %get3A_1292 : vector<16xf32>
    %add3A_1341 = arith.addf %add3A_1225, %get3A_1297 : vector<16xf32>
    %add3A_1342 = arith.addf %add3A_1226, %get3A_1302 : vector<16xf32>
    %add3A_1343 = arith.addf %add3A_1227, %get3A_1307 : vector<16xf32>
    %add3A_1344 = arith.addf %add3A_1228, %get3A_1312 : vector<16xf32>
    %add3A_1345 = arith.addf %add3A_1229, %get3A_1317 : vector<16xf32>
    %add3A_1346 = arith.addf %add3A_1230, %get3A_1322 : vector<16xf32>
    %add3A_1347 = arith.addf %add3A_1231, %get3A_1327 : vector<16xf32>
    %add3A_1348 = arith.addf %add3A_1232, %get3A_1332 : vector<16xf32>
    %swap3A = arith.constant 0 : i32
    %swap3A_1349 = arith.index_cast %swap3A : i32 to index
    %swap3A_1350 = arith.constant 0 : index
    %swap3A_1351 = tpu.vector_load %arg7[%swap3A_1349, %swap3A_1350] {strides = array<i32>} : memref<2x128xf32, #tpu.memory_space<vmem>>, vector<1x16xf32>,
    %swap3A_1352 = vector.shape_cast %swap3A_1351 : vector<1x16xf32> to vector<16xf32>
    %swap3A_1353 = vector.shape_cast %add3A_1333 : vector<16xf32> to vector<1x16xf32>
    tpu.vector_store %arg7[%swap3A_1349, %swap3A_1350], %swap3A_1353 {strides = array<i32>} : memref<2x128xf32, #tpu.memory_space<vmem>>, vector<1x16xf32>,
    %swap3A_1354 = arith.constant 0 : i32
    %swap3A_1355 = arith.index_cast %swap3A_1354 : i32 to index
    %swap3A_1356 = arith.constant 16 : index
    %swap3A_1357 = tpu.vector_load %arg7[%swap3A_1355, %swap3A_1356] {strides = array<i32>} : memref<2x128xf32, #tpu.memory_space<vmem>>, vector<1x16xf32>,
    %swap3A_1358 = vector.shape_cast %swap3A_1357 : vector<1x16xf32> to vector<16xf32>
    %swap3A_1359 = vector.shape_cast %add3A_1334 : vector<16xf32> to vector<1x16xf32>
    tpu.vector_store %arg7[%swap3A_1355, %swap3A_1356], %swap3A_1359 {strides = array<i32>} : memref<2x128xf32, #tpu.memory_space<vmem>>, vector<1x16xf32>,
    %swap3A_1360 = arith.constant 0 : i32
    %swap3A_1361 = arith.index_cast %swap3A_1360 : i32 to index
    %swap3A_1362 = arith.constant 32 : index
    %swap3A_1363 = tpu.vector_load %arg7[%swap3A_1361, %swap3A_1362] {strides = array<i32>} : memref<2x128xf32, #tpu.memory_space<vmem>>, vector<1x16xf32>,
    %swap3A_1364 = vector.shape_cast %swap3A_1363 : vector<1x16xf32> to vector<16xf32>
    %swap3A_1365 = vector.shape_cast %add3A_1335 : vector<16xf32> to vector<1x16xf32>
    tpu.vector_store %arg7[%swap3A_1361, %swap3A_1362], %swap3A_1365 {strides = array<i32>} : memref<2x128xf32, #tpu.memory_space<vmem>>, vector<1x16xf32>,
    %swap3A_1366 = arith.constant 0 : i32
    %swap3A_1367 = arith.index_cast %swap3A_1366 : i32 to index
    %swap3A_1368 = arith.constant 48 : index
    %swap3A_1369 = tpu.vector_load %arg7[%swap3A_1367, %swap3A_1368] {strides = array<i32>} : memref<2x128xf32, #tpu.memory_space<vmem>>, vector<1x16xf32>,
    %swap3A_1370 = vector.shape_cast %swap3A_1369 : vector<1x16xf32> to vector<16xf32>
    %swap3A_1371 = vector.shape_cast %add3A_1336 : vector<16xf32> to vector<1x16xf32>
    tpu.vector_store %arg7[%swap3A_1367, %swap3A_1368], %swap3A_1371 {strides = array<i32>} : memref<2x128xf32, #tpu.memory_space<vmem>>, vector<1x16xf32>,
    %swap3A_1372 = arith.constant 0 : i32
    %swap3A_1373 = arith.index_cast %swap3A_1372 : i32 to index
    %swap3A_1374 = arith.constant 64 : index
    %swap3A_1375 = tpu.vector_load %arg7[%swap3A_1373, %swap3A_1374] {strides = array<i32>} : memref<2x128xf32, #tpu.memory_space<vmem>>, vector<1x16xf32>,
    %swap3A_1376 = vector.shape_cast %swap3A_1375 : vector<1x16xf32> to vector<16xf32>
    %swap3A_1377 = vector.shape_cast %add3A_1337 : vector<16xf32> to vector<1x16xf32>
    tpu.vector_store %arg7[%swap3A_1373, %swap3A_1374], %swap3A_1377 {strides = array<i32>} : memref<2x128xf32, #tpu.memory_space<vmem>>, vector<1x16xf32>,
    %swap3A_1378 = arith.constant 0 : i32
    %swap3A_1379 = arith.index_cast %swap3A_1378 : i32 to index
    %swap3A_1380 = arith.constant 80 : index
    %swap3A_1381 = tpu.vector_load %arg7[%swap3A_1379, %swap3A_1380] {strides = array<i32>} : memref<2x128xf32, #tpu.memory_space<vmem>>, vector<1x16xf32>,
    %swap3A_1382 = vector.shape_cast %swap3A_1381 : vector<1x16xf32> to vector<16xf32>
    %swap3A_1383 = vector.shape_cast %add3A_1338 : vector<16xf32> to vector<1x16xf32>
    tpu.vector_store %arg7[%swap3A_1379, %swap3A_1380], %swap3A_1383 {strides = array<i32>} : memref<2x128xf32, #tpu.memory_space<vmem>>, vector<1x16xf32>,
    %swap3A_1384 = arith.constant 0 : i32
    %swap3A_1385 = arith.index_cast %swap3A_1384 : i32 to index
    %swap3A_1386 = arith.constant 96 : index
    %swap3A_1387 = tpu.vector_load %arg7[%swap3A_1385, %swap3A_1386] {strides = array<i32>} : memref<2x128xf32, #tpu.memory_space<vmem>>, vector<1x16xf32>,
    %swap3A_1388 = vector.shape_cast %swap3A_1387 : vector<1x16xf32> to vector<16xf32>
    %swap3A_1389 = vector.shape_cast %add3A_1339 : vector<16xf32> to vector<1x16xf32>
    tpu.vector_store %arg7[%swap3A_1385, %swap3A_1386], %swap3A_1389 {strides = array<i32>} : memref<2x128xf32, #tpu.memory_space<vmem>>, vector<1x16xf32>,
    %swap3A_1390 = arith.constant 0 : i32
    %swap3A_1391 = arith.index_cast %swap3A_1390 : i32 to index
    %swap3A_1392 = arith.constant 112 : index
    %swap3A_1393 = tpu.vector_load %arg7[%swap3A_1391, %swap3A_1392] {strides = array<i32>} : memref<2x128xf32, #tpu.memory_space<vmem>>, vector<1x16xf32>,
    %swap3A_1394 = vector.shape_cast %swap3A_1393 : vector<1x16xf32> to vector<16xf32>
    %swap3A_1395 = vector.shape_cast %add3A_1340 : vector<16xf32> to vector<1x16xf32>
    tpu.vector_store %arg7[%swap3A_1391, %swap3A_1392], %swap3A_1395 {strides = array<i32>} : memref<2x128xf32, #tpu.memory_space<vmem>>, vector<1x16xf32>,
    %swap3A_1396 = arith.constant 1 : i32
    %swap3A_1397 = arith.index_cast %swap3A_1396 : i32 to index
    %swap3A_1398 = arith.constant 0 : index
    %swap3A_1399 = tpu.vector_load %arg7[%swap3A_1397, %swap3A_1398] {strides = array<i32>} : memref<2x128xf32, #tpu.memory_space<vmem>>, vector<1x16xf32>,
    %swap3A_1400 = vector.shape_cast %swap3A_1399 : vector<1x16xf32> to vector<16xf32>
    %swap3A_1401 = vector.shape_cast %add3A_1341 : vector<16xf32> to vector<1x16xf32>
    tpu.vector_store %arg7[%swap3A_1397, %swap3A_1398], %swap3A_1401 {strides = array<i32>} : memref<2x128xf32, #tpu.memory_space<vmem>>, vector<1x16xf32>,
    %swap3A_1402 = arith.constant 1 : i32
    %swap3A_1403 = arith.index_cast %swap3A_1402 : i32 to index
    %swap3A_1404 = arith.constant 16 : index
    %swap3A_1405 = tpu.vector_load %arg7[%swap3A_1403, %swap3A_1404] {strides = array<i32>} : memref<2x128xf32, #tpu.memory_space<vmem>>, vector<1x16xf32>,
    %swap3A_1406 = vector.shape_cast %swap3A_1405 : vector<1x16xf32> to vector<16xf32>
    %swap3A_1407 = vector.shape_cast %add3A_1342 : vector<16xf32> to vector<1x16xf32>
    tpu.vector_store %arg7[%swap3A_1403, %swap3A_1404], %swap3A_1407 {strides = array<i32>} : memref<2x128xf32, #tpu.memory_space<vmem>>, vector<1x16xf32>,
    %swap3A_1408 = arith.constant 1 : i32
    %swap3A_1409 = arith.index_cast %swap3A_1408 : i32 to index
    %swap3A_1410 = arith.constant 32 : index
    %swap3A_1411 = tpu.vector_load %arg7[%swap3A_1409, %swap3A_1410] {strides = array<i32>} : memref<2x128xf32, #tpu.memory_space<vmem>>, vector<1x16xf32>,
    %swap3A_1412 = vector.shape_cast %swap3A_1411 : vector<1x16xf32> to vector<16xf32>
    %swap3A_1413 = vector.shape_cast %add3A_1343 : vector<16xf32> to vector<1x16xf32>
    tpu.vector_store %arg7[%swap3A_1409, %swap3A_1410], %swap3A_1413 {strides = array<i32>} : memref<2x128xf32, #tpu.memory_space<vmem>>, vector<1x16xf32>,
    %swap3A_1414 = arith.constant 1 : i32
    %swap3A_1415 = arith.index_cast %swap3A_1414 : i32 to index
    %swap3A_1416 = arith.constant 48 : index
    %swap3A_1417 = tpu.vector_load %arg7[%swap3A_1415, %swap3A_1416] {strides = array<i32>} : memref<2x128xf32, #tpu.memory_space<vmem>>, vector<1x16xf32>,
    %swap3A_1418 = vector.shape_cast %swap3A_1417 : vector<1x16xf32> to vector<16xf32>
    %swap3A_1419 = vector.shape_cast %add3A_1344 : vector<16xf32> to vector<1x16xf32>
    tpu.vector_store %arg7[%swap3A_1415, %swap3A_1416], %swap3A_1419 {strides = array<i32>} : memref<2x128xf32, #tpu.memory_space<vmem>>, vector<1x16xf32>,
    %swap3A_1420 = arith.constant 1 : i32
    %swap3A_1421 = arith.index_cast %swap3A_1420 : i32 to index
    %swap3A_1422 = arith.constant 64 : index
    %swap3A_1423 = tpu.vector_load %arg7[%swap3A_1421, %swap3A_1422] {strides = array<i32>} : memref<2x128xf32, #tpu.memory_space<vmem>>, vector<1x16xf32>,
    %swap3A_1424 = vector.shape_cast %swap3A_1423 : vector<1x16xf32> to vector<16xf32>
    %swap3A_1425 = vector.shape_cast %add3A_1345 : vector<16xf32> to vector<1x16xf32>
    tpu.vector_store %arg7[%swap3A_1421, %swap3A_1422], %swap3A_1425 {strides = array<i32>} : memref<2x128xf32, #tpu.memory_space<vmem>>, vector<1x16xf32>,
    %swap3A_1426 = arith.constant 1 : i32
    %swap3A_1427 = arith.index_cast %swap3A_1426 : i32 to index
    %swap3A_1428 = arith.constant 80 : index
    %swap3A_1429 = tpu.vector_load %arg7[%swap3A_1427, %swap3A_1428] {strides = array<i32>} : memref<2x128xf32, #tpu.memory_space<vmem>>, vector<1x16xf32>,
    %swap3A_1430 = vector.shape_cast %swap3A_1429 : vector<1x16xf32> to vector<16xf32>
    %swap3A_1431 = vector.shape_cast %add3A_1346 : vector<16xf32> to vector<1x16xf32>
    tpu.vector_store %arg7[%swap3A_1427, %swap3A_1428], %swap3A_1431 {strides = array<i32>} : memref<2x128xf32, #tpu.memory_space<vmem>>, vector<1x16xf32>,
    %swap3A_1432 = arith.constant 1 : i32
    %swap3A_1433 = arith.index_cast %swap3A_1432 : i32 to index
    %swap3A_1434 = arith.constant 96 : index
    %swap3A_1435 = tpu.vector_load %arg7[%swap3A_1433, %swap3A_1434] {strides = array<i32>} : memref<2x128xf32, #tpu.memory_space<vmem>>, vector<1x16xf32>,
    %swap3A_1436 = vector.shape_cast %swap3A_1435 : vector<1x16xf32> to vector<16xf32>
    %swap3A_1437 = vector.shape_cast %add3A_1347 : vector<16xf32> to vector<1x16xf32>
    tpu.vector_store %arg7[%swap3A_1433, %swap3A_1434], %swap3A_1437 {strides = array<i32>} : memref<2x128xf32, #tpu.memory_space<vmem>>, vector<1x16xf32>,
    %swap3A_1438 = arith.constant 1 : i32
    %swap3A_1439 = arith.index_cast %swap3A_1438 : i32 to index
    %swap3A_1440 = arith.constant 112 : index
    %swap3A_1441 = tpu.vector_load %arg7[%swap3A_1439, %swap3A_1440] {strides = array<i32>} : memref<2x128xf32, #tpu.memory_space<vmem>>, vector<1x16xf32>,
    %swap3A_1442 = vector.shape_cast %swap3A_1441 : vector<1x16xf32> to vector<16xf32>
    %swap3A_1443 = vector.shape_cast %add3A_1348 : vector<16xf32> to vector<1x16xf32>
    tpu.vector_store %arg7[%swap3A_1439, %swap3A_1440], %swap3A_1443 {strides = array<i32>} : memref<2x128xf32, #tpu.memory_space<vmem>>, vector<1x16xf32>,
    "tpu.region"() ({
      %run_scoped3A = tpu.sem_alloc : memref<!tpu.dma_semaphore, #tpu.memory_space<semaphore_mem>>
      %dma_start3A_1444 = arith.constant 0 : i32
      %dma_start3A_1445 = tpu.memref_slice %arg5[%dma_start3A_1444, %mul3A_2] : memref<2x4096xf32, #tpu.memory_space<hbm>> -> memref<2x128xf32, #tpu.memory_space<hbm>>
      %dma_start3A_1446 = arith.constant 0 : i32
      %dma_start3A_1447 = tpu.memref_slice %arg5[%dma_start3A_1446, %mul3A_2] : memref<2x4096xf32, #tpu.memory_space<hbm>> -> memref<2x128xf32, #tpu.memory_space<hbm>>
      tpu.enqueue_dma source(%arg7 : memref<2x128xf32, #tpu.memory_space<vmem>>) target(%dma_start3A_1447 : memref<2x128xf32, #tpu.memory_space<hbm>>) target_semaphore(%run_scoped3A : memref<!tpu.dma_semaphore, #tpu.memory_space<semaphore_mem>>)
      %dma_wait3A_1448 = arith.constant 0 : i32
      %dma_wait3A_1449 = tpu.memref_slice %arg5[%dma_wait3A_1448, %mul3A_2] : memref<2x4096xf32, #tpu.memory_space<hbm>> -> memref<2x128xf32, #tpu.memory_space<hbm>>
      %dma_wait3A_1450 = arith.constant 0 : i32
      %dma_wait3A_1451 = tpu.memref_slice %arg5[%dma_wait3A_1450, %mul3A_2] : memref<2x4096xf32, #tpu.memory_space<hbm>> -> memref<2x128xf32, #tpu.memory_space<hbm>>
      tpu.wait_dma2 semaphore(%run_scoped3A : memref<!tpu.dma_semaphore, #tpu.memory_space<semaphore_mem>>) src(%arg7 : memref<2x128xf32, #tpu.memory_space<vmem>>) dst(%dma_wait3A_1451 : memref<2x128xf32, #tpu.memory_space<hbm>>)
      tpu.yield
    }) : () -> ()
    return
  }
}

module attributes {stable_mosaic.version = 14 : i64} {
  func.func @_proj_body(%arg0: i32, %arg1: memref<2x64xf32, #tpu.memory_space<vmem>>, %arg2: memref<64x32768xf32, #tpu.memory_space<vmem>>, %arg3: memref<2xf32, #tpu.memory_space<smem>>, %arg4: memref<32768xf32, #tpu.memory_space<vmem>>, %arg5: memref<32768xf32, #tpu.memory_space<vmem>>) attributes {dimension_semantics = [#tpu.dimension_semantics<arbitrary>], iteration_bounds = array<i64: 31>, scalar_prefetch = 0 : i64, scratch_operands = 0 : i64, tpu.core_type = #tpu.core_type<tc>, window_params = [{pipeline_mode = #tpu.pipeline_mode<synchronous>, transform_indices = @transform_0, window_bounds = array<i64: 2, 64>}, {transform_indices = @transform_1, window_bounds = array<i64: 64, 32768>}, {transform_indices = @transform_2, window_bounds = array<i64: 2>}, {transform_indices = @transform_3, window_bounds = array<i64: 32768>}, {transform_indices = @transform_4, window_bounds = array<i64: 32768>}]} {
    %get3A = arith.constant 0 : index
    %get3A_0 = arith.constant 0 : index
    %get3A_1 = vector.load %arg1[%get3A, %get3A_0] : memref<2x64xf32, #tpu.memory_space<vmem>>, vector<2x64xf32>
    %mul3A = arith.constant 5.000000e-03 : f32
    %mul3A_2 = vector.broadcast %mul3A : f32 to vector<2x64xf32>
    %mul3A_3 = arith.mulf %get3A_1, %mul3A_2 : vector<2x64xf32>
    %get3A_4 = arith.constant 0 : index
    %get3A_5 = arith.constant 0 : index
    %get3A_6 = vector.load %arg2[%get3A_4, %get3A_5] : memref<64x32768xf32, #tpu.memory_space<vmem>>, vector<64x32768xf32>
    %dot_general3A = arith.constant dense<0.000000e+00> : vector<2x32768xf32>
    %dot_general3A_7 = tpu.matmul %mul3A_3, %get3A_6, %dot_general3A {dimension_numbers = #tpu.dot_dimension_numbers<[1], [0], [0], [1], [0, 0, 1, 1], [], []>, transpose_lhs_hint = false} : vector<2x64xf32>, vector<64x32768xf32>, vector<2x32768xf32> -> vector<2x32768xf32>
    %slice3A = vector.extract_strided_slice %dot_general3A_7 {offsets = [0, 0], sizes = [1, 32768], strides = [1, 1]} : vector<2x32768xf32> to vector<1x32768xf32>
    %squeeze3A = vector.shape_cast %slice3A : vector<1x32768xf32> to vector<32768xf32>
    %get3A_8 = arith.constant 0 : index
    %get3A_9 = memref.load %arg3[%get3A_8] : memref<2xf32, #tpu.memory_space<smem>>
    %mul3A_10 = arith.constant 5.000000e-03 : f32
    %mul3A_11 = arith.mulf %get3A_9, %mul3A_10 : f32
    %add3A = vector.broadcast %mul3A_11 : f32 to vector<32768xf32>
    %add3A_12 = arith.addf %squeeze3A, %add3A : vector<32768xf32>
    %swap3A = arith.constant 0 : index
    %swap3A_13 = vector.load %arg4[%swap3A] : memref<32768xf32, #tpu.memory_space<vmem>>, vector<32768xf32>
    tpu.vector_store %arg4[%swap3A], %add3A_12 {strides = array<i32>} : memref<32768xf32, #tpu.memory_space<vmem>>, vector<32768xf32>,
    %slice3A_14 = vector.extract_strided_slice %dot_general3A_7 {offsets = [1, 0], sizes = [1, 32768], strides = [1, 1]} : vector<2x32768xf32> to vector<1x32768xf32>
    %squeeze3A_15 = vector.shape_cast %slice3A_14 : vector<1x32768xf32> to vector<32768xf32>
    %get3A_16 = arith.constant 1 : index
    %get3A_17 = memref.load %arg3[%get3A_16] : memref<2xf32, #tpu.memory_space<smem>>
    %mul3A_18 = arith.constant 5.000000e-03 : f32
    %mul3A_19 = arith.mulf %get3A_17, %mul3A_18 : f32
    %add3A_20 = vector.broadcast %mul3A_19 : f32 to vector<32768xf32>
    %add3A_21 = arith.addf %squeeze3A_15, %add3A_20 : vector<32768xf32>
    %swap3A_22 = arith.constant 0 : index
    %swap3A_23 = vector.load %arg5[%swap3A_22] : memref<32768xf32, #tpu.memory_space<vmem>>, vector<32768xf32>
    tpu.vector_store %arg5[%swap3A_22], %add3A_21 {strides = array<i32>} : memref<32768xf32, #tpu.memory_space<vmem>>, vector<32768xf32>,
    return
  }
  func.func @transform_0(%arg0: i32) -> (i32, i32) {
    %c0_i32 = arith.constant 0 : i32
    %c0_i32_0 = arith.constant 0 : i32
    %c0_i32_1 = arith.constant 0 : i32
    return %c0_i32, %c0_i32_0 : i32, i32
  }
  func.func @transform_1(%arg0: i32) -> (i32, i32) {
    %c0_i32 = arith.constant 0 : i32
    %c0_i32_0 = arith.constant 0 : i32
    return %c0_i32, %arg0 : i32, i32
  }
  func.func @transform_2(%arg0: i32) -> i32 {
    %c0_i32 = arith.constant 0 : i32
    %c0_i32_0 = arith.constant 0 : i32
    return %c0_i32 : i32
  }
  func.func @transform_3(%arg0: i32) -> i32 {
    %c0_i32 = arith.constant 0 : i32
    return %arg0 : i32
  }
  func.func @transform_4(%arg0: i32) -> i32 {
    %c0_i32 = arith.constant 0 : i32
    return %arg0 : i32
  }
}

</mosaic_0001>

<sc_bundles>
// kernel: kernel.4.cloned.1.call-start
scs
__scs_entry_jumppad:
0x0: {  	(pc) =	sbr.rel $0x88, $3  }
0x1: {  	(tag) =	ssettag $0x0;
	lr =	simm.s32 $0x1  }
0x2: {  	[smem:$0x3F9D] =	sst lr;
	_ =	strace $0xD0000000  }
0x3: {  	_ = 	snop  }
0x4: {  	_ = 	snop  }
0x5: {  	_ = 	snop  }
0x6: {  	_ = 	snop  }
0x7: {  	_ = 	snop  }
__scs_overlays_trampoline_lowered:
0x8: {  	[smem:$0x3FAC] =	sst s0  }
0x9: {  	[smem:$0x3FAD] =	sst s1  }
0xa: {  	[smem:$0x3FAE] =	sst s2  }
0xb: {  	[smem:$0x3FAF] =	sst s3  }
0xc: {  	[smem:$0x3FB0] =	sst s4  }
0xd: {  	[smem:$0x3FB1] =	sst s5  }
0xe: {  	[smem:$0x3FB2] =	sst s6  }
0xf: {  	[smem:$0x3FB3] =	sst s7  }
0x10: {  	[smem:$0x3FB4] =	sst s8  }
0x11: {  	[smem:$0x3FB5] =	sst s9;
	s0 =	simm.s32 @!p0 $0x0  }
0x12: {  	s1 =	sld [smem:$0x3F9B];
	s0 =	simm.s32 @p0 $0x1  }
0x13: {  	[smem:$0x3FB6] =	sst s0;
	s0 =	simm.s32 @!p1 $0x0  }
0x14: {  	s2 =	sld [smem:$0x3F9A];
	s0 =	simm.s32 @p1 $0x1  }
0x15: {  	[smem:$0x3FB7] =	sst s0;
	s0 =	simm.s32 @!p2 $0x0  }
0x16: {  	s3 =	sld [smem:$0x3FDB];
	s0 =	simm.s32 @p2 $0x1  }
0x17: {  	s4 =	simm.s32 $0x1BF5;
	[smem:$0x3FB9] =	sst s0  }
0x18: {  	s0 =	sld [smem:$0x3F9C];
	_ =	swait.ge [sflag:s4], $0x0  }
0x19: {  	s7 =	sld [smem:$0x3F9D]  }
0x1a: {  	s8 =	sadd.s32 $0xFFFFE003, lr  }
0x1b: {  	s9 =	sadd.s32 $0xFFFFFEF7, lr;
	s5 =	simm.s32 $0xFFFFFFFF;
	p2 =	slt.u32 s8, $0xFFFFF086  }
0x1c: {  	p1 =	slt.u32 s9, $0xF7A;
	s5 =	simm.s32 @!p2 $0x0  }
0x1d: {  	s5 =	simm.s32 @p1 $0x1;
	p0 =	seq.s32 s7, s2  }
0x1e: {  	s7 =	smul.u32 @!p0 $0xF7A, s2;
	p2 =	seq.s32 @!p0 s5, $0x0  }
0x1f: {  	s9 =	smul.u32 $0xF7A, s1;
	s8 =	simm.s32 @!p0 $0x1BF5;
	p2 =	por !p2, p0  }
0x20: {  	[sflag:s8] =	ssyncset.s32 @!p0 $0xFFFFF086;
	s6 =	sadd.s32 @!p0 s3, s7;
	s7 =	simm.s32 @!p0 $0x108  }
0x21: {  	s3 =	sadd.s32 s3, s9;
	s6 =	sadd.s32 @!p0 $0x88, s6;
	s7 =	simm.s32 @p2 $0x1082  }
0x22: {  	[simem:s7], [sflag:s8] =	dma.local @!p0 [hbm:s6], $0xF7A  }
0x23: {  	s9 =	sor.u32 $0xD0000000, s2;
	s6 =	simm.s32 $0x108;
	_ =	swait.ge @!p0 [sflag:s8], $0x0  }
0x24: {  	s3 =	sadd.s32 $0x88, s3;
	s6 =	simm.s32 @!p1 $0x1082;
	[sflag:s4] =	ssyncset.s32 $0xFFFFF086  }
0x25: {  	[simem:s6], [sflag:s4] =	dma.local [hbm:s3], $0xF7A  }
0x26: {  	[smem:$0x3F9D] =	sst s1;
	(tag) =	ssettag s2;
	_ =	strace s9  }
0x27: {  	s1 =	sld [smem:$0x3FAD]  }
0x28: {  	s2 =	sld [smem:$0x3FAE]  }
0x29: {  	s4 =	sld [smem:$0x3FB0]  }
0x2a: {  	p0 =	seq.s32 s5, $0x0;
	s5 =	sld [smem:$0x3FB1]  }
0x2b: {  	s6 =	sld [smem:$0x3FB2]  }
0x2c: {  	s7 =	sld [smem:$0x3FB3]  }
0x2d: {  	s3 =	simm.s32 $0x108;
	s8 =	sld [smem:$0x3FB4]  }
0x2e: {  	s3 =	simm.s32 @!p0 $0x1082;
	s9 =	sld [smem:$0x3FB5]  }
0x2f: {  	lr =	sadd.s32 s0, s3;
	s0 =	sld [smem:$0x3FAC]  }
0x30: {  	s3 =	sld [smem:$0x3FAF]  }
0x31: {  	[smem:$0x3FB8] =	sst s10  }
0x32: {  	s10 =	sld [smem:$0x3FB6];
	_ =	sdelay $0x3  }
0x33: {  	p0 =	seq.s32 s10, $0x1;
	s10 =	sld [smem:$0x3FB8];
	_ =	sdelay $0x3  }
0x34: {  	[smem:$0x3FB8] =	sst s10  }
0x35: {  	s10 =	sld [smem:$0x3FB7];
	_ =	sdelay $0x3  }
0x36: {  	p1 =	seq.s32 s10, $0x1;
	s10 =	sld [smem:$0x3FB8];
	_ =	sdelay $0x3  }
0x37: {  	[smem:$0x3FB8] =	sst s10  }
0x38: {  	s10 =	sld [smem:$0x3FB9]  }
0x39: {  	_ = 	snop;
	(pc) =	sbr.ind lr, $3  }
0x3a: {  	_ = 	snop  }
0x3b: {  	_ = 	snop  }
0x3c: {  	p2 =	seq.s32 s10, $0x1;
	s10 =	sld [smem:$0x3FB8]  }
0x3d: {  	_ =	shalt  }
0x3e: {  	_ =	shalt  }
0x3f: {  	_ =	shalt  }
0x40: {  	_ =	shalt  }
0x41: {  	_ =	shalt  }
0x42: {  	_ =	shalt  }
0x43: {  	_ =	shalt  }
0x44: {  	_ =	shalt  }
0x45: {  	_ =	shalt  }
0x46: {  	_ =	shalt  }
0x47: {  	_ =	shalt  }
0x48: {  	_ =	shalt  }
0x49: {  	_ =	shalt  }
0x4a: {  	_ =	shalt  }
0x4b: {  	_ =	shalt  }
0x4c: {  	_ =	shalt  }
0x4d: {  	_ =	shalt  }
0x4e: {  	_ =	shalt  }
0x4f: {  	_ =	shalt  }
0x50: {  	_ =	shalt  }
0x51: {  	_ =	shalt  }
0x52: {  	_ =	shalt  }
0x53: {  	_ =	shalt  }
0x54: {  	_ =	shalt  }
0x55: {  	_ =	shalt  }
0x56: {  	_ =	shalt  }
0x57: {  	_ =	shalt  }
0x58: {  	_ =	shalt  }
0x59: {  	_ =	shalt  }
0x5a: {  	_ =	shalt  }
0x5b: {  	_ =	shalt  }
0x5c: {  	_ =	shalt  }
0x5d: {  	_ =	shalt  }
0x5e: {  	_ =	shalt  }
0x5f: {  	_ =	shalt  }
0x60: {  	_ =	shalt  }
0x61: {  	_ =	shalt  }
0x62: {  	_ =	shalt  }
0x63: {  	_ =	shalt  }
0x64: {  	_ =	shalt  }
0x65: {  	_ =	shalt  }
0x66: {  	_ =	shalt  }
0x67: {  	_ =	shalt  }
0x68: {  	_ =	shalt  }
0x69: {  	_ =	shalt  }
0x6a: {  	_ =	shalt  }
0x6b: {  	_ =	shalt  }
0x6c: {  	_ =	shalt  }
0x6d: {  	_ =	shalt  }
0x6e: {  	_ =	shalt  }
0x6f: {  	_ =	shalt  }
0x70: {  	_ =	shalt  }
0x71: {  	_ =	shalt  }
0x72: {  	_ =	shalt  }
0x73: {  	_ =	shalt  }
0x74: {  	_ =	shalt  }
0x75: {  	_ =	shalt  }
0x76: {  	_ =	shalt  }
0x77: {  	_ =	shalt  }
0x78: {  	_ =	shalt  }
0x79: {  	_ =	shalt  }
0x7a: {  	_ =	shalt  }
0x7b: {  	_ =	shalt  }
0x7c: {  	_ =	shalt  }
0x7d: {  	_ =	shalt  }
0x7e: {  	_ =	shalt  }
0x7f: {  	_ =	shalt  }
0x80: {  	_ =	shalt  }
0x81: {  	_ =	shalt  }
0x82: {  	_ =	shalt  }
0x83: {  	_ =	shalt  }
0x84: {  	_ =	shalt  }
0x85: {  	_ =	shalt  }
0x86: {  	_ =	shalt  }
0x87: {  	_ =	shalt  }
.Lfunc_end0:
.L_simem_size_0:
called_computation_lowered:
.L_overlay_start_0:
0x88: {  	s2 =	sld [smem:$0x3FD9]  }
0x89: {  	s3 =	sld [smem:$0x3FFE];
	_ =	sdelay $0x1  }
0x8a: {  	s1 =	srdreg.scid  }
0x8b: {  	s0 =	sand.u32 $0x1, s1  }
0x8c: {  	s16 =	sshll.u32 s0, $0xA;
	s2 =	sadd.s32 s3, s2  }
0x8d: {  	s2 =	sadd.s32 s2, s16  }
0x8e: {  	[smem:$0x3FC4] =	sst s2  }
0x8f: {  	_ = 	snop  }
0x90: {  	(tm) =	ssettm $0x1  }
0x91: {  	s17 =	sld [smem:$0x3FFB];
	_ =	sdelay $0x3  }
0x92: {  	_ =	strace s17  }
0x93: {  	s2 =	sld [smem:$0x3FFC];
	_ =	sdelay $0x3  }
0x94: {  	_ =	strace s2  }
0x95: {  	s2 =	sld [smem:$0x3FFD];
	_ =	sdelay $0x3  }
0x96: {  	_ =	strace s2  }
0x97: {  	_ =	strace $0x8FFFFFFF  }
0x98: {  	s18 =	sld [smem:$0x3FDB];
	_ =	sdelay $0x1  }
0x99: {  	s19 =	simm.s32 $_scs_section_size  }
0x9a: {  	s4 =	simm.s32 $_size__tile_overlayer_lowered;
	s5 =	simm.s32 $_tile_overlayer_lowered  }
0x9b: {  	s22 =	simm.s32 $0x1BFF;
	s21 =	sshll.u32 s5, $0x1;
	s2 =	sadd.s32 s19, s18  }
0x9c: {  	s6 =	simm.s32 $0x0;
	s20 =	sshll.u32 s4, $0x1;
	s4 =	sadd.s32 s21, s2  }
0x9d: {  	[timem:s6], [sflag:s22] =	dma.local [hbm:s4], s20  }
0x9e: {  	_ =	swait.ge [sflag:s22], s20  }
0x9f: {  	s3 =	ssub.s32 $0x0, s20;
	[sflag:s22] =	ssyncset.done $0x0  }
0xa0: {  	[sflag:s22] =	ssyncadd.s32 s3;
	_ =	sdelay $0x1  }
0xa1: {  	s23 =	simm.s32 $0x1B8B  }
0xa2: {  	_ =	swait.ge [sflag:s23], $0x1  }
0xa3: {  	[sflag:s23] =	ssyncset.done $0x0  }
0xa4: {  	s25 =	simm.s32 $0x1B8E;
	s24 =	sld [smem:$0x3FFE];
	[sflag:s23] =	ssyncadd.s32 $0xFFFFFFFF  }
0xa5: {  	s26 =	simm.s32 $execute0_lowered;
	[smem:$0x3FD2] =	sst s25  }
0xa6: {  	s4 =	sshll.u32 s26, $0x1;
	_ =	strace $0x80000046;
	[dreg:$0x1] =	wrdreg $0xFFFFFFFF  }
0xa7: {  	s28 =	simm.s32 $_size_execute0_lowered;
	s2 =	sadd.s32 s2, s4;
	[dreg:$0x0] =	wrdreg $0x0  }
0xa8: {  	s4 =	sshll.u32 s28, $0x1;
	[dreg:$0x2] =	wrdreg s2  }
0xa9: {  	[dreg:$0x3] =	wrdreg s4  }
0xaa: {  	[dreg:$0x4] =	wrdreg $0xC0  }
0xab: {  	_ =	task [dreg:s6], $0x5FFFF  }
0xac: {  	[dreg:$0x1] =	wrdreg $0xFFFFFFFF  }
0xad: {  	[dreg:$0x0] =	wrdreg $0x60  }
0xae: {  	[dreg:$0x2] =	wrdreg s24  }
0xaf: {  	[dreg:$0x3] =	wrdreg $0x9  }
0xb0: {  	_ =	task.clear_ibuf [dreg:s6], $0x4FFFF;
	_ =	strace $0x90000046  }
0xb1: {  	s29 =	simm.s32 $0x9;
	_ =	strace $0x80000048  }
0xb2: {  	_ =	swait.ge [sflag:s29], $0x1  }
0xb3: {  	[sflag:s29] =	ssyncadd.s32 $0xFFFFFFFF  }
0xb4: {  	_ =	strace $0x90000048  }
0xb5: {  	_ =	sfence  }
0xb6: {  	s30 =	sld [smem:$0x0];
	_ =	sdelay $0x2  }
0xb7: {  	s31 =	sshll.u32 s1, $0xD;
	s1 =	sshrl.u32 s1, $0x2  }
0xb8: {  	s3 =	sand.u32 $0x4000, s31;
	s1 =	sadd.s32 s1, s30  }
0xb9: {  	s0 =	sor.u32 s3, s0;
	s1 =	sshll.u32 s1, $0x11  }
0xba: {  	s0 =	sor.u32 s1, s0  }
0xbb: {  	s0 =	sadd.s32 $0x8F2B, s0  }
0xbc: {  	[sflag:s0] =	ssyncadd.remote.s32 $0x1  }
0xbd: {  	_ =	sfence.sel $0xFFFF  }
0xbe: {  	[dreg:$0x0] =	wrdreg $0xFFFFFFFF;
	(pc) =	sbr.abs _section_cstart, $3  }
0xbf: {  	[dreg:$0x1] =	wrdreg $0xFFFFFFFF  }
0xc0: {  	_ =	task.clear_ibuf [dreg:s6], $0x2FFFF;
	_ =	strace $0x9FFFFFFF  }
0xc1: {  	(tm) =	ssettm $0x7FFFFFFF  }
tec
execute0_lowered:
.L_overlay_start_1:
0x0: {  	(tag) =	ssettag $0x1  }
0x1: {  	s0 =	rddreg [dreg:$0x0];
	s2 =	simm.s32 $0x0;
	s1 =	srdreg.scid  }
0x2: {  	s3 =	stileid.u32;
	s8 =	simm.s32 $0x80;
	s10 =	simm.s32 $0x6  }
0x3: {  	s11 =	simm.s32 $0x6400;
	s12 =	simm.s32 $0x6480;
	s13 =	simm.s32 $0x6500  }
0x4: {  	s14 =	simm.s32 $0x6580;
	s16 =	simm.s32 $0x6600;
	s17 =	simm.s32 $0x6680  }
0x5: {  	s18 =	simm.s32 $0x180;
	s19 =	simm.s32 $0x6700;
	s20 =	simm.s32 $0x6780  }
0x6: {  	s21 =	simm.s32 $0x200;
	s22 =	simm.s32 $0x6800;
	s23 =	simm.s32 $0x6880  }
0x7: {  	s24 =	simm.s32 $0x1;
	s25 =	simm.s32 $0x280;
	s28 =	simm.s32 $0x300  }
0x8: {  	s29 =	simm.s32 $0x3;
	s30 =	simm.s32 $0x380;
	s31 =	simm.s32 $0x4  }
0x9: {  	s9 =	simm.s32 $0x480;
	s15 =	simm.s32 $0x0;
	s1 =	sand.u32 $0x1, s1  }
0xa: {  	[smem:$0x7FF] =	sst s2;
	s4 =	sshll.u32 s3, $0x5;
	s5 =	sshll.u32 s1, $0x4  }
0xb: {  	s3 =	sadd.s32 $0x19E00, s0;
	s1 =	ssub.s32 $0x2, s1;
	s5 =	sor.u32 s5, s4  }
0xc: {  	s6 =	sshrl.u32 s1, $0x1;
	s4 =	sadd.s32 $0x38800, s0;
	s0 =	sadd.s32 s5, s0  }
0xd: {  	_ =	strace $0x80000047;
	s1 =	ssub.s32 s1, s6;
	s5 =	sadd.s32 $0xE00, s0  }
0xe: {  	s6 =	simm.s32 $0x1000;
	s0 =	sadd.s32 $0x57200, s0;
	[dreg:$0x2] =	wrdreg s5  }
0xf: {  	s26 =	smax.u32 s1, $0x1;
	s1 =	simm.s32 $0x5;
	[dreg:$0x3] =	wrdreg s0  }
0x10: {  	[dreg:$0x4] =	wrdreg s26;
	s26 =	simm.s32 $0x2;
	s0 =	simm.s32 $0x400  }
.LBB2_1:
0x11: {  	s5 =	rddreg [dreg:$0x2]  }
0x12: {  	[tilespmem:s2], [sflag:$0x6] =	stream.strided.gather [hbm4b:s5+s8], $0x6400, s6, s8, $0x38;
	[tilespmem:$0x6900] =	vst v63  }
0x13: {  	_ =	swait.ge [sflag:s10], $0x6400  }
0x14: {  	[sflag:s10] =	ssyncset.done $0x0  }
0x15: {  	[sflag:s10] =	ssyncadd.s32 $0xFFFF9C00  }
0x16: {  	[tilespmem:s11], [sflag:$0x1] =	stream.indirect.gather [hbm4b:s3+s8], $0x1, s2, s8, $0xb8;
	[tilespmem:$0x6900] =	vst v63  }
0x17: {  	_ = 	snop  }
0x18: {  	[tilespmem:s12], [sflag:$0x1] =	stream.indirect.gather [hbm4b:s4+s8], $0x1, s2, s8, $0xb8;
	[tilespmem:$0x6900] =	vst v63  }
0x19: {  	_ = 	snop  }
0x1a: {  	[tilespmem:s13], [sflag:$0x2] =	stream.indirect.gather [hbm4b:s3+s8], $0x1, s8, s8, $0xb8;
	[tilespmem:$0x6900] =	vst v63  }
0x1b: {  	_ = 	snop  }
0x1c: {  	[tilespmem:s14], [sflag:$0x2] =	stream.indirect.gather [hbm4b:s4+s8], $0x1, s8, s8, $0xb8;
	[tilespmem:$0x6900] =	vst v63  }
0x1d: {  	s7 =	simm.s32 $0x100  }
0x1e: {  	[tilespmem:s16], [sflag:$0x3] =	stream.indirect.gather [hbm4b:s3+s8], $0x1, s7, s8, $0xb8;
	[tilespmem:$0x6900] =	vst v63  }
0x1f: {  	_ = 	snop  }
0x20: {  	[tilespmem:s17], [sflag:$0x3] =	stream.indirect.gather [hbm4b:s4+s8], $0x1, s7, s8, $0xb8;
	[tilespmem:$0x6900] =	vst v63  }
0x21: {  	_ = 	snop  }
0x22: {  	[tilespmem:s19], [sflag:$0x4] =	stream.indirect.gather [hbm4b:s3+s8], $0x1, s18, s8, $0xb8;
	[tilespmem:$0x6900] =	vst v63  }
0x23: {  	_ = 	snop  }
0x24: {  	[tilespmem:s20], [sflag:$0x4] =	stream.indirect.gather [hbm4b:s4+s8], $0x1, s18, s8, $0xb8;
	[tilespmem:$0x6900] =	vst v63  }
0x25: {  	_ = 	snop  }
0x26: {  	[tilespmem:s22], [sflag:$0x5] =	stream.indirect.gather [hbm4b:s3+s8], $0x1, s21, s8, $0xb8;
	[tilespmem:$0x6900] =	vst v63  }
0x27: {  	_ = 	snop  }
0x28: {  	[tilespmem:s23], [sflag:$0x5] =	stream.indirect.gather [hbm4b:s4+s8], $0x1, s21, s8, $0xb8;
	[tilespmem:$0x6900] =	vst v63  }
0x29: {  	_ =	swait.ge [sflag:s24], $0x80  }
0x2a: {  	[sflag:s24] =	ssyncset.done $0x0  }
0x2b: {  	[sflag:s24] =	ssyncadd.s32 $0xFFFFFF80  }
0x2c: {  	_ =	swait.ge [sflag:s24], $0x80  }
0x2d: {  	[sflag:s24] =	ssyncset.done $0x0  }
0x2e: {  	[sflag:s24] =	ssyncadd.s32 $0xFFFFFF80  }
0x2f: {  	v0 =	vld [tilespmem:$0x6400]  }
0x30: {  	v1 =	vld [tilespmem:$0x6410]  }
0x31: {  	v2 =	vld [tilespmem:$0x6420]  }
0x32: {  	v3 =	vld [tilespmem:$0x6430]  }
0x33: {  	v4 =	vld [tilespmem:$0x6440]  }
0x34: {  	v5 =	vld [tilespmem:$0x6450]  }
0x35: {  	v6 =	vld [tilespmem:$0x6460]  }
0x36: {  	v7 =	vld [tilespmem:$0x6470]  }
0x37: {  	v8 =	vld [tilespmem:$0x6480]  }
0x38: {  	v9 =	vld [tilespmem:$0x6490]  }
0x39: {  	v10 =	vld [tilespmem:$0x64A0]  }
0x3a: {  	v11 =	vld [tilespmem:$0x64B0]  }
0x3b: {  	v12 =	vld [tilespmem:$0x64C0]  }
0x3c: {  	v13 =	vld [tilespmem:$0x64D0]  }
0x3d: {  	v14 =	vld [tilespmem:$0x64E0]  }
0x3e: {  	v15 =	vld [tilespmem:$0x64F0];
	[tilespmem:s11], [sflag:$0x1] =	stream.indirect.gather [hbm4b:s3+s8], $0x1, s25, s8, $0xb8  }
0x3f: {  	_ = 	snop  }
0x40: {  	[tilespmem:s12], [sflag:$0x1] =	stream.indirect.gather [hbm4b:s4+s8], $0x1, s25, s8, $0xb8;
	[tilespmem:$0x6900] =	vst v63  }
0x41: {  	_ =	swait.ge [sflag:s26], $0x80  }
0x42: {  	[sflag:s26] =	ssyncset.done $0x0  }
0x43: {  	[sflag:s26] =	ssyncadd.s32 $0xFFFFFF80  }
0x44: {  	_ =	swait.ge [sflag:s26], $0x80  }
0x45: {  	[sflag:s26] =	ssyncset.done $0x0  }
0x46: {  	[sflag:s26] =	ssyncadd.s32 $0xFFFFFF80  }
0x47: {  	v16 =	vld [tilespmem:$0x6500]  }
0x48: {  	v17 =	vld [tilespmem:$0x6510]  }
0x49: {  	v18 =	vld [tilespmem:$0x6520]  }
0x4a: {  	v19 =	vld [tilespmem:$0x6530]  }
0x4b: {  	v20 =	vld [tilespmem:$0x6540]  }
0x4c: {  	v21 =	vld [tilespmem:$0x6550]  }
0x4d: {  	v22 =	vld [tilespmem:$0x6560]  }
0x4e: {  	v23 =	vld [tilespmem:$0x6570]  }
0x4f: {  	v24 =	vld [tilespmem:$0x6580]  }
0x50: {  	v25 =	vld [tilespmem:$0x6590]  }
0x51: {  	v26 =	vld [tilespmem:$0x65A0]  }
0x52: {  	v27 =	vld [tilespmem:$0x65B0]  }
0x53: {  	v28 =	vld [tilespmem:$0x65C0]  }
0x54: {  	v29 =	vld [tilespmem:$0x65D0]  }
0x55: {  	v30 =	vld [tilespmem:$0x65E0]  }
0x56: {  	v31 =	vld [tilespmem:$0x65F0];
	[tilespmem:s13], [sflag:$0x2] =	stream.indirect.gather [hbm4b:s3+s8], $0x1, s28, s8, $0xb8  }
0x57: {  	_ = 	snop  }
0x58: {  	[tilespmem:s14], [sflag:$0x2] =	stream.indirect.gather [hbm4b:s4+s8], $0x1, s28, s8, $0xb8;
	[tilespmem:$0x6900] =	vst v63  }
0x59: {  	_ =	swait.ge [sflag:s29], $0x80  }
0x5a: {  	[sflag:s29] =	ssyncset.done $0x0  }
0x5b: {  	[sflag:s29] =	ssyncadd.s32 $0xFFFFFF80  }
0x5c: {  	_ =	swait.ge [sflag:s29], $0x80  }
0x5d: {  	[sflag:s29] =	ssyncset.done $0x0  }
0x5e: {  	[sflag:s29] =	ssyncadd.s32 $0xFFFFFF80  }
0x5f: {  	v32 =	vld [tilespmem:$0x6600]  }
0x60: {  	v33 =	vld [tilespmem:$0x6610]  }
0x61: {  	v34 =	vld [tilespmem:$0x6620]  }
0x62: {  	v35 =	vld [tilespmem:$0x6630]  }
0x63: {  	v36 =	vld [tilespmem:$0x6640]  }
0x64: {  	v37 =	vld [tilespmem:$0x6650]  }
0x65: {  	v38 =	vld [tilespmem:$0x6660]  }
0x66: {  	v39 =	vld [tilespmem:$0x6670]  }
0x67: {  	v40 =	vld [tilespmem:$0x6680]  }
0x68: {  	v41 =	vld [tilespmem:$0x6690]  }
0x69: {  	v42 =	vld [tilespmem:$0x66A0]  }
0x6a: {  	v43 =	vld [tilespmem:$0x66B0]  }
0x6b: {  	v44 =	vld [tilespmem:$0x66C0]  }
0x6c: {  	v45 =	vld [tilespmem:$0x66D0]  }
0x6d: {  	v46 =	vld [tilespmem:$0x66E0]  }
0x6e: {  	v47 =	vld [tilespmem:$0x66F0];
	[tilespmem:s16], [sflag:$0x3] =	stream.indirect.gather [hbm4b:s3+s8], $0x1, s30, s8, $0xb8  }
0x6f: {  	_ = 	snop  }
0x70: {  	[tilespmem:s17], [sflag:$0x3] =	stream.indirect.gather [hbm4b:s4+s8], $0x1, s30, s8, $0xb8;
	[tilespmem:$0x6900] =	vst v63  }
0x71: {  	_ =	swait.ge [sflag:s31], $0x80  }
0x72: {  	[sflag:s31] =	ssyncset.done $0x0  }
0x73: {  	[sflag:s31] =	ssyncadd.s32 $0xFFFFFF80  }
0x74: {  	_ =	swait.ge [sflag:s31], $0x80  }
0x75: {  	[sflag:s31] =	ssyncset.done $0x0  }
0x76: {  	[sflag:s31] =	ssyncadd.s32 $0xFFFFFF80  }
0x77: {  	v48 =	vld [tilespmem:$0x6700]  }
0x78: {  	v49 =	vld [tilespmem:$0x6710]  }
0x79: {  	v50 =	vld [tilespmem:$0x6720]  }
0x7a: {  	v51 =	vld [tilespmem:$0x6730]  }
0x7b: {  	v52 =	vld [tilespmem:$0x6740]  }
0x7c: {  	v53 =	vld [tilespmem:$0x6750]  }
0x7d: {  	v54 =	vld [tilespmem:$0x6760]  }
0x7e: {  	v55 =	vld [tilespmem:$0x6770]  }
0x7f: {  	v56 =	vld [tilespmem:$0x6780]  }
0x80: {  	v57 =	vld [tilespmem:$0x6790]  }
0x81: {  	v58 =	vld [tilespmem:$0x67A0]  }
0x82: {  	v59 =	vld [tilespmem:$0x67B0]  }
0x83: {  	v60 =	vld [tilespmem:$0x67C0]  }
0x84: {  	v0 =	vadd.f32 v16, v0;
	v1 =	vadd.f32 v17, v1;
	v61 =	vld [tilespmem:$0x67D0]  }
0x85: {  	v2 =	vadd.f32 v18, v2;
	v3 =	vadd.f32 v19, v3;
	v16 =	vld [tilespmem:$0x67E0]  }
0x86: {  	v4 =	vadd.f32 v20, v4;
	v5 =	vadd.f32 v21, v5;
	v17 =	vld [tilespmem:$0x67F0];
	[tilespmem:s19], [sflag:$0x4] =	stream.indirect.gather [hbm4b:s3+s8], $0x1, s0, s8, $0xb8  }
0x87: {  	v6 =	vadd.f32 v22, v6;
	v7 =	vadd.f32 v23, v7  }
0x88: {  	v8 =	vadd.f32 v24, v8;
	v9 =	vadd.f32 v25, v9;
	[tilespmem:s20], [sflag:$0x4] =	stream.indirect.gather [hbm4b:s4+s8], $0x1, s0, s8, $0xb8;
	[tilespmem:$0x6900] =	vst v63  }
0x89: {  	v10 =	vadd.f32 v26, v10;
	v11 =	vadd.f32 v27, v11;
	_ =	swait.ge [sflag:s1], $0x80  }
0x8a: {  	v12 =	vadd.f32 v28, v12;
	v13 =	vadd.f32 v29, v13;
	[sflag:s1] =	ssyncset.done $0x0  }
0x8b: {  	v14 =	vadd.f32 v30, v14;
	v15 =	vadd.f32 v31, v15;
	[sflag:s1] =	ssyncadd.s32 $0xFFFFFF80  }
0x8c: {  	v0 =	vadd.f32 v32, v0;
	v1 =	vadd.f32 v33, v1;
	_ =	swait.ge [sflag:s1], $0x80  }
0x8d: {  	v2 =	vadd.f32 v34, v2;
	v3 =	vadd.f32 v35, v3;
	[sflag:s1] =	ssyncset.done $0x0  }
0x8e: {  	v4 =	vadd.f32 v36, v4;
	v5 =	vadd.f32 v37, v5;
	[sflag:s1] =	ssyncadd.s32 $0xFFFFFF80  }
0x8f: {  	v6 =	vadd.f32 v38, v6;
	v7 =	vadd.f32 v39, v7;
	v62 =	vld [tilespmem:$0x6800]  }
0x90: {  	v8 =	vadd.f32 v40, v8;
	v9 =	vadd.f32 v41, v9;
	v63 =	vld [tilespmem:$0x6810]  }
0x91: {  	v10 =	vadd.f32 v42, v10;
	v11 =	vadd.f32 v43, v11;
	v40 =	vld [tilespmem:$0x6820]  }
0x92: {  	v12 =	vadd.f32 v44, v12;
	v13 =	vadd.f32 v45, v13;
	v41 =	vld [tilespmem:$0x6830]  }
0x93: {  	v14 =	vadd.f32 v46, v14;
	v15 =	vadd.f32 v47, v15;
	v42 =	vld [tilespmem:$0x6840]  }
0x94: {  	v0 =	vadd.f32 v48, v0;
	v1 =	vadd.f32 v49, v1;
	v43 =	vld [tilespmem:$0x6850]  }
0x95: {  	v2 =	vadd.f32 v50, v2;
	v3 =	vadd.f32 v51, v3;
	v44 =	vld [tilespmem:$0x6860]  }
0x96: {  	v4 =	vadd.f32 v52, v4;
	v5 =	vadd.f32 v53, v5;
	v45 =	vld [tilespmem:$0x6870]  }
0x97: {  	v6 =	vadd.f32 v54, v6;
	v7 =	vadd.f32 v55, v7;
	v46 =	vld [tilespmem:$0x6880]  }
0x98: {  	v47 =	vadd.f32 v56, v8;
	v48 =	vadd.f32 v57, v9;
	v49 =	vld [tilespmem:$0x6890]  }
0x99: {  	v50 =	vadd.f32 v58, v10;
	v51 =	vadd.f32 v59, v11;
	v52 =	vld [tilespmem:$0x68A0]  }
0x9a: {  	v53 =	vadd.f32 v60, v12;
	v54 =	vadd.f32 v61, v13;
	v55 =	vld [tilespmem:$0x68B0]  }
0x9b: {  	v16 =	vadd.f32 v16, v14;
	v17 =	vadd.f32 v17, v15;
	v56 =	vld [tilespmem:$0x68C0]  }
0x9c: {  	v58 =	vld [tilespmem:$0x68E0];
	v15 =	vadd.f32 v62, v0;
	v14 =	vadd.f32 v63, v1  }
0x9d: {  	v59 =	vld [tilespmem:$0x68F0];
	v13 =	vadd.f32 v40, v2;
	v12 =	vadd.f32 v41, v3  }
0x9e: {  	v57 =	vld [tilespmem:$0x68D0];
	v11 =	vadd.f32 v42, v4;
	v10 =	vadd.f32 v43, v5  }
0x9f: {  	[tilespmem:s22], [sflag:$0x5] =	stream.indirect.gather [hbm4b:s3+s8], $0x1, s9, s8, $0xb8;
	v9 =	vadd.f32 v44, v6;
	v8 =	vadd.f32 v45, v7;
	[tilespmem:$0x6900] =	vst v63  }
0xa0: {  	v7 =	vadd.f32 v46, v47;
	v62 =	vadd.f32 v52, v50  }
0xa1: {  	[tilespmem:s23], [sflag:$0x5] =	stream.indirect.gather [hbm4b:s4+s8], $0x1, s9, s8, $0xb8;
	v6 =	vadd.f32 v49, v48;
	v63 =	vadd.f32 v55, v51;
	[tilespmem:$0x6900] =	vst v63  }
0xa2: {  	v61 =	vadd.f32 v58, v16;
	v60 =	vadd.f32 v59, v17;
	[tilespmem:$0x1FFE0] =	vst v62  }
0xa3: {  	s5 =	simm.s32 $0xFFFE8400;
	[tilespmem:$0x1FFF0] =	vst v63;
	v63 =	vadd.f32 v56, v53;
	v62 =	vadd.f32 v57, v54  }
.LBB2_2:
0xa4: {  	_ =	swait.ge [sflag:s24], $0x80  }
0xa5: {  	[sflag:s24] =	ssyncset.done $0x0  }
0xa6: {  	[sflag:s24] =	ssyncadd.s32 $0xFFFFFF80  }
0xa7: {  	_ =	swait.ge [sflag:s24], $0x80  }
0xa8: {  	[sflag:s24] =	ssyncset.done $0x0  }
0xa9: {  	[sflag:s24] =	ssyncadd.s32 $0xFFFFFF80  }
0xaa: {  	v16 =	vld [tilespmem:$0x6400]  }
0xab: {  	v17 =	vld [tilespmem:$0x6410]  }
0xac: {  	v18 =	vld [tilespmem:$0x6420]  }
0xad: {  	v19 =	vld [tilespmem:$0x6430]  }
0xae: {  	v20 =	vld [tilespmem:$0x6440]  }
0xaf: {  	v21 =	vld [tilespmem:$0x6450]  }
0xb0: {  	v22 =	vld [tilespmem:$0x6460]  }
0xb1: {  	v23 =	vld [tilespmem:$0x6470]  }
0xb2: {  	v24 =	vld [tilespmem:$0x6480]  }
0xb3: {  	v25 =	vld [tilespmem:$0x6490]  }
0xb4: {  	v26 =	vld [tilespmem:$0x64A0]  }
0xb5: {  	v27 =	vld [tilespmem:$0x64B0]  }
0xb6: {  	v28 =	vld [tilespmem:$0x64C0]  }
0xb7: {  	s6 =	sshra.s32 s5, $0x2;
	v29 =	vld [tilespmem:$0x64D0]  }
0xb8: {  	s7 =	sadd.s32 $0x6400, s6;
	v30 =	vld [tilespmem:$0x64E0]  }
0xb9: {  	v31 =	vld [tilespmem:$0x64F0];
	[tilespmem:s11], [sflag:$0x1] =	stream.indirect.gather [hbm4b:s3+s8], $0x1, s7, s8, $0xb8  }
0xba: {  	_ = 	snop  }
0xbb: {  	[tilespmem:s12], [sflag:$0x1] =	stream.indirect.gather [hbm4b:s4+s8], $0x1, s7, s8, $0xb8;
	[tilespmem:$0x6900] =	vst v63  }
0xbc: {  	_ =	swait.ge [sflag:s26], $0x80  }
0xbd: {  	[sflag:s26] =	ssyncset.done $0x0  }
0xbe: {  	[sflag:s26] =	ssyncadd.s32 $0xFFFFFF80  }
0xbf: {  	_ =	swait.ge [sflag:s26], $0x80  }
0xc0: {  	[sflag:s26] =	ssyncset.done $0x0  }
0xc1: {  	[sflag:s26] =	ssyncadd.s32 $0xFFFFFF80  }
0xc2: {  	v32 =	vld [tilespmem:$0x6500]  }
0xc3: {  	v33 =	vld [tilespmem:$0x6510]  }
0xc4: {  	v34 =	vld [tilespmem:$0x6520]  }
0xc5: {  	v35 =	vld [tilespmem:$0x6530]  }
0xc6: {  	v36 =	vld [tilespmem:$0x6540]  }
0xc7: {  	v37 =	vld [tilespmem:$0x6550]  }
0xc8: {  	v38 =	vld [tilespmem:$0x6560]  }
0xc9: {  	v39 =	vld [tilespmem:$0x6570]  }
0xca: {  	v40 =	vld [tilespmem:$0x6580]  }
0xcb: {  	v41 =	vld [tilespmem:$0x6590]  }
0xcc: {  	v42 =	vld [tilespmem:$0x65A0]  }
0xcd: {  	v43 =	vld [tilespmem:$0x65B0]  }
0xce: {  	v46 =	vld [tilespmem:$0x65C0]  }
0xcf: {  	v0 =	vld [tilespmem:$0x65E0]  }
0xd0: {  	s7 =	sadd.s32 $0x6480, s6;
	v59 =	vld [tilespmem:$0x65F0]  }
0xd1: {  	v47 =	vld [tilespmem:$0x65D0];
	[tilespmem:s13], [sflag:$0x2] =	stream.indirect.gather [hbm4b:s3+s8], $0x1, s7, s8, $0xb8  }
0xd2: {  	_ = 	snop  }
0xd3: {  	[tilespmem:s14], [sflag:$0x2] =	stream.indirect.gather [hbm4b:s4+s8], $0x1, s7, s8, $0xb8;
	[tilespmem:$0x6900] =	vst v63  }
0xd4: {  	[tilespmem:$0x1FFA0] =	vst v0  }
0xd5: {  	[tilespmem:$0x1FFB0] =	vst v59  }
0xd6: {  	_ =	swait.ge [sflag:s29], $0x80  }
0xd7: {  	[sflag:s29] =	ssyncset.done $0x0  }
0xd8: {  	[sflag:s29] =	ssyncadd.s32 $0xFFFFFF80  }
0xd9: {  	_ =	swait.ge [sflag:s29], $0x80  }
0xda: {  	[sflag:s29] =	ssyncset.done $0x0  }
0xdb: {  	[sflag:s29] =	ssyncadd.s32 $0xFFFFFF80  }
0xdc: {  	v48 =	vld [tilespmem:$0x6600]  }
0xdd: {  	v49 =	vld [tilespmem:$0x6610]  }
0xde: {  	v50 =	vld [tilespmem:$0x6620]  }
0xdf: {  	v51 =	vld [tilespmem:$0x6630]  }
0xe0: {  	v52 =	vld [tilespmem:$0x6640]  }
0xe1: {  	v53 =	vld [tilespmem:$0x6650]  }
0xe2: {  	v54 =	vld [tilespmem:$0x6660]  }
0xe3: {  	v55 =	vld [tilespmem:$0x6670]  }
0xe4: {  	v0 =	vld [tilespmem:$0x66E0]  }
0xe5: {  	v56 =	vld [tilespmem:$0x6680]  }
0xe6: {  	v57 =	vld [tilespmem:$0x6690]  }
0xe7: {  	v58 =	vld [tilespmem:$0x66A0]  }
0xe8: {  	v59 =	vld [tilespmem:$0x66B0]  }
0xe9: {  	[tilespmem:$0x1FFC0] =	vst v0;
	v0 =	vld [tilespmem:$0x66F0]  }
0xea: {  	s7 =	sadd.s32 $0x6500, s6;
	v44 =	vld [tilespmem:$0x66C0]  }
0xeb: {  	v45 =	vld [tilespmem:$0x66D0];
	[tilespmem:s16], [sflag:$0x3] =	stream.indirect.gather [hbm4b:s3+s8], $0x1, s7, s8, $0xb8  }
0xec: {  	_ = 	snop  }
0xed: {  	[tilespmem:s17], [sflag:$0x3] =	stream.indirect.gather [hbm4b:s4+s8], $0x1, s7, s8, $0xb8;
	[tilespmem:$0x6900] =	vst v63  }
0xee: {  	[tilespmem:$0x1FFD0] =	vst v0  }
0xef: {  	_ =	swait.ge [sflag:s31], $0x80  }
0xf0: {  	[sflag:s31] =	ssyncset.done $0x0  }
0xf1: {  	[sflag:s31] =	ssyncadd.s32 $0xFFFFFF80  }
0xf2: {  	_ =	swait.ge [sflag:s31], $0x80  }
0xf3: {  	[sflag:s31] =	ssyncset.done $0x0  }
0xf4: {  	v6 =	vadd.f32 v25, v6;
	v25 =	vld [tilespmem:$0x1FFE0];
	[sflag:s31] =	ssyncadd.s32 $0xFFFFFF80  }
0xf5: {  	v0 =	vld [tilespmem:$0x6700]  }
0xf6: {  	v1 =	vld [tilespmem:$0x6710]  }
0xf7: {  	v2 =	vld [tilespmem:$0x6720]  }
0xf8: {  	v3 =	vld [tilespmem:$0x6730]  }
0xf9: {  	v4 =	vld [tilespmem:$0x6740]  }
0xfa: {  	v5 =	vld [tilespmem:$0x6750]  }
0xfb: {  	v15 =	vadd.f32 v16, v15;
	v16 =	vld [tilespmem:$0x6760]  }
0xfc: {  	v14 =	vadd.f32 v17, v14;
	v13 =	vadd.f32 v18, v13;
	v17 =	vld [tilespmem:$0x6770]  }
0xfd: {  	v12 =	vadd.f32 v19, v12;
	v11 =	vadd.f32 v20, v11;
	v18 =	vld [tilespmem:$0x6780]  }
0xfe: {  	v10 =	vadd.f32 v21, v10;
	v9 =	vadd.f32 v22, v9;
	v19 =	vld [tilespmem:$0x6790]  }
0xff: {  	v8 =	vadd.f32 v23, v8;
	v7 =	vadd.f32 v24, v7;
	v20 =	vld [tilespmem:$0x67A0]  }
0x100: {  	v24 =	vadd.f32 v28, v63;
	v21 =	vadd.f32 v26, v25;
	v26 =	vld [tilespmem:$0x1FFF0]  }
0x101: {  	v63 =	vadd.f32 v31, v60;
	v15 =	vadd.f32 v32, v15;
	v23 =	vld [tilespmem:$0x67B0]  }
0x102: {  	v14 =	vadd.f32 v33, v14;
	v13 =	vadd.f32 v34, v13;
	v31 =	vld [tilespmem:$0x67F0]  }
0x103: {  	v12 =	vadd.f32 v35, v12;
	v25 =	vadd.f32 v29, v62;
	v29 =	vld [tilespmem:$0x67D0]  }
0x104: {  	v11 =	vadd.f32 v36, v11;
	s7 =	sadd.s32 $0x6580, s6;
	v62 =	vadd.f32 v30, v61;
	v30 =	vld [tilespmem:$0x67E0]  }
0x105: {  	v10 =	vadd.f32 v37, v10;
	v22 =	vadd.f32 v27, v26;
	v26 =	vld [tilespmem:$0x67C0];
	[tilespmem:s19], [sflag:$0x4] =	stream.indirect.gather [hbm4b:s3+s8], $0x1, s7, s8, $0xb8  }
0x106: {  	v9 =	vadd.f32 v38, v9;
	v8 =	vadd.f32 v39, v8  }
0x107: {  	v7 =	vadd.f32 v40, v7;
	v6 =	vadd.f32 v41, v6;
	[tilespmem:s20], [sflag:$0x4] =	stream.indirect.gather [hbm4b:s4+s8], $0x1, s7, s8, $0xb8;
	[tilespmem:$0x6900] =	vst v63  }
0x108: {  	v24 =	vadd.f32 v46, v24;
	v15 =	vadd.f32 v48, v15;
	_ =	swait.ge [sflag:s1], $0x80  }
0x109: {  	v14 =	vadd.f32 v49, v14;
	v13 =	vadd.f32 v50, v13;
	[sflag:s1] =	ssyncset.done $0x0  }
0x10a: {  	v12 =	vadd.f32 v51, v12;
	v11 =	vadd.f32 v52, v11;
	v46 =	vld [tilespmem:$0x1FFA0];
	[sflag:s1] =	ssyncadd.s32 $0xFFFFFF80  }
0x10b: {  	v10 =	vadd.f32 v53, v10;
	v25 =	vadd.f32 v47, v25;
	v47 =	vld [tilespmem:$0x1FFB0];
	_ =	swait.ge [sflag:s1], $0x80  }
0x10c: {  	v9 =	vadd.f32 v54, v9;
	v21 =	vadd.f32 v42, v21;
	[sflag:s1] =	ssyncset.done $0x0;
	v42 =	vld [tilespmem:$0x1FFC0]  }
0x10d: {  	v8 =	vadd.f32 v55, v8;
	v22 =	vadd.f32 v43, v22;
	v43 =	vld [tilespmem:$0x1FFD0];
	[sflag:s1] =	ssyncadd.s32 $0xFFFFFF80  }
0x10e: {  	v7 =	vadd.f32 v56, v7;
	v6 =	vadd.f32 v57, v6;
	v60 =	vld [tilespmem:$0x6800]  }
0x10f: {  	v24 =	vadd.f32 v44, v24;
	v0 =	vadd.f32 v0, v15;
	v61 =	vld [tilespmem:$0x6810]  }
0x110: {  	v1 =	vadd.f32 v1, v14;
	v27 =	vadd.f32 v46, v62;
	v62 =	vld [tilespmem:$0x6820]  }
0x111: {  	v2 =	vadd.f32 v2, v13;
	v28 =	vadd.f32 v47, v63;
	v63 =	vld [tilespmem:$0x6830]  }
0x112: {  	v3 =	vadd.f32 v3, v12;
	v4 =	vadd.f32 v4, v11;
	v44 =	vld [tilespmem:$0x6840]  }
0x113: {  	v5 =	vadd.f32 v5, v10;
	v25 =	vadd.f32 v45, v25;
	v45 =	vld [tilespmem:$0x6850]  }
0x114: {  	v9 =	vadd.f32 v16, v9;
	v21 =	vadd.f32 v58, v21;
	v46 =	vld [tilespmem:$0x6860]  }
0x115: {  	v8 =	vadd.f32 v17, v8;
	v7 =	vadd.f32 v18, v7;
	v47 =	vld [tilespmem:$0x6870]  }
0x116: {  	v6 =	vadd.f32 v19, v6;
	v48 =	vadd.f32 v20, v21;
	v16 =	vld [tilespmem:$0x6880]  }
0x117: {  	v52 =	vadd.f32 v29, v25;
	v22 =	vadd.f32 v59, v22;
	v17 =	vld [tilespmem:$0x6890]  }
0x118: {  	v50 =	vld [tilespmem:$0x68A0];
	v27 =	vadd.f32 v42, v27;
	v28 =	vadd.f32 v43, v28  }
0x119: {  	v51 =	vadd.f32 v26, v24;
	v49 =	vadd.f32 v23, v22;
	v53 =	vld [tilespmem:$0x68B0]  }
0x11a: {  	v56 =	vld [tilespmem:$0x68C0];
	v54 =	vadd.f32 v30, v27;
	v55 =	vadd.f32 v31, v28  }
0x11b: {  	v57 =	vld [tilespmem:$0x68D0];
	v15 =	vadd.f32 v60, v0;
	v14 =	vadd.f32 v61, v1  }
0x11c: {  	v58 =	vld [tilespmem:$0x68E0];
	v13 =	vadd.f32 v62, v2;
	v12 =	vadd.f32 v63, v3  }
0x11d: {  	p0 =	sne.s32 s5, $0xFFFFF600;
	v59 =	vld [tilespmem:$0x68F0];
	v11 =	vadd.f32 v44, v4;
	v10 =	vadd.f32 v45, v5  }
.Ltmp0:
0x11e: {  	s6 =	sadd.s32 $0x6600, s6;
	v9 =	vadd.f32 v46, v9;
	v62 =	vadd.f32 v50, v48;
	(pc) =	sbr.rel @p0 .LBB2_2-.Ltmp0, $4  }
0x11f: {  	[tilespmem:s22], [sflag:$0x5] =	stream.indirect.gather [hbm4b:s3+s8], $0x1, s6, s8, $0xb8;
	v8 =	vadd.f32 v47, v8;
	v63 =	vadd.f32 v53, v49;
	[tilespmem:$0x6900] =	vst v63  }
0x120: {  	v7 =	vadd.f32 v16, v7;
	v6 =	vadd.f32 v17, v6;
	[tilespmem:$0x1FFE0] =	vst v62  }
0x121: {  	s5 =	sadd.s32 $0xA00, s5;
	[tilespmem:$0x1FFF0] =	vst v63;
	v63 =	vadd.f32 v56, v51;
	v62 =	vadd.f32 v57, v52  }
0x122: {  	[tilespmem:s23], [sflag:$0x5] =	stream.indirect.gather [hbm4b:s4+s8], $0x1, s6, s8, $0xb8;
	v61 =	vadd.f32 v58, v54;
	v60 =	vadd.f32 v59, v55;
	[tilespmem:$0x6900] =	vst v63  }
0x123: {  	_ =	swait.ge [sflag:s24], $0x80  }
0x124: {  	[sflag:s24] =	ssyncset.done $0x0  }
0x125: {  	[sflag:s24] =	ssyncadd.s32 $0xFFFFFF80  }
0x126: {  	_ =	swait.ge [sflag:s24], $0x80  }
0x127: {  	[sflag:s24] =	ssyncset.done $0x0  }
0x128: {  	[sflag:s24] =	ssyncadd.s32 $0xFFFFFF80  }
0x129: {  	v0 =	vld [tilespmem:$0x6400]  }
0x12a: {  	v1 =	vld [tilespmem:$0x6410]  }
0x12b: {  	v2 =	vld [tilespmem:$0x6420]  }
0x12c: {  	v3 =	vld [tilespmem:$0x6430]  }
0x12d: {  	v4 =	vld [tilespmem:$0x6440]  }
0x12e: {  	v5 =	vld [tilespmem:$0x6450]  }
0x12f: {  	v16 =	vld [tilespmem:$0x6460]  }
0x130: {  	v17 =	vld [tilespmem:$0x6470]  }
0x131: {  	v18 =	vld [tilespmem:$0x6480]  }
0x132: {  	v19 =	vld [tilespmem:$0x6490]  }
0x133: {  	v20 =	vld [tilespmem:$0x64A0]  }
0x134: {  	v21 =	vld [tilespmem:$0x64B0]  }
0x135: {  	v22 =	vld [tilespmem:$0x64C0]  }
0x136: {  	v23 =	vld [tilespmem:$0x64D0]  }
0x137: {  	v24 =	vld [tilespmem:$0x64E0]  }
0x138: {  	v25 =	vld [tilespmem:$0x64F0];
	_ =	swait.ge [sflag:s26], $0x80  }
0x139: {  	[sflag:s26] =	ssyncset.done $0x0  }
0x13a: {  	[sflag:s26] =	ssyncadd.s32 $0xFFFFFF80  }
0x13b: {  	_ =	swait.ge [sflag:s26], $0x80  }
0x13c: {  	[sflag:s26] =	ssyncset.done $0x0  }
0x13d: {  	[sflag:s26] =	ssyncadd.s32 $0xFFFFFF80  }
0x13e: {  	v26 =	vld [tilespmem:$0x6500]  }
0x13f: {  	v27 =	vld [tilespmem:$0x6510]  }
0x140: {  	v28 =	vld [tilespmem:$0x6520]  }
0x141: {  	v29 =	vld [tilespmem:$0x6530]  }
0x142: {  	v30 =	vld [tilespmem:$0x6540]  }
0x143: {  	v31 =	vld [tilespmem:$0x6550]  }
0x144: {  	v32 =	vld [tilespmem:$0x6560]  }
0x145: {  	v33 =	vld [tilespmem:$0x6570]  }
0x146: {  	v34 =	vld [tilespmem:$0x6580]  }
0x147: {  	v35 =	vld [tilespmem:$0x6590]  }
0x148: {  	v36 =	vld [tilespmem:$0x65A0]  }
0x149: {  	v37 =	vld [tilespmem:$0x65B0]  }
0x14a: {  	v38 =	vld [tilespmem:$0x65C0]  }
0x14b: {  	v39 =	vld [tilespmem:$0x65D0]  }
0x14c: {  	v40 =	vld [tilespmem:$0x65E0]  }
0x14d: {  	v41 =	vld [tilespmem:$0x65F0];
	_ =	swait.ge [sflag:s29], $0x80  }
0x14e: {  	[sflag:s29] =	ssyncset.done $0x0  }
0x14f: {  	[sflag:s29] =	ssyncadd.s32 $0xFFFFFF80  }
0x150: {  	_ =	swait.ge [sflag:s29], $0x80  }
0x151: {  	[sflag:s29] =	ssyncset.done $0x0  }
0x152: {  	[sflag:s29] =	ssyncadd.s32 $0xFFFFFF80  }
0x153: {  	v42 =	vld [tilespmem:$0x6600]  }
0x154: {  	v43 =	vld [tilespmem:$0x6610]  }
0x155: {  	v44 =	vld [tilespmem:$0x6620]  }
0x156: {  	v45 =	vld [tilespmem:$0x6630]  }
0x157: {  	v46 =	vld [tilespmem:$0x6640]  }
0x158: {  	v47 =	vld [tilespmem:$0x6650]  }
0x159: {  	v48 =	vld [tilespmem:$0x6660]  }
0x15a: {  	v49 =	vld [tilespmem:$0x6670]  }
0x15b: {  	v50 =	vld [tilespmem:$0x6680]  }
0x15c: {  	v51 =	vld [tilespmem:$0x6690]  }
0x15d: {  	v52 =	vld [tilespmem:$0x66A0]  }
0x15e: {  	v53 =	vld [tilespmem:$0x66B0]  }
0x15f: {  	v54 =	vld [tilespmem:$0x66C0]  }
0x160: {  	v55 =	vld [tilespmem:$0x66D0]  }
0x161: {  	v56 =	vld [tilespmem:$0x66E0]  }
0x162: {  	v57 =	vld [tilespmem:$0x66F0];
	_ =	swait.ge [sflag:s31], $0x80  }
0x163: {  	[sflag:s31] =	ssyncset.done $0x0  }
0x164: {  	[sflag:s31] =	ssyncadd.s32 $0xFFFFFF80  }
0x165: {  	_ =	swait.ge [sflag:s31], $0x80  }
0x166: {  	[sflag:s31] =	ssyncset.done $0x0  }
0x167: {  	v6 =	vadd.f32 v19, v6;
	v19 =	vld [tilespmem:$0x1FFE0];
	[sflag:s31] =	ssyncadd.s32 $0xFFFFFF80  }
0x168: {  	v58 =	vld [tilespmem:$0x6700]  }
0x169: {  	v0 =	vadd.f32 v0, v15;
	v1 =	vadd.f32 v1, v14;
	v59 =	vld [tilespmem:$0x6710]  }
0x16a: {  	v2 =	vadd.f32 v2, v13;
	v3 =	vadd.f32 v3, v12;
	v14 =	vld [tilespmem:$0x6720]  }
0x16b: {  	v4 =	vadd.f32 v4, v11;
	v5 =	vadd.f32 v5, v10;
	v12 =	vld [tilespmem:$0x6730]  }
0x16c: {  	v9 =	vadd.f32 v16, v9;
	v8 =	vadd.f32 v17, v8;
	v10 =	vld [tilespmem:$0x6740]  }
0x16d: {  	v7 =	vadd.f32 v18, v7;
	v18 =	vadd.f32 v22, v63;
	v11 =	vld [tilespmem:$0x6750]  }
0x16e: {  	v22 =	vadd.f32 v25, v60;
	v0 =	vadd.f32 v26, v0;
	v13 =	vld [tilespmem:$0x6760]  }
0x16f: {  	v1 =	vadd.f32 v27, v1;
	v2 =	vadd.f32 v28, v2;
	v17 =	vld [tilespmem:$0x6770]  }
0x170: {  	v3 =	vadd.f32 v29, v3;
	v4 =	vadd.f32 v30, v4;
	v25 =	vld [tilespmem:$0x67B0]  }
0x171: {  	v5 =	vadd.f32 v31, v5;
	v15 =	vadd.f32 v20, v19;
	v20 =	vld [tilespmem:$0x1FFF0]  }
0x172: {  	v9 =	vadd.f32 v32, v9;
	v8 =	vadd.f32 v33, v8;
	v60 =	vld [tilespmem:$0x67C0]  }
0x173: {  	v7 =	vadd.f32 v34, v7;
	v6 =	vadd.f32 v35, v6;
	v63 =	vld [tilespmem:$0x67F0]  }
0x174: {  	v18 =	vadd.f32 v38, v18;
	v19 =	vadd.f32 v23, v62;
	v23 =	vld [tilespmem:$0x6790]  }
0x175: {  	v22 =	vadd.f32 v41, v22;
	v0 =	vadd.f32 v42, v0;
	v62 =	vld [tilespmem:$0x67E0]  }
0x176: {  	v1 =	vadd.f32 v43, v1;
	v16 =	vadd.f32 v21, v20;
	v20 =	vld [tilespmem:$0x6780]  }
0x177: {  	v2 =	vadd.f32 v44, v2;
	v21 =	vadd.f32 v24, v61;
	v24 =	vld [tilespmem:$0x67A0]  }
0x178: {  	v3 =	vadd.f32 v45, v3;
	v4 =	vadd.f32 v46, v4;
	v61 =	vld [tilespmem:$0x67D0];
	_ =	swait.ge [sflag:s1], $0x80  }
0x179: {  	v5 =	vadd.f32 v47, v5;
	v9 =	vadd.f32 v48, v9;
	[sflag:s1] =	ssyncset.done $0x0  }
0x17a: {  	v8 =	vadd.f32 v49, v8;
	v7 =	vadd.f32 v50, v7;
	[sflag:s1] =	ssyncadd.s32 $0xFFFFFF80  }
0x17b: {  	v6 =	vadd.f32 v51, v6;
	v18 =	vadd.f32 v54, v18;
	_ =	swait.ge [sflag:s1], $0x80  }
0x17c: {  	v22 =	vadd.f32 v57, v22;
	v15 =	vadd.f32 v36, v15;
	[sflag:s1] =	ssyncset.done $0x0  }
0x17d: {  	v19 =	vadd.f32 v39, v19;
	v0 =	vadd.f32 v58, v0;
	[sflag:s1] =	ssyncadd.s32 $0xFFFFFF80  }
0x17e: {  	v1 =	vadd.f32 v59, v1;
	v2 =	vadd.f32 v14, v2;
	v36 =	vld [tilespmem:$0x6800]  }
0x17f: {  	v3 =	vadd.f32 v12, v3;
	v16 =	vadd.f32 v37, v16;
	v37 =	vld [tilespmem:$0x6810]  }
0x180: {  	v4 =	vadd.f32 v10, v4;
	v44 =	vadd.f32 v11, v5;
	v38 =	vld [tilespmem:$0x6820]  }
0x181: {  	v46 =	vadd.f32 v13, v9;
	v48 =	vadd.f32 v17, v8;
	v39 =	vld [tilespmem:$0x6830]  }
0x182: {  	v58 =	vadd.f32 v60, v18;
	v21 =	vadd.f32 v40, v21;
	v40 =	vld [tilespmem:$0x6840]  }
0x183: {  	v19 =	vadd.f32 v55, v19;
	v57 =	vld [tilespmem:$0x68E0];
	v0 =	vadd.f32 v36, v0  }
0x184: {  	v21 =	vadd.f32 v56, v21;
	v41 =	vld [tilespmem:$0x6850];
	v1 =	vadd.f32 v37, v1  }
0x185: {  	v60 =	vadd.f32 v61, v19;
	v42 =	vld [tilespmem:$0x6860];
	v2 =	vadd.f32 v38, v2;
	[tilespmem:$0x6400] =	vst v0  }
0x186: {  	v43 =	vld [tilespmem:$0x6870];
	v61 =	vadd.f32 v62, v21;
	v3 =	vadd.f32 v39, v3;
	[tilespmem:$0x6410] =	vst v1  }
0x187: {  	v15 =	vadd.f32 v52, v15;
	v45 =	vld [tilespmem:$0x6880];
	v4 =	vadd.f32 v40, v4;
	[tilespmem:$0x6420] =	vst v2  }
0x188: {  	v47 =	vld [tilespmem:$0x6890];
	v62 =	vadd.f32 v63, v22;
	v63 =	vadd.f32 v57, v61;
	[tilespmem:$0x6430] =	vst v3  }
0x189: {  	v52 =	vadd.f32 v23, v6;
	v49 =	vld [tilespmem:$0x68A0];
	v0 =	vadd.f32 v41, v44;
	[tilespmem:$0x6440] =	vst v4  }
0x18a: {  	v50 =	vadd.f32 v20, v7;
	v51 =	vld [tilespmem:$0x68B0];
	v1 =	vadd.f32 v42, v46;
	[tilespmem:$0x64E0] =	vst v63  }
0x18b: {  	v16 =	vadd.f32 v53, v16;
	v53 =	vld [tilespmem:$0x68C0];
	v2 =	vadd.f32 v43, v48;
	[tilespmem:$0x6450] =	vst v0  }
0x18c: {  	v54 =	vadd.f32 v24, v15;
	v55 =	vld [tilespmem:$0x68D0];
	v3 =	vadd.f32 v45, v50;
	[tilespmem:$0x6460] =	vst v1  }
0x18d: {  	v56 =	vadd.f32 v25, v16;
	v59 =	vld [tilespmem:$0x68F0];
	v4 =	vadd.f32 v47, v52;
	[tilespmem:$0x6470] =	vst v2  }
0x18e: {  	v0 =	vadd.f32 v49, v54;
	[tilespmem:$0x6480] =	vst v3  }
0x18f: {  	v1 =	vadd.f32 v51, v56;
	[tilespmem:$0x6490] =	vst v4  }
0x190: {  	v2 =	vadd.f32 v53, v58;
	[tilespmem:$0x64A0] =	vst v0  }
0x191: {  	v3 =	vadd.f32 v55, v60;
	[tilespmem:$0x64B0] =	vst v1  }
0x192: {  	[tilespmem:$0x64C0] =	vst v2;
	v0 =	vadd.f32 v59, v62  }
0x193: {  	[tilespmem:$0x64D0] =	vst v3  }
0x194: {  	s6 =	simm.s32 $0x1000;
	s5 =	rddreg [dreg:$0x3];
	[tilespmem:$0x64F0] =	vst v0  }
0x195: {  	[hbm4b:s5+s8] =	stream.strided.scatter [tilespmem:s11], [sflag:$0x6], $0x100, s6, s8, $0x38;
	[tilespmem:$0x6900] =	vst v63  }
0x196: {  	_ =	swait.ge [sflag:s10], $0x100  }
0x197: {  	s15 =	sadd.s32 $0x1, s15;
	s7 =	rddreg [dreg:$0x4]  }
0x198: {  	p0 =	sne.s32 s15, s7  }
.Ltmp1:
0x199: {  	_ = 	snop;
	(pc) =	sbr.rel @p0 .LBB2_1-.Ltmp1, $3  }
0x19a: {  	_ =	sdelay $0x1  }
0x19b: {  	[sflag:s10] =	ssyncset.done $0x0  }
0x19c: {  	[sflag:s10] =	ssyncadd.s32 $0xFFFFFF00  }
0x19d: {  	_ =	sfence.sel $0x180000  }
0x19e: {  	[bflag:$0x0] =	sbarrier.arrive $0xFFFF  }
0x19f: {  	_ =	strace $0x90000047  }
0x1a0: {  	s0 =	stileid.u32;
	[bflag:$0x2] =	sbarrier.arrive $0xFFFF  }
0x1a1: {  	p0 =	sne.s32 s0, $0x0;
	s0 =	rddreg [dreg:$0x1]  }
0x1a2: {  	s0 =	sadd.s32 @!p0 $0x100000, s0  }
0x1a3: {  	[sflag:s0] =	ssyncadd.tile.s32 @!p0 $0x1;
	_ =	shalt  }
.Lfunc_end2:
_tile_overlayer_lowered:
.L_overlay_start_2:
0x1a4: {  	(tag) =	ssettag $0x2  }
0x1a5: {  	s0 =	rddreg [dreg:$0x0];
	s2 =	stileid.u32  }
0x1a6: {  	s1 =	rddreg [dreg:$0x1];
	p0 =	sne.s32 s2, $0x0  }
0x1a7: {  	s3 =	rddreg [dreg:$0x2];
	[bflag:$0x3] =	sbarrier.arrive $0xFFFF;
	s2 =	simm.s32 @!p0 $0x1C06  }
0x1a8: {  	[timem:s3], [sflag:s2] =	dma.local @!p0 [hbm:s0], s1  }
0x1a9: {  	s0 =	simm.s32 @!p0 $0x6  }
0x1aa: {  	_ =	swait.ge @!p0 [sflag:s0], s1  }
0x1ab: {  	s1 =	ssub.s32 @!p0 $0x0, s1;
	[sflag:s0] =	ssyncset.done @!p0 $0x0  }
0x1ac: {  	[sflag:s0] =	ssyncadd.s32 @!p0 s1  }
0x1ad: {  	[bflag:$0x3] =	sbarrier.arrive $0xFFFF  }
0x1ae: {  	_ =	shalt  }

</sc_bundles>
